<compile_context>
chip_gen: v7x
topology: tpu7x:2x2x1
jax: 0.10.2.dev20260603
libtpu: 0.0.44.dev20260713+nightly
codegen_flags: <defaults>
</compile_context>

<pallas_src>
import jax
import jax.numpy as jnp
from jax import lax
from jax.experimental import pallas as pl
from jax.experimental.pallas import tpu as pltpu
from jax.experimental.pallas import tpu_sc as plsc

NUM_LAYERS = 2
P = 512
NLEV = 16
OUT = 4096
SCALE = OUT // P
SLICING = 0.001

SC_CORES = 2
SC_SUBCORES = 16
SC_WORKERS = SC_CORES * SC_SUBCORES
ROWS_PER_TILE = P // SC_WORKERS
LANES = 16
CHUNKS = P // LANES


def _levels_body(logits_ref, u_ref, out_ref):
    lvl = lax.broadcasted_iota(jnp.int32, (P, NLEV), 1).astype(jnp.float32)
    for l in range(NUM_LAYERS):
        u = u_ref[l]
        g = -jnp.log(-jnp.log(u + 1e-20) + 1e-20)
        x = logits_ref[l] + g
        m = jnp.max(x, axis=1, keepdims=True)
        e = jnp.exp(x - m)
        s = jnp.sum(e, axis=1)
        w = jnp.sum(e * lvl, axis=1)
        out_ref[l, :] = w / s * SLICING


_levels_call = pl.pallas_call(
    _levels_body,
    out_shape=jax.ShapeDtypeStruct((NUM_LAYERS, P), jnp.float32),
)


def _gather_body(tab_hbm, idx_hbm, out_hbm, tab_v, idx_v, out_v):
    wid = lax.axis_index("s") * SC_CORES + lax.axis_index("c")
    rbase = wid * ROWS_PER_TILE
    pltpu.sync_copy(tab_hbm, tab_v)
    pltpu.sync_copy(idx_hbm.at[pl.ds(rbase, ROWS_PER_TILE)], idx_v)

    @plsc.parallel_loop(0, ROWS_PER_TILE, unroll=2)
    def row(j):
        for c in range(CHUNKS):
            iv = idx_v[j, pl.ds(c * LANES, LANES)]
            for l in range(NUM_LAYERS):
                vals = plsc.load_gather(tab_v, [iv] if l == 0 else [iv + l * P])
                out_v[l, j, pl.ds(c * LANES, LANES)] = vals
    for l in range(NUM_LAYERS):
        pltpu.sync_copy(out_v.at[l], out_hbm.at[l, pl.ds(rbase, ROWS_PER_TILE)])


_gather_call_cache = []


def _gather_call(tab, indices):
    if not _gather_call_cache:
        _gather_call_cache.append(pl.kernel(
            _gather_body,
            out_type=jax.ShapeDtypeStruct((NUM_LAYERS, P, P), jnp.float32),
            mesh=plsc.VectorSubcoreMesh(core_axis_name="c", subcore_axis_name="s"),
            compiler_params=pltpu.CompilerParams(needs_layout_passes=False),
            scratch_types=[
                pltpu.VMEM((NUM_LAYERS * P,), jnp.float32),
                pltpu.VMEM((ROWS_PER_TILE, P), jnp.int32),
                pltpu.VMEM((NUM_LAYERS, ROWS_PER_TILE, P), jnp.float32),
            ],
        ))
    return _gather_call_cache[0](tab, indices)


ROWS_BLK = P // SCALE


def _upsample_body(g_ref, out_ref, r_ref):
    @pl.when(jnp.logical_and(pl.program_id(0) == 0, pl.program_id(1) == 0))
    def _():
        cols = lax.broadcasted_iota(jnp.int32, (P, OUT), 1)
        rows = lax.broadcasted_iota(jnp.int32, (P, OUT), 0)
        r_ref[...] = ((cols // SCALE) == rows).astype(jnp.bfloat16)

    g = g_ref[0].astype(jnp.bfloat16)
    w = jnp.dot(g, r_ref[...], preferred_element_type=jnp.float32)
    out_ref[0] = jnp.broadcast_to(w[:, None, :], (ROWS_BLK, SCALE, OUT)).reshape(
        P, OUT)


_upsample_call = pl.pallas_call(
    _upsample_body,
    grid=(NUM_LAYERS, OUT // P),
    in_specs=[pl.BlockSpec((1, ROWS_BLK, P), lambda l, k: (l, k, 0))],
    out_specs=pl.BlockSpec((1, P, OUT), lambda l, k: (l, k, 0)),
    out_shape=jax.ShapeDtypeStruct((NUM_LAYERS, OUT, OUT), jnp.float32),
    scratch_shapes=[pltpu.VMEM((P, OUT), jnp.bfloat16)],
)


def kernel(logits, u, indices):
    tab = _levels_call(logits, u).reshape(NUM_LAYERS * P)
    small = _gather_call(tab, indices)
    big = _upsample_call(small)
    return big[None]

# --- scband reference (transcript-rebuilt; emitter-appended) ---
"""Pipeline reference for scband-doe-38379827757354 (READ-ONLY COPY).

The authoritative reference and input builder live on the scoring server;
editing this copy changes nothing except your own understanding.
"""

import jax, jax.numpy as jnp
import numpy as np
import math

DOE_LAYERS = 2
NUM_PARTITION = 512
DOE_NUM_LEVEL = 16
OUTPUT_SIZE = 4096
SLICING_DISTANCE = 0.001


def generate_mesh_mapping(doe_size):
    coord = np.linspace(-doe_size / 2.0, doe_size / 2.0, int(doe_size)).astype(np.float64)
    meshx, meshy = np.meshgrid(coord, coord, indexing='ij')
    meshrho = np.sqrt(meshx ** 2 + meshy ** 2)
    rho = math.sqrt(2) * np.arange(0, doe_size // 2, dtype=np.float64)
    distance = np.abs(meshrho[:, :, None] - rho[None, None, :])
    indices = np.argmin(distance, axis=2)
    return jnp.asarray(indices, dtype=jnp.int32)


def setup_inputs(seed: int = 0):
    key = jax.random.key(seed)
    k1, k2 = jax.random.split(key)
    logits = jax.random.uniform(k1, (DOE_LAYERS, NUM_PARTITION, DOE_NUM_LEVEL), dtype=jnp.float32)
    u = jax.random.uniform(k2, (DOE_LAYERS, NUM_PARTITION, DOE_NUM_LEVEL), dtype=jnp.float32)
    indices = generate_mesh_mapping(NUM_PARTITION)
    return {"logits": logits, "u": u, "indices": indices}


def reference(logits, u, indices):
    # gumbel_softmax(logits, tau=1, hard=False) with u as the uniform noise source
    eps = 1e-20
    gumbels = -jnp.log(-jnp.log(u + eps) + eps)
    sample_one_hot = jax.nn.softmax((logits + gumbels) / 1.0, axis=-1)
    level_logits = jnp.arange(0, DOE_NUM_LEVEL, dtype=sample_one_hot.dtype)
    # 1d DOE: expected level per radial partition
    doe_sample_1d = (sample_one_hot * level_logits[None, None, :]).sum(axis=-1)  # [L, P]
    # embedding-style gather: map radial profile to 2D image via precomputed indices
    doe_sample = doe_sample_1d[:, indices]  # [L, P, P]
    # nn.Upsample(scale_factor=OUTPUT_SIZE/P, mode='nearest') with integer scale == repeat
    scale = OUTPUT_SIZE // NUM_PARTITION
    up = jnp.repeat(jnp.repeat(doe_sample, scale, axis=1), scale, axis=2)
    out = up[None, :, :, :] * SLICING_DISTANCE  # [1, L, OUTPUT_SIZE, OUTPUT_SIZE]
    return out

if __name__ == "__main__":
    import jax
    _d = setup_inputs()
    print(jax.jit(kernel)(*tuple(_d.values())))

</pallas_src>

<mosaic_0001>
#map = affine_map<(d0, d1) -> (0)>
#map1 = affine_map<(d0, d1) -> (0, 0)>
#map2 = affine_map<(d0, d1) -> (0, 0, 0)>
module attributes {stable_mosaic.version = 14 : i64} {
  func.func @_gather_body(%arg0: i32, %arg1: i32, %arg2: memref<1024xf32, #tpu.memory_space<hbm>>, %arg3: memref<512x512xi32, #tpu.memory_space<hbm>>, %arg4: memref<2x512x512xf32, #tpu.memory_space<hbm>>, %arg5: memref<1024xf32, #tpu.memory_space<vmem>>, %arg6: memref<16x512xi32, #tpu.memory_space<vmem>>, %arg7: memref<2x16x512xf32, #tpu.memory_space<vmem>>) attributes {dimension_semantics = [#tpu.dimension_semantics<core_parallel>, #tpu.dimension_semantics<subcore_parallel>], iteration_bounds = array<i64: 2, 16>, scalar_prefetch = 0 : i64, scratch_operands = 3 : i64, tpu.core_type = #tpu.core_type<sc_vector_subcore>, window_params = [{transform_indices = #map}, {transform_indices = #map1}, {transform_indices = #map2}]} {
    %mul3A = arith.constant 2 : i32
    %mul3A_0 = arith.muli %arg1, %mul3A : i32
    %add3A = arith.addi %mul3A_0, %arg0 : i32
    %mul3A_1 = arith.constant 16 : i32
    %mul3A_2 = arith.muli %add3A, %mul3A_1 : i32
    "tpu.region"() ({
      %run_scoped3A_8 = tpu.sem_alloc : memref<!tpu.dma_semaphore, #tpu.memory_space<semaphore_mem>>
      tpu.enqueue_dma source(%arg2 : memref<1024xf32, #tpu.memory_space<hbm>>) target(%arg5 : memref<1024xf32, #tpu.memory_space<vmem>>) target_semaphore(%run_scoped3A_8 : memref<!tpu.dma_semaphore, #tpu.memory_space<semaphore_mem>>)
      tpu.wait_dma2 semaphore(%run_scoped3A_8 : memref<!tpu.dma_semaphore, #tpu.memory_space<semaphore_mem>>) src(%arg2 : memref<1024xf32, #tpu.memory_space<hbm>>) dst(%arg5 : memref<1024xf32, #tpu.memory_space<vmem>>)
      tpu.yield
    }) : () -> ()
    "tpu.region"() ({
      %run_scoped3A_8 = tpu.sem_alloc : memref<!tpu.dma_semaphore, #tpu.memory_space<semaphore_mem>>
      %dma_start3A = arith.constant 0 : i32
      %dma_start3A_9 = tpu.memref_slice %arg3[%mul3A_2, %dma_start3A] : memref<512x512xi32, #tpu.memory_space<hbm>> -> memref<16x512xi32, #tpu.memory_space<hbm>>
      %dma_start3A_10 = arith.constant 0 : i32
      %dma_start3A_11 = tpu.memref_slice %arg3[%mul3A_2, %dma_start3A_10] : memref<512x512xi32, #tpu.memory_space<hbm>> -> memref<16x512xi32, #tpu.memory_space<hbm>>
      tpu.enqueue_dma source(%dma_start3A_11 : memref<16x512xi32, #tpu.memory_space<hbm>>) target(%arg6 : memref<16x512xi32, #tpu.memory_space<vmem>>) target_semaphore(%run_scoped3A_8 : memref<!tpu.dma_semaphore, #tpu.memory_space<semaphore_mem>>)
      %dma_wait3A = arith.constant 0 : i32
      %dma_wait3A_12 = tpu.memref_slice %arg3[%mul3A_2, %dma_wait3A] : memref<512x512xi32, #tpu.memory_space<hbm>> -> memref<16x512xi32, #tpu.memory_space<hbm>>
      %dma_wait3A_13 = arith.constant 0 : i32
      %dma_wait3A_14 = tpu.memref_slice %arg3[%mul3A_2, %dma_wait3A_13] : memref<512x512xi32, #tpu.memory_space<hbm>> -> memref<16x512xi32, #tpu.memory_space<hbm>>
      tpu.wait_dma2 semaphore(%run_scoped3A_8 : memref<!tpu.dma_semaphore, #tpu.memory_space<semaphore_mem>>) src(%dma_wait3A_14 : memref<16x512xi32, #tpu.memory_space<hbm>>) dst(%arg6 : memref<16x512xi32, #tpu.memory_space<vmem>>)
      tpu.yield
    }) : () -> ()
    %parallel_loop3A = arith.constant 0 : i32
    %parallel_loop3A_3 = arith.constant 16 : i32
    %parallel_loop3A_4 = arith.constant 1 : i32
    scf.for %parallel_loop3A_8 = %parallel_loop3A to %parallel_loop3A_3 step %parallel_loop3A_4  : i32 {
      %parallel_loop3A_9 = arith.index_cast %parallel_loop3A_8 : i32 to index
      %parallel_loop3A_10 = arith.constant 0 : index
      %parallel_loop3A_11 = tpu.vector_load %arg6[%parallel_loop3A_9, %parallel_loop3A_10] {strides = array<i32>} : memref<16x512xi32, #tpu.memory_space<vmem>>, vector<16xi32>,
      %parallel_loop3A_12 = tpu.vector_load_idx %arg5[%parallel_loop3A_11] : memref<1024xf32, #tpu.memory_space<vmem>>[vector<16xi32>], vector<16xf32>,
      %parallel_loop3A_13 = arith.constant 0 : i32
      %parallel_loop3A_14 = arith.index_cast %parallel_loop3A_13 : i32 to index
      %parallel_loop3A_15 = arith.index_cast %parallel_loop3A_8 : i32 to index
      %parallel_loop3A_16 = arith.constant 0 : index
      %parallel_loop3A_17 = tpu.vector_load %arg7[%parallel_loop3A_14, %parallel_loop3A_15, %parallel_loop3A_16] {strides = array<i32>} : memref<2x16x512xf32, #tpu.memory_space<vmem>>, vector<16xf32>,
      tpu.vector_store %arg7[%parallel_loop3A_14, %parallel_loop3A_15, %parallel_loop3A_16], %parallel_loop3A_12 {strides = array<i32>} : memref<2x16x512xf32, #tpu.memory_space<vmem>>, vector<16xf32>,
      %parallel_loop3A_18 = arith.constant 512 : i32
      %parallel_loop3A_19 = vector.broadcast %parallel_loop3A_18 : i32 to vector<16xi32>
      %parallel_loop3A_20 = arith.addi %parallel_loop3A_11, %parallel_loop3A_19 : vector<16xi32>
      %parallel_loop3A_21 = tpu.vector_load_idx %arg5[%parallel_loop3A_20] : memref<1024xf32, #tpu.memory_space<vmem>>[vector<16xi32>], vector<16xf32>,
      %parallel_loop3A_22 = arith.constant 1 : i32
      %parallel_loop3A_23 = arith.index_cast %parallel_loop3A_22 : i32 to index
      %parallel_loop3A_24 = arith.index_cast %parallel_loop3A_8 : i32 to index
      %parallel_loop3A_25 = arith.constant 0 : index
      %parallel_loop3A_26 = tpu.vector_load %arg7[%parallel_loop3A_23, %parallel_loop3A_24, %parallel_loop3A_25] {strides = array<i32>} : memref<2x16x512xf32, #tpu.memory_space<vmem>>, vector<16xf32>,
      tpu.vector_store %arg7[%parallel_loop3A_23, %parallel_loop3A_24, %parallel_loop3A_25], %parallel_loop3A_21 {strides = array<i32>} : memref<2x16x512xf32, #tpu.memory_space<vmem>>, vector<16xf32>,
      %parallel_loop3A_27 = arith.index_cast %parallel_loop3A_8 : i32 to index
      %parallel_loop3A_28 = arith.constant 16 : index
      %parallel_loop3A_29 = tpu.vector_load %arg6[%parallel_loop3A_27, %parallel_loop3A_28] {strides = array<i32>} : memref<16x512xi32, #tpu.memory_space<vmem>>, vector<16xi32>,
      %parallel_loop3A_30 = tpu.vector_load_idx %arg5[%parallel_loop3A_29] : memref<1024xf32, #tpu.memory_space<vmem>>[vector<16xi32>], vector<16xf32>,
      %parallel_loop3A_31 = arith.constant 0 : i32
      %parallel_loop3A_32 = arith.index_cast %parallel_loop3A_31 : i32 to index
      %parallel_loop3A_33 = arith.index_cast %parallel_loop3A_8 : i32 to index
      %parallel_loop3A_34 = arith.constant 16 : index
      %parallel_loop3A_35 = tpu.vector_load %arg7[%parallel_loop3A_32, %parallel_loop3A_33, %parallel_loop3A_34] {strides = array<i32>} : memref<2x16x512xf32, #tpu.memory_space<vmem>>, vector<16xf32>,
      tpu.vector_store %arg7[%parallel_loop3A_32, %parallel_loop3A_33, %parallel_loop3A_34], %parallel_loop3A_30 {strides = array<i32>} : memref<2x16x512xf32, #tpu.memory_space<vmem>>, vector<16xf32>,
      %parallel_loop3A_36 = arith.constant 512 : i32
      %parallel_loop3A_37 = vector.broadcast %parallel_loop3A_36 : i32 to vector<16xi32>
      %parallel_loop3A_38 = arith.addi %parallel_loop3A_29, %parallel_loop3A_37 : vector<16xi32>
      %parallel_loop3A_39 = tpu.vector_load_idx %arg5[%parallel_loop3A_38] : memref<1024xf32, #tpu.memory_space<vmem>>[vector<16xi32>], vector<16xf32>,
      %parallel_loop3A_40 = arith.constant 1 : i32
      %parallel_loop3A_41 = arith.index_cast %parallel_loop3A_40 : i32 to index
      %parallel_loop3A_42 = arith.index_cast %parallel_loop3A_8 : i32 to index
      %parallel_loop3A_43 = arith.constant 16 : index
      %parallel_loop3A_44 = tpu.vector_load %arg7[%parallel_loop3A_41, %parallel_loop3A_42, %parallel_loop3A_43] {strides = array<i32>} : memref<2x16x512xf32, #tpu.memory_space<vmem>>, vector<16xf32>,
      tpu.vector_store %arg7[%parallel_loop3A_41, %parallel_loop3A_42, %parallel_loop3A_43], %parallel_loop3A_39 {strides = array<i32>} : memref<2x16x512xf32, #tpu.memory_space<vmem>>, vector<16xf32>,
      %parallel_loop3A_45 = arith.index_cast %parallel_loop3A_8 : i32 to index
      %parallel_loop3A_46 = arith.constant 32 : index
      %parallel_loop3A_47 = tpu.vector_load %arg6[%parallel_loop3A_45, %parallel_loop3A_46] {strides = array<i32>} : memref<16x512xi32, #tpu.memory_space<vmem>>, vector<16xi32>,
      %parallel_loop3A_48 = tpu.vector_load_idx %arg5[%parallel_loop3A_47] : memref<1024xf32, #tpu.memory_space<vmem>>[vector<16xi32>], vector<16xf32>,
      %parallel_loop3A_49 = arith.constant 0 : i32
      %parallel_loop3A_50 = arith.index_cast %parallel_loop3A_49 : i32 to index
      %parallel_loop3A_51 = arith.index_cast %parallel_loop3A_8 : i32 to index
      %parallel_loop3A_52 = arith.constant 32 : index
      %parallel_loop3A_53 = tpu.vector_load %arg7[%parallel_loop3A_50, %parallel_loop3A_51, %parallel_loop3A_52] {strides = array<i32>} : memref<2x16x512xf32, #tpu.memory_space<vmem>>, vector<16xf32>,
      tpu.vector_store %arg7[%parallel_loop3A_50, %parallel_loop3A_51, %parallel_loop3A_52], %parallel_loop3A_48 {strides = array<i32>} : memref<2x16x512xf32, #tpu.memory_space<vmem>>, vector<16xf32>,
      %parallel_loop3A_54 = arith.constant 512 : i32
      %parallel_loop3A_55 = vector.broadcast %parallel_loop3A_54 : i32 to vector<16xi32>
      %parallel_loop3A_56 = arith.addi %parallel_loop3A_47, %parallel_loop3A_55 : vector<16xi32>
      %parallel_loop3A_57 = tpu.vector_load_idx %arg5[%parallel_loop3A_56] : memref<1024xf32, #tpu.memory_space<vmem>>[vector<16xi32>], vector<16xf32>,
      %parallel_loop3A_58 = arith.constant 1 : i32
      %parallel_loop3A_59 = arith.index_cast %parallel_loop3A_58 : i32 to index
      %parallel_loop3A_60 = arith.index_cast %parallel_loop3A_8 : i32 to index
      %parallel_loop3A_61 = arith.constant 32 : index
      %parallel_loop3A_62 = tpu.vector_load %arg7[%parallel_loop3A_59, %parallel_loop3A_60, %parallel_loop3A_61] {strides = array<i32>} : memref<2x16x512xf32, #tpu.memory_space<vmem>>, vector<16xf32>,
      tpu.vector_store %arg7[%parallel_loop3A_59, %parallel_loop3A_60, %parallel_loop3A_61], %parallel_loop3A_57 {strides = array<i32>} : memref<2x16x512xf32, #tpu.memory_space<vmem>>, vector<16xf32>,
      %parallel_loop3A_63 = arith.index_cast %parallel_loop3A_8 : i32 to index
      %parallel_loop3A_64 = arith.constant 48 : index
      %parallel_loop3A_65 = tpu.vector_load %arg6[%parallel_loop3A_63, %parallel_loop3A_64] {strides = array<i32>} : memref<16x512xi32, #tpu.memory_space<vmem>>, vector<16xi32>,
      %parallel_loop3A_66 = tpu.vector_load_idx %arg5[%parallel_loop3A_65] : memref<1024xf32, #tpu.memory_space<vmem>>[vector<16xi32>], vector<16xf32>,
      %parallel_loop3A_67 = arith.constant 0 : i32
      %parallel_loop3A_68 = arith.index_cast %parallel_loop3A_67 : i32 to index
      %parallel_loop3A_69 = arith.index_cast %parallel_loop3A_8 : i32 to index
      %parallel_loop3A_70 = arith.constant 48 : index
      %parallel_loop3A_71 = tpu.vector_load %arg7[%parallel_loop3A_68, %parallel_loop3A_69, %parallel_loop3A_70] {strides = array<i32>} : memref<2x16x512xf32, #tpu.memory_space<vmem>>, vector<16xf32>,
      tpu.vector_store %arg7[%parallel_loop3A_68, %parallel_loop3A_69, %parallel_loop3A_70], %parallel_loop3A_66 {strides = array<i32>} : memref<2x16x512xf32, #tpu.memory_space<vmem>>, vector<16xf32>,
      %parallel_loop3A_72 = arith.constant 512 : i32
      %parallel_loop3A_73 = vector.broadcast %parallel_loop3A_72 : i32 to vector<16xi32>
      %parallel_loop3A_74 = arith.addi %parallel_loop3A_65, %parallel_loop3A_73 : vector<16xi32>
      %parallel_loop3A_75 = tpu.vector_load_idx %arg5[%parallel_loop3A_74] : memref<1024xf32, #tpu.memory_space<vmem>>[vector<16xi32>], vector<16xf32>,
      %parallel_loop3A_76 = arith.constant 1 : i32
      %parallel_loop3A_77 = arith.index_cast %parallel_loop3A_76 : i32 to index
      %parallel_loop3A_78 = arith.index_cast %parallel_loop3A_8 : i32 to index
      %parallel_loop3A_79 = arith.constant 48 : index
      %parallel_loop3A_80 = tpu.vector_load %arg7[%parallel_loop3A_77, %parallel_loop3A_78, %parallel_loop3A_79] {strides = array<i32>} : memref<2x16x512xf32, #tpu.memory_space<vmem>>, vector<16xf32>,
      tpu.vector_store %arg7[%parallel_loop3A_77, %parallel_loop3A_78, %parallel_loop3A_79], %parallel_loop3A_75 {strides = array<i32>} : memref<2x16x512xf32, #tpu.memory_space<vmem>>, vector<16xf32>,
      %parallel_loop3A_81 = arith.index_cast %parallel_loop3A_8 : i32 to index
      %parallel_loop3A_82 = arith.constant 64 : index
      %parallel_loop3A_83 = tpu.vector_load %arg6[%parallel_loop3A_81, %parallel_loop3A_82] {strides = array<i32>} : memref<16x512xi32, #tpu.memory_space<vmem>>, vector<16xi32>,
      %parallel_loop3A_84 = tpu.vector_load_idx %arg5[%parallel_loop3A_83] : memref<1024xf32, #tpu.memory_space<vmem>>[vector<16xi32>], vector<16xf32>,
      %parallel_loop3A_85 = arith.constant 0 : i32
      %parallel_loop3A_86 = arith.index_cast %parallel_loop3A_85 : i32 to index
      %parallel_loop3A_87 = arith.index_cast %parallel_loop3A_8 : i32 to index
      %parallel_loop3A_88 = arith.constant 64 : index
      %parallel_loop3A_89 = tpu.vector_load %arg7[%parallel_loop3A_86, %parallel_loop3A_87, %parallel_loop3A_88] {strides = array<i32>} : memref<2x16x512xf32, #tpu.memory_space<vmem>>, vector<16xf32>,
      tpu.vector_store %arg7[%parallel_loop3A_86, %parallel_loop3A_87, %parallel_loop3A_88], %parallel_loop3A_84 {strides = array<i32>} : memref<2x16x512xf32, #tpu.memory_space<vmem>>, vector<16xf32>,
      %parallel_loop3A_90 = arith.constant 512 : i32
      %parallel_loop3A_91 = vector.broadcast %parallel_loop3A_90 : i32 to vector<16xi32>
      %parallel_loop3A_92 = arith.addi %parallel_loop3A_83, %parallel_loop3A_91 : vector<16xi32>
      %parallel_loop3A_93 = tpu.vector_load_idx %arg5[%parallel_loop3A_92] : memref<1024xf32, #tpu.memory_space<vmem>>[vector<16xi32>], vector<16xf32>,
      %parallel_loop3A_94 = arith.constant 1 : i32
      %parallel_loop3A_95 = arith.index_cast %parallel_loop3A_94 : i32 to index
      %parallel_loop3A_96 = arith.index_cast %parallel_loop3A_8 : i32 to index
      %parallel_loop3A_97 = arith.constant 64 : index
      %parallel_loop3A_98 = tpu.vector_load %arg7[%parallel_loop3A_95, %parallel_loop3A_96, %parallel_loop3A_97] {strides = array<i32>} : memref<2x16x512xf32, #tpu.memory_space<vmem>>, vector<16xf32>,
      tpu.vector_store %arg7[%parallel_loop3A_95, %parallel_loop3A_96, %parallel_loop3A_97], %parallel_loop3A_93 {strides = array<i32>} : memref<2x16x512xf32, #tpu.memory_space<vmem>>, vector<16xf32>,
      %parallel_loop3A_99 = arith.index_cast %parallel_loop3A_8 : i32 to index
      %parallel_loop3A_100 = arith.constant 80 : index
      %parallel_loop3A_101 = tpu.vector_load %arg6[%parallel_loop3A_99, %parallel_loop3A_100] {strides = array<i32>} : memref<16x512xi32, #tpu.memory_space<vmem>>, vector<16xi32>,
      %parallel_loop3A_102 = tpu.vector_load_idx %arg5[%parallel_loop3A_101] : memref<1024xf32, #tpu.memory_space<vmem>>[vector<16xi32>], vector<16xf32>,
      %parallel_loop3A_103 = arith.constant 0 : i32
      %parallel_loop3A_104 = arith.index_cast %parallel_loop3A_103 : i32 to index
      %parallel_loop3A_105 = arith.index_cast %parallel_loop3A_8 : i32 to index
      %parallel_loop3A_106 = arith.constant 80 : index
      %parallel_loop3A_107 = tpu.vector_load %arg7[%parallel_loop3A_104, %parallel_loop3A_105, %parallel_loop3A_106] {strides = array<i32>} : memref<2x16x512xf32, #tpu.memory_space<vmem>>, vector<16xf32>,
      tpu.vector_store %arg7[%parallel_loop3A_104, %parallel_loop3A_105, %parallel_loop3A_106], %parallel_loop3A_102 {strides = array<i32>} : memref<2x16x512xf32, #tpu.memory_space<vmem>>, vector<16xf32>,
      %parallel_loop3A_108 = arith.constant 512 : i32
      %parallel_loop3A_109 = vector.broadcast %parallel_loop3A_108 : i32 to vector<16xi32>
      %parallel_loop3A_110 = arith.addi %parallel_loop3A_101, %parallel_loop3A_109 : vector<16xi32>
      %parallel_loop3A_111 = tpu.vector_load_idx %arg5[%parallel_loop3A_110] : memref<1024xf32, #tpu.memory_space<vmem>>[vector<16xi32>], vector<16xf32>,
      %parallel_loop3A_112 = arith.constant 1 : i32
      %parallel_loop3A_113 = arith.index_cast %parallel_loop3A_112 : i32 to index
      %parallel_loop3A_114 = arith.index_cast %parallel_loop3A_8 : i32 to index
      %parallel_loop3A_115 = arith.constant 80 : index
      %parallel_loop3A_116 = tpu.vector_load %arg7[%parallel_loop3A_113, %parallel_loop3A_114, %parallel_loop3A_115] {strides = array<i32>} : memref<2x16x512xf32, #tpu.memory_space<vmem>>, vector<16xf32>,
      tpu.vector_store %arg7[%parallel_loop3A_113, %parallel_loop3A_114, %parallel_loop3A_115], %parallel_loop3A_111 {strides = array<i32>} : memref<2x16x512xf32, #tpu.memory_space<vmem>>, vector<16xf32>,
      %parallel_loop3A_117 = arith.index_cast %parallel_loop3A_8 : i32 to index
      %parallel_loop3A_118 = arith.constant 96 : index
      %parallel_loop3A_119 = tpu.vector_load %arg6[%parallel_loop3A_117, %parallel_loop3A_118] {strides = array<i32>} : memref<16x512xi32, #tpu.memory_space<vmem>>, vector<16xi32>,
      %parallel_loop3A_120 = tpu.vector_load_idx %arg5[%parallel_loop3A_119] : memref<1024xf32, #tpu.memory_space<vmem>>[vector<16xi32>], vector<16xf32>,
      %parallel_loop3A_121 = arith.constant 0 : i32
      %parallel_loop3A_122 = arith.index_cast %parallel_loop3A_121 : i32 to index
      %parallel_loop3A_123 = arith.index_cast %parallel_loop3A_8 : i32 to index
      %parallel_loop3A_124 = arith.constant 96 : index
      %parallel_loop3A_125 = tpu.vector_load %arg7[%parallel_loop3A_122, %parallel_loop3A_123, %parallel_loop3A_124] {strides = array<i32>} : memref<2x16x512xf32, #tpu.memory_space<vmem>>, vector<16xf32>,
      tpu.vector_store %arg7[%parallel_loop3A_122, %parallel_loop3A_123, %parallel_loop3A_124], %parallel_loop3A_120 {strides = array<i32>} : memref<2x16x512xf32, #tpu.memory_space<vmem>>, vector<16xf32>,
      %parallel_loop3A_126 = arith.constant 512 : i32
      %parallel_loop3A_127 = vector.broadcast %parallel_loop3A_126 : i32 to vector<16xi32>
      %parallel_loop3A_128 = arith.addi %parallel_loop3A_119, %parallel_loop3A_127 : vector<16xi32>
      %parallel_loop3A_129 = tpu.vector_load_idx %arg5[%parallel_loop3A_128] : memref<1024xf32, #tpu.memory_space<vmem>>[vector<16xi32>], vector<16xf32>,
      %parallel_loop3A_130 = arith.constant 1 : i32
      %parallel_loop3A_131 = arith.index_cast %parallel_loop3A_130 : i32 to index
      %parallel_loop3A_132 = arith.index_cast %parallel_loop3A_8 : i32 to index
      %parallel_loop3A_133 = arith.constant 96 : index
      %parallel_loop3A_134 = tpu.vector_load %arg7[%parallel_loop3A_131, %parallel_loop3A_132, %parallel_loop3A_133] {strides = array<i32>} : memref<2x16x512xf32, #tpu.memory_space<vmem>>, vector<16xf32>,
      tpu.vector_store %arg7[%parallel_loop3A_131, %parallel_loop3A_132, %parallel_loop3A_133], %parallel_loop3A_129 {strides = array<i32>} : memref<2x16x512xf32, #tpu.memory_space<vmem>>, vector<16xf32>,
      %parallel_loop3A_135 = arith.index_cast %parallel_loop3A_8 : i32 to index
      %parallel_loop3A_136 = arith.constant 112 : index
      %parallel_loop3A_137 = tpu.vector_load %arg6[%parallel_loop3A_135, %parallel_loop3A_136] {strides = array<i32>} : memref<16x512xi32, #tpu.memory_space<vmem>>, vector<16xi32>,
      %parallel_loop3A_138 = tpu.vector_load_idx %arg5[%parallel_loop3A_137] : memref<1024xf32, #tpu.memory_space<vmem>>[vector<16xi32>], vector<16xf32>,
      %parallel_loop3A_139 = arith.constant 0 : i32
      %parallel_loop3A_140 = arith.index_cast %parallel_loop3A_139 : i32 to index
      %parallel_loop3A_141 = arith.index_cast %parallel_loop3A_8 : i32 to index
      %parallel_loop3A_142 = arith.constant 112 : index
      %parallel_loop3A_143 = tpu.vector_load %arg7[%parallel_loop3A_140, %parallel_loop3A_141, %parallel_loop3A_142] {strides = array<i32>} : memref<2x16x512xf32, #tpu.memory_space<vmem>>, vector<16xf32>,
      tpu.vector_store %arg7[%parallel_loop3A_140, %parallel_loop3A_141, %parallel_loop3A_142], %parallel_loop3A_138 {strides = array<i32>} : memref<2x16x512xf32, #tpu.memory_space<vmem>>, vector<16xf32>,
      %parallel_loop3A_144 = arith.constant 512 : i32
      %parallel_loop3A_145 = vector.broadcast %parallel_loop3A_144 : i32 to vector<16xi32>
      %parallel_loop3A_146 = arith.addi %parallel_loop3A_137, %parallel_loop3A_145 : vector<16xi32>
      %parallel_loop3A_147 = tpu.vector_load_idx %arg5[%parallel_loop3A_146] : memref<1024xf32, #tpu.memory_space<vmem>>[vector<16xi32>], vector<16xf32>,
      %parallel_loop3A_148 = arith.constant 1 : i32
      %parallel_loop3A_149 = arith.index_cast %parallel_loop3A_148 : i32 to index
      %parallel_loop3A_150 = arith.index_cast %parallel_loop3A_8 : i32 to index
      %parallel_loop3A_151 = arith.constant 112 : index
      %parallel_loop3A_152 = tpu.vector_load %arg7[%parallel_loop3A_149, %parallel_loop3A_150, %parallel_loop3A_151] {strides = array<i32>} : memref<2x16x512xf32, #tpu.memory_space<vmem>>, vector<16xf32>,
      tpu.vector_store %arg7[%parallel_loop3A_149, %parallel_loop3A_150, %parallel_loop3A_151], %parallel_loop3A_147 {strides = array<i32>} : memref<2x16x512xf32, #tpu.memory_space<vmem>>, vector<16xf32>,
      %parallel_loop3A_153 = arith.index_cast %parallel_loop3A_8 : i32 to index
      %parallel_loop3A_154 = arith.constant 128 : index
      %parallel_loop3A_155 = tpu.vector_load %arg6[%parallel_loop3A_153, %parallel_loop3A_154] {strides = array<i32>} : memref<16x512xi32, #tpu.memory_space<vmem>>, vector<16xi32>,
      %parallel_loop3A_156 = tpu.vector_load_idx %arg5[%parallel_loop3A_155] : memref<1024xf32, #tpu.memory_space<vmem>>[vector<16xi32>], vector<16xf32>,
      %parallel_loop3A_157 = arith.constant 0 : i32
      %parallel_loop3A_158 = arith.index_cast %parallel_loop3A_157 : i32 to index
      %parallel_loop3A_159 = arith.index_cast %parallel_loop3A_8 : i32 to index
      %parallel_loop3A_160 = arith.constant 128 : index
      %parallel_loop3A_161 = tpu.vector_load %arg7[%parallel_loop3A_158, %parallel_loop3A_159, %parallel_loop3A_160] {strides = array<i32>} : memref<2x16x512xf32, #tpu.memory_space<vmem>>, vector<16xf32>,
      tpu.vector_store %arg7[%parallel_loop3A_158, %parallel_loop3A_159, %parallel_loop3A_160], %parallel_loop3A_156 {strides = array<i32>} : memref<2x16x512xf32, #tpu.memory_space<vmem>>, vector<16xf32>,
      %parallel_loop3A_162 = arith.constant 512 : i32
      %parallel_loop3A_163 = vector.broadcast %parallel_loop3A_162 : i32 to vector<16xi32>
      %parallel_loop3A_164 = arith.addi %parallel_loop3A_155, %parallel_loop3A_163 : vector<16xi32>
      %parallel_loop3A_165 = tpu.vector_load_idx %arg5[%parallel_loop3A_164] : memref<1024xf32, #tpu.memory_space<vmem>>[vector<16xi32>], vector<16xf32>,
      %parallel_loop3A_166 = arith.constant 1 : i32
      %parallel_loop3A_167 = arith.index_cast %parallel_loop3A_166 : i32 to index
      %parallel_loop3A_168 = arith.index_cast %parallel_loop3A_8 : i32 to index
      %parallel_loop3A_169 = arith.constant 128 : index
      %parallel_loop3A_170 = tpu.vector_load %arg7[%parallel_loop3A_167, %parallel_loop3A_168, %parallel_loop3A_169] {strides = array<i32>} : memref<2x16x512xf32, #tpu.memory_space<vmem>>, vector<16xf32>,
      tpu.vector_store %arg7[%parallel_loop3A_167, %parallel_loop3A_168, %parallel_loop3A_169], %parallel_loop3A_165 {strides = array<i32>} : memref<2x16x512xf32, #tpu.memory_space<vmem>>, vector<16xf32>,
      %parallel_loop3A_171 = arith.index_cast %parallel_loop3A_8 : i32 to index
      %parallel_loop3A_172 = arith.constant 144 : index
      %parallel_loop3A_173 = tpu.vector_load %arg6[%parallel_loop3A_171, %parallel_loop3A_172] {strides = array<i32>} : memref<16x512xi32, #tpu.memory_space<vmem>>, vector<16xi32>,
      %parallel_loop3A_174 = tpu.vector_load_idx %arg5[%parallel_loop3A_173] : memref<1024xf32, #tpu.memory_space<vmem>>[vector<16xi32>], vector<16xf32>,
      %parallel_loop3A_175 = arith.constant 0 : i32
      %parallel_loop3A_176 = arith.index_cast %parallel_loop3A_175 : i32 to index
      %parallel_loop3A_177 = arith.index_cast %parallel_loop3A_8 : i32 to index
      %parallel_loop3A_178 = arith.constant 144 : index
      %parallel_loop3A_179 = tpu.vector_load %arg7[%parallel_loop3A_176, %parallel_loop3A_177, %parallel_loop3A_178] {strides = array<i32>} : memref<2x16x512xf32, #tpu.memory_space<vmem>>, vector<16xf32>,
      tpu.vector_store %arg7[%parallel_loop3A_176, %parallel_loop3A_177, %parallel_loop3A_178], %parallel_loop3A_174 {strides = array<i32>} : memref<2x16x512xf32, #tpu.memory_space<vmem>>, vector<16xf32>,
      %parallel_loop3A_180 = arith.constant 512 : i32
      %parallel_loop3A_181 = vector.broadcast %parallel_loop3A_180 : i32 to vector<16xi32>
      %parallel_loop3A_182 = arith.addi %parallel_loop3A_173, %parallel_loop3A_181 : vector<16xi32>
      %parallel_loop3A_183 = tpu.vector_load_idx %arg5[%parallel_loop3A_182] : memref<1024xf32, #tpu.memory_space<vmem>>[vector<16xi32>], vector<16xf32>,
      %parallel_loop3A_184 = arith.constant 1 : i32
      %parallel_loop3A_185 = arith.index_cast %parallel_loop3A_184 : i32 to index
      %parallel_loop3A_186 = arith.index_cast %parallel_loop3A_8 : i32 to index
      %parallel_loop3A_187 = arith.constant 144 : index
      %parallel_loop3A_188 = tpu.vector_load %arg7[%parallel_loop3A_185, %parallel_loop3A_186, %parallel_loop3A_187] {strides = array<i32>} : memref<2x16x512xf32, #tpu.memory_space<vmem>>, vector<16xf32>,
      tpu.vector_store %arg7[%parallel_loop3A_185, %parallel_loop3A_186, %parallel_loop3A_187], %parallel_loop3A_183 {strides = array<i32>} : memref<2x16x512xf32, #tpu.memory_space<vmem>>, vector<16xf32>,
      %parallel_loop3A_189 = arith.index_cast %parallel_loop3A_8 : i32 to index
      %parallel_loop3A_190 = arith.constant 160 : index
      %parallel_loop3A_191 = tpu.vector_load %arg6[%parallel_loop3A_189, %parallel_loop3A_190] {strides = array<i32>} : memref<16x512xi32, #tpu.memory_space<vmem>>, vector<16xi32>,
      %parallel_loop3A_192 = tpu.vector_load_idx %arg5[%parallel_loop3A_191] : memref<1024xf32, #tpu.memory_space<vmem>>[vector<16xi32>], vector<16xf32>,
      %parallel_loop3A_193 = arith.constant 0 : i32
      %parallel_loop3A_194 = arith.index_cast %parallel_loop3A_193 : i32 to index
      %parallel_loop3A_195 = arith.index_cast %parallel_loop3A_8 : i32 to index
      %parallel_loop3A_196 = arith.constant 160 : index
      %parallel_loop3A_197 = tpu.vector_load %arg7[%parallel_loop3A_194, %parallel_loop3A_195, %parallel_loop3A_196] {strides = array<i32>} : memref<2x16x512xf32, #tpu.memory_space<vmem>>, vector<16xf32>,
      tpu.vector_store %arg7[%parallel_loop3A_194, %parallel_loop3A_195, %parallel_loop3A_196], %parallel_loop3A_192 {strides = array<i32>} : memref<2x16x512xf32, #tpu.memory_space<vmem>>, vector<16xf32>,
      %parallel_loop3A_198 = arith.constant 512 : i32
      %parallel_loop3A_199 = vector.broadcast %parallel_loop3A_198 : i32 to vector<16xi32>
      %parallel_loop3A_200 = arith.addi %parallel_loop3A_191, %parallel_loop3A_199 : vector<16xi32>
      %parallel_loop3A_201 = tpu.vector_load_idx %arg5[%parallel_loop3A_200] : memref<1024xf32, #tpu.memory_space<vmem>>[vector<16xi32>], vector<16xf32>,
      %parallel_loop3A_202 = arith.constant 1 : i32
      %parallel_loop3A_203 = arith.index_cast %parallel_loop3A_202 : i32 to index
      %parallel_loop3A_204 = arith.index_cast %parallel_loop3A_8 : i32 to index
      %parallel_loop3A_205 = arith.constant 160 : index
      %parallel_loop3A_206 = tpu.vector_load %arg7[%parallel_loop3A_203, %parallel_loop3A_204, %parallel_loop3A_205] {strides = array<i32>} : memref<2x16x512xf32, #tpu.memory_space<vmem>>, vector<16xf32>,
      tpu.vector_store %arg7[%parallel_loop3A_203, %parallel_loop3A_204, %parallel_loop3A_205], %parallel_loop3A_201 {strides = array<i32>} : memref<2x16x512xf32, #tpu.memory_space<vmem>>, vector<16xf32>,
      %parallel_loop3A_207 = arith.index_cast %parallel_loop3A_8 : i32 to index
      %parallel_loop3A_208 = arith.constant 176 : index
      %parallel_loop3A_209 = tpu.vector_load %arg6[%parallel_loop3A_207, %parallel_loop3A_208] {strides = array<i32>} : memref<16x512xi32, #tpu.memory_space<vmem>>, vector<16xi32>,
      %parallel_loop3A_210 = tpu.vector_load_idx %arg5[%parallel_loop3A_209] : memref<1024xf32, #tpu.memory_space<vmem>>[vector<16xi32>], vector<16xf32>,
      %parallel_loop3A_211 = arith.constant 0 : i32
      %parallel_loop3A_212 = arith.index_cast %parallel_loop3A_211 : i32 to index
      %parallel_loop3A_213 = arith.index_cast %parallel_loop3A_8 : i32 to index
      %parallel_loop3A_214 = arith.constant 176 : index
      %parallel_loop3A_215 = tpu.vector_load %arg7[%parallel_loop3A_212, %parallel_loop3A_213, %parallel_loop3A_214] {strides = array<i32>} : memref<2x16x512xf32, #tpu.memory_space<vmem>>, vector<16xf32>,
      tpu.vector_store %arg7[%parallel_loop3A_212, %parallel_loop3A_213, %parallel_loop3A_214], %parallel_loop3A_210 {strides = array<i32>} : memref<2x16x512xf32, #tpu.memory_space<vmem>>, vector<16xf32>,
      %parallel_loop3A_216 = arith.constant 512 : i32
      %parallel_loop3A_217 = vector.broadcast %parallel_loop3A_216 : i32 to vector<16xi32>
      %parallel_loop3A_218 = arith.addi %parallel_loop3A_209, %parallel_loop3A_217 : vector<16xi32>
      %parallel_loop3A_219 = tpu.vector_load_idx %arg5[%parallel_loop3A_218] : memref<1024xf32, #tpu.memory_space<vmem>>[vector<16xi32>], vector<16xf32>,
      %parallel_loop3A_220 = arith.constant 1 : i32
      %parallel_loop3A_221 = arith.index_cast %parallel_loop3A_220 : i32 to index
      %parallel_loop3A_222 = arith.index_cast %parallel_loop3A_8 : i32 to index
      %parallel_loop3A_223 = arith.constant 176 : index
      %parallel_loop3A_224 = tpu.vector_load %arg7[%parallel_loop3A_221, %parallel_loop3A_222, %parallel_loop3A_223] {strides = array<i32>} : memref<2x16x512xf32, #tpu.memory_space<vmem>>, vector<16xf32>,
      tpu.vector_store %arg7[%parallel_loop3A_221, %parallel_loop3A_222, %parallel_loop3A_223], %parallel_loop3A_219 {strides = array<i32>} : memref<2x16x512xf32, #tpu.memory_space<vmem>>, vector<16xf32>,
      %parallel_loop3A_225 = arith.index_cast %parallel_loop3A_8 : i32 to index
      %parallel_loop3A_226 = arith.constant 192 : index
      %parallel_loop3A_227 = tpu.vector_load %arg6[%parallel_loop3A_225, %parallel_loop3A_226] {strides = array<i32>} : memref<16x512xi32, #tpu.memory_space<vmem>>, vector<16xi32>,
      %parallel_loop3A_228 = tpu.vector_load_idx %arg5[%parallel_loop3A_227] : memref<1024xf32, #tpu.memory_space<vmem>>[vector<16xi32>], vector<16xf32>,
      %parallel_loop3A_229 = arith.constant 0 : i32
      %parallel_loop3A_230 = arith.index_cast %parallel_loop3A_229 : i32 to index
      %parallel_loop3A_231 = arith.index_cast %parallel_loop3A_8 : i32 to index
      %parallel_loop3A_232 = arith.constant 192 : index
      %parallel_loop3A_233 = tpu.vector_load %arg7[%parallel_loop3A_230, %parallel_loop3A_231, %parallel_loop3A_232] {strides = array<i32>} : memref<2x16x512xf32, #tpu.memory_space<vmem>>, vector<16xf32>,
      tpu.vector_store %arg7[%parallel_loop3A_230, %parallel_loop3A_231, %parallel_loop3A_232], %parallel_loop3A_228 {strides = array<i32>} : memref<2x16x512xf32, #tpu.memory_space<vmem>>, vector<16xf32>,
      %parallel_loop3A_234 = arith.constant 512 : i32
      %parallel_loop3A_235 = vector.broadcast %parallel_loop3A_234 : i32 to vector<16xi32>
      %parallel_loop3A_236 = arith.addi %parallel_loop3A_227, %parallel_loop3A_235 : vector<16xi32>
      %parallel_loop3A_237 = tpu.vector_load_idx %arg5[%parallel_loop3A_236] : memref<1024xf32, #tpu.memory_space<vmem>>[vector<16xi32>], vector<16xf32>,
      %parallel_loop3A_238 = arith.constant 1 : i32
      %parallel_loop3A_239 = arith.index_cast %parallel_loop3A_238 : i32 to index
      %parallel_loop3A_240 = arith.index_cast %parallel_loop3A_8 : i32 to index
      %parallel_loop3A_241 = arith.constant 192 : index
      %parallel_loop3A_242 = tpu.vector_load %arg7[%parallel_loop3A_239, %parallel_loop3A_240, %parallel_loop3A_241] {strides = array<i32>} : memref<2x16x512xf32, #tpu.memory_space<vmem>>, vector<16xf32>,
      tpu.vector_store %arg7[%parallel_loop3A_239, %parallel_loop3A_240, %parallel_loop3A_241], %parallel_loop3A_237 {strides = array<i32>} : memref<2x16x512xf32, #tpu.memory_space<vmem>>, vector<16xf32>,
      %parallel_loop3A_243 = arith.index_cast %parallel_loop3A_8 : i32 to index
      %parallel_loop3A_244 = arith.constant 208 : index
      %parallel_loop3A_245 = tpu.vector_load %arg6[%parallel_loop3A_243, %parallel_loop3A_244] {strides = array<i32>} : memref<16x512xi32, #tpu.memory_space<vmem>>, vector<16xi32>,
      %parallel_loop3A_246 = tpu.vector_load_idx %arg5[%parallel_loop3A_245] : memref<1024xf32, #tpu.memory_space<vmem>>[vector<16xi32>], vector<16xf32>,
      %parallel_loop3A_247 = arith.constant 0 : i32
      %parallel_loop3A_248 = arith.index_cast %parallel_loop3A_247 : i32 to index
      %parallel_loop3A_249 = arith.index_cast %parallel_loop3A_8 : i32 to index
      %parallel_loop3A_250 = arith.constant 208 : index
      %parallel_loop3A_251 = tpu.vector_load %arg7[%parallel_loop3A_248, %parallel_loop3A_249, %parallel_loop3A_250] {strides = array<i32>} : memref<2x16x512xf32, #tpu.memory_space<vmem>>, vector<16xf32>,
      tpu.vector_store %arg7[%parallel_loop3A_248, %parallel_loop3A_249, %parallel_loop3A_250], %parallel_loop3A_246 {strides = array<i32>} : memref<2x16x512xf32, #tpu.memory_space<vmem>>, vector<16xf32>,
      %parallel_loop3A_252 = arith.constant 512 : i32
      %parallel_loop3A_253 = vector.broadcast %parallel_loop3A_252 : i32 to vector<16xi32>
      %parallel_loop3A_254 = arith.addi %parallel_loop3A_245, %parallel_loop3A_253 : vector<16xi32>
      %parallel_loop3A_255 = tpu.vector_load_idx %arg5[%parallel_loop3A_254] : memref<1024xf32, #tpu.memory_space<vmem>>[vector<16xi32>], vector<16xf32>,
      %parallel_loop3A_256 = arith.constant 1 : i32
      %parallel_loop3A_257 = arith.index_cast %parallel_loop3A_256 : i32 to index
      %parallel_loop3A_258 = arith.index_cast %parallel_loop3A_8 : i32 to index
      %parallel_loop3A_259 = arith.constant 208 : index
      %parallel_loop3A_260 = tpu.vector_load %arg7[%parallel_loop3A_257, %parallel_loop3A_258, %parallel_loop3A_259] {strides = array<i32>} : memref<2x16x512xf32, #tpu.memory_space<vmem>>, vector<16xf32>,
      tpu.vector_store %arg7[%parallel_loop3A_257, %parallel_loop3A_258, %parallel_loop3A_259], %parallel_loop3A_255 {strides = array<i32>} : memref<2x16x512xf32, #tpu.memory_space<vmem>>, vector<16xf32>,
      %parallel_loop3A_261 = arith.index_cast %parallel_loop3A_8 : i32 to index
      %parallel_loop3A_262 = arith.constant 224 : index
      %parallel_loop3A_263 = tpu.vector_load %arg6[%parallel_loop3A_261, %parallel_loop3A_262] {strides = array<i32>} : memref<16x512xi32, #tpu.memory_space<vmem>>, vector<16xi32>,
      %parallel_loop3A_264 = tpu.vector_load_idx %arg5[%parallel_loop3A_263] : memref<1024xf32, #tpu.memory_space<vmem>>[vector<16xi32>], vector<16xf32>,
      %parallel_loop3A_265 = arith.constant 0 : i32
      %parallel_loop3A_266 = arith.index_cast %parallel_loop3A_265 : i32 to index
      %parallel_loop3A_267 = arith.index_cast %parallel_loop3A_8 : i32 to index
      %parallel_loop3A_268 = arith.constant 224 : index
      %parallel_loop3A_269 = tpu.vector_load %arg7[%parallel_loop3A_266, %parallel_loop3A_267, %parallel_loop3A_268] {strides = array<i32>} : memref<2x16x512xf32, #tpu.memory_space<vmem>>, vector<16xf32>,
      tpu.vector_store %arg7[%parallel_loop3A_266, %parallel_loop3A_267, %parallel_loop3A_268], %parallel_loop3A_264 {strides = array<i32>} : memref<2x16x512xf32, #tpu.memory_space<vmem>>, vector<16xf32>,
      %parallel_loop3A_270 = arith.constant 512 : i32
      %parallel_loop3A_271 = vector.broadcast %parallel_loop3A_270 : i32 to vector<16xi32>
      %parallel_loop3A_272 = arith.addi %parallel_loop3A_263, %parallel_loop3A_271 : vector<16xi32>
      %parallel_loop3A_273 = tpu.vector_load_idx %arg5[%parallel_loop3A_272] : memref<1024xf32, #tpu.memory_space<vmem>>[vector<16xi32>], vector<16xf32>,
      %parallel_loop3A_274 = arith.constant 1 : i32
      %parallel_loop3A_275 = arith.index_cast %parallel_loop3A_274 : i32 to index
      %parallel_loop3A_276 = arith.index_cast %parallel_loop3A_8 : i32 to index
      %parallel_loop3A_277 = arith.constant 224 : index
      %parallel_loop3A_278 = tpu.vector_load %arg7[%parallel_loop3A_275, %parallel_loop3A_276, %parallel_loop3A_277] {strides = array<i32>} : memref<2x16x512xf32, #tpu.memory_space<vmem>>, vector<16xf32>,
      tpu.vector_store %arg7[%parallel_loop3A_275, %parallel_loop3A_276, %parallel_loop3A_277], %parallel_loop3A_273 {strides = array<i32>} : memref<2x16x512xf32, #tpu.memory_space<vmem>>, vector<16xf32>,
      %parallel_loop3A_279 = arith.index_cast %parallel_loop3A_8 : i32 to index
      %parallel_loop3A_280 = arith.constant 240 : index
      %parallel_loop3A_281 = tpu.vector_load %arg6[%parallel_loop3A_279, %parallel_loop3A_280] {strides = array<i32>} : memref<16x512xi32, #tpu.memory_space<vmem>>, vector<16xi32>,
      %parallel_loop3A_282 = tpu.vector_load_idx %arg5[%parallel_loop3A_281] : memref<1024xf32, #tpu.memory_space<vmem>>[vector<16xi32>], vector<16xf32>,
      %parallel_loop3A_283 = arith.constant 0 : i32
      %parallel_loop3A_284 = arith.index_cast %parallel_loop3A_283 : i32 to index
      %parallel_loop3A_285 = arith.index_cast %parallel_loop3A_8 : i32 to index
      %parallel_loop3A_286 = arith.constant 240 : index
      %parallel_loop3A_287 = tpu.vector_load %arg7[%parallel_loop3A_284, %parallel_loop3A_285, %parallel_loop3A_286] {strides = array<i32>} : memref<2x16x512xf32, #tpu.memory_space<vmem>>, vector<16xf32>,
      tpu.vector_store %arg7[%parallel_loop3A_284, %parallel_loop3A_285, %parallel_loop3A_286], %parallel_loop3A_282 {strides = array<i32>} : memref<2x16x512xf32, #tpu.memory_space<vmem>>, vector<16xf32>,
      %parallel_loop3A_288 = arith.constant 512 : i32
      %parallel_loop3A_289 = vector.broadcast %parallel_loop3A_288 : i32 to vector<16xi32>
      %parallel_loop3A_290 = arith.addi %parallel_loop3A_281, %parallel_loop3A_289 : vector<16xi32>
      %parallel_loop3A_291 = tpu.vector_load_idx %arg5[%parallel_loop3A_290] : memref<1024xf32, #tpu.memory_space<vmem>>[vector<16xi32>], vector<16xf32>,
      %parallel_loop3A_292 = arith.constant 1 : i32
      %parallel_loop3A_293 = arith.index_cast %parallel_loop3A_292 : i32 to index
      %parallel_loop3A_294 = arith.index_cast %parallel_loop3A_8 : i32 to index
      %parallel_loop3A_295 = arith.constant 240 : index
      %parallel_loop3A_296 = tpu.vector_load %arg7[%parallel_loop3A_293, %parallel_loop3A_294, %parallel_loop3A_295] {strides = array<i32>} : memref<2x16x512xf32, #tpu.memory_space<vmem>>, vector<16xf32>,
      tpu.vector_store %arg7[%parallel_loop3A_293, %parallel_loop3A_294, %parallel_loop3A_295], %parallel_loop3A_291 {strides = array<i32>} : memref<2x16x512xf32, #tpu.memory_space<vmem>>, vector<16xf32>,
      %parallel_loop3A_297 = arith.index_cast %parallel_loop3A_8 : i32 to index
      %parallel_loop3A_298 = arith.constant 256 : index
      %parallel_loop3A_299 = tpu.vector_load %arg6[%parallel_loop3A_297, %parallel_loop3A_298] {strides = array<i32>} : memref<16x512xi32, #tpu.memory_space<vmem>>, vector<16xi32>,
      %parallel_loop3A_300 = tpu.vector_load_idx %arg5[%parallel_loop3A_299] : memref<1024xf32, #tpu.memory_space<vmem>>[vector<16xi32>], vector<16xf32>,
      %parallel_loop3A_301 = arith.constant 0 : i32
      %parallel_loop3A_302 = arith.index_cast %parallel_loop3A_301 : i32 to index
      %parallel_loop3A_303 = arith.index_cast %parallel_loop3A_8 : i32 to index
      %parallel_loop3A_304 = arith.constant 256 : index
      %parallel_loop3A_305 = tpu.vector_load %arg7[%parallel_loop3A_302, %parallel_loop3A_303, %parallel_loop3A_304] {strides = array<i32>} : memref<2x16x512xf32, #tpu.memory_space<vmem>>, vector<16xf32>,
      tpu.vector_store %arg7[%parallel_loop3A_302, %parallel_loop3A_303, %parallel_loop3A_304], %parallel_loop3A_300 {strides = array<i32>} : memref<2x16x512xf32, #tpu.memory_space<vmem>>, vector<16xf32>,
      %parallel_loop3A_306 = arith.constant 512 : i32
      %parallel_loop3A_307 = vector.broadcast %parallel_loop3A_306 : i32 to vector<16xi32>
      %parallel_loop3A_308 = arith.addi %parallel_loop3A_299, %parallel_loop3A_307 : vector<16xi32>
      %parallel_loop3A_309 = tpu.vector_load_idx %arg5[%parallel_loop3A_308] : memref<1024xf32, #tpu.memory_space<vmem>>[vector<16xi32>], vector<16xf32>,
      %parallel_loop3A_310 = arith.constant 1 : i32
      %parallel_loop3A_311 = arith.index_cast %parallel_loop3A_310 : i32 to index
      %parallel_loop3A_312 = arith.index_cast %parallel_loop3A_8 : i32 to index
      %parallel_loop3A_313 = arith.constant 256 : index
      %parallel_loop3A_314 = tpu.vector_load %arg7[%parallel_loop3A_311, %parallel_loop3A_312, %parallel_loop3A_313] {strides = array<i32>} : memref<2x16x512xf32, #tpu.memory_space<vmem>>, vector<16xf32>,
      tpu.vector_store %arg7[%parallel_loop3A_311, %parallel_loop3A_312, %parallel_loop3A_313], %parallel_loop3A_309 {strides = array<i32>} : memref<2x16x512xf32, #tpu.memory_space<vmem>>, vector<16xf32>,
      %parallel_loop3A_315 = arith.index_cast %parallel_loop3A_8 : i32 to index
      %parallel_loop3A_316 = arith.constant 272 : index
      %parallel_loop3A_317 = tpu.vector_load %arg6[%parallel_loop3A_315, %parallel_loop3A_316] {strides = array<i32>} : memref<16x512xi32, #tpu.memory_space<vmem>>, vector<16xi32>,
      %parallel_loop3A_318 = tpu.vector_load_idx %arg5[%parallel_loop3A_317] : memref<1024xf32, #tpu.memory_space<vmem>>[vector<16xi32>], vector<16xf32>,
      %parallel_loop3A_319 = arith.constant 0 : i32
      %parallel_loop3A_320 = arith.index_cast %parallel_loop3A_319 : i32 to index
      %parallel_loop3A_321 = arith.index_cast %parallel_loop3A_8 : i32 to index
      %parallel_loop3A_322 = arith.constant 272 : index
      %parallel_loop3A_323 = tpu.vector_load %arg7[%parallel_loop3A_320, %parallel_loop3A_321, %parallel_loop3A_322] {strides = array<i32>} : memref<2x16x512xf32, #tpu.memory_space<vmem>>, vector<16xf32>,
      tpu.vector_store %arg7[%parallel_loop3A_320, %parallel_loop3A_321, %parallel_loop3A_322], %parallel_loop3A_318 {strides = array<i32>} : memref<2x16x512xf32, #tpu.memory_space<vmem>>, vector<16xf32>,
      %parallel_loop3A_324 = arith.constant 512 : i32
      %parallel_loop3A_325 = vector.broadcast %parallel_loop3A_324 : i32 to vector<16xi32>
      %parallel_loop3A_326 = arith.addi %parallel_loop3A_317, %parallel_loop3A_325 : vector<16xi32>
      %parallel_loop3A_327 = tpu.vector_load_idx %arg5[%parallel_loop3A_326] : memref<1024xf32, #tpu.memory_space<vmem>>[vector<16xi32>], vector<16xf32>,
      %parallel_loop3A_328 = arith.constant 1 : i32
      %parallel_loop3A_329 = arith.index_cast %parallel_loop3A_328 : i32 to index
      %parallel_loop3A_330 = arith.index_cast %parallel_loop3A_8 : i32 to index
      %parallel_loop3A_331 = arith.constant 272 : index
      %parallel_loop3A_332 = tpu.vector_load %arg7[%parallel_loop3A_329, %parallel_loop3A_330, %parallel_loop3A_331] {strides = array<i32>} : memref<2x16x512xf32, #tpu.memory_space<vmem>>, vector<16xf32>,
      tpu.vector_store %arg7[%parallel_loop3A_329, %parallel_loop3A_330, %parallel_loop3A_331], %parallel_loop3A_327 {strides = array<i32>} : memref<2x16x512xf32, #tpu.memory_space<vmem>>, vector<16xf32>,
      %parallel_loop3A_333 = arith.index_cast %parallel_loop3A_8 : i32 to index
      %parallel_loop3A_334 = arith.constant 288 : index
      %parallel_loop3A_335 = tpu.vector_load %arg6[%parallel_loop3A_333, %parallel_loop3A_334] {strides = array<i32>} : memref<16x512xi32, #tpu.memory_space<vmem>>, vector<16xi32>,
      %parallel_loop3A_336 = tpu.vector_load_idx %arg5[%parallel_loop3A_335] : memref<1024xf32, #tpu.memory_space<vmem>>[vector<16xi32>], vector<16xf32>,
      %parallel_loop3A_337 = arith.constant 0 : i32
      %parallel_loop3A_338 = arith.index_cast %parallel_loop3A_337 : i32 to index
      %parallel_loop3A_339 = arith.index_cast %parallel_loop3A_8 : i32 to index
      %parallel_loop3A_340 = arith.constant 288 : index
      %parallel_loop3A_341 = tpu.vector_load %arg7[%parallel_loop3A_338, %parallel_loop3A_339, %parallel_loop3A_340] {strides = array<i32>} : memref<2x16x512xf32, #tpu.memory_space<vmem>>, vector<16xf32>,
      tpu.vector_store %arg7[%parallel_loop3A_338, %parallel_loop3A_339, %parallel_loop3A_340], %parallel_loop3A_336 {strides = array<i32>} : memref<2x16x512xf32, #tpu.memory_space<vmem>>, vector<16xf32>,
      %parallel_loop3A_342 = arith.constant 512 : i32
      %parallel_loop3A_343 = vector.broadcast %parallel_loop3A_342 : i32 to vector<16xi32>
      %parallel_loop3A_344 = arith.addi %parallel_loop3A_335, %parallel_loop3A_343 : vector<16xi32>
      %parallel_loop3A_345 = tpu.vector_load_idx %arg5[%parallel_loop3A_344] : memref<1024xf32, #tpu.memory_space<vmem>>[vector<16xi32>], vector<16xf32>,
      %parallel_loop3A_346 = arith.constant 1 : i32
      %parallel_loop3A_347 = arith.index_cast %parallel_loop3A_346 : i32 to index
      %parallel_loop3A_348 = arith.index_cast %parallel_loop3A_8 : i32 to index
      %parallel_loop3A_349 = arith.constant 288 : index
      %parallel_loop3A_350 = tpu.vector_load %arg7[%parallel_loop3A_347, %parallel_loop3A_348, %parallel_loop3A_349] {strides = array<i32>} : memref<2x16x512xf32, #tpu.memory_space<vmem>>, vector<16xf32>,
      tpu.vector_store %arg7[%parallel_loop3A_347, %parallel_loop3A_348, %parallel_loop3A_349], %parallel_loop3A_345 {strides = array<i32>} : memref<2x16x512xf32, #tpu.memory_space<vmem>>, vector<16xf32>,
      %parallel_loop3A_351 = arith.index_cast %parallel_loop3A_8 : i32 to index
      %parallel_loop3A_352 = arith.constant 304 : index
      %parallel_loop3A_353 = tpu.vector_load %arg6[%parallel_loop3A_351, %parallel_loop3A_352] {strides = array<i32>} : memref<16x512xi32, #tpu.memory_space<vmem>>, vector<16xi32>,
      %parallel_loop3A_354 = tpu.vector_load_idx %arg5[%parallel_loop3A_353] : memref<1024xf32, #tpu.memory_space<vmem>>[vector<16xi32>], vector<16xf32>,
      %parallel_loop3A_355 = arith.constant 0 : i32
      %parallel_loop3A_356 = arith.index_cast %parallel_loop3A_355 : i32 to index
      %parallel_loop3A_357 = arith.index_cast %parallel_loop3A_8 : i32 to index
      %parallel_loop3A_358 = arith.constant 304 : index
      %parallel_loop3A_359 = tpu.vector_load %arg7[%parallel_loop3A_356, %parallel_loop3A_357, %parallel_loop3A_358] {strides = array<i32>} : memref<2x16x512xf32, #tpu.memory_space<vmem>>, vector<16xf32>,
      tpu.vector_store %arg7[%parallel_loop3A_356, %parallel_loop3A_357, %parallel_loop3A_358], %parallel_loop3A_354 {strides = array<i32>} : memref<2x16x512xf32, #tpu.memory_space<vmem>>, vector<16xf32>,
      %parallel_loop3A_360 = arith.constant 512 : i32
      %parallel_loop3A_361 = vector.broadcast %parallel_loop3A_360 : i32 to vector<16xi32>
      %parallel_loop3A_362 = arith.addi %parallel_loop3A_353, %parallel_loop3A_361 : vector<16xi32>
      %parallel_loop3A_363 = tpu.vector_load_idx %arg5[%parallel_loop3A_362] : memref<1024xf32, #tpu.memory_space<vmem>>[vector<16xi32>], vector<16xf32>,
      %parallel_loop3A_364 = arith.constant 1 : i32
      %parallel_loop3A_365 = arith.index_cast %parallel_loop3A_364 : i32 to index
      %parallel_loop3A_366 = arith.index_cast %parallel_loop3A_8 : i32 to index
      %parallel_loop3A_367 = arith.constant 304 : index
      %parallel_loop3A_368 = tpu.vector_load %arg7[%parallel_loop3A_365, %parallel_loop3A_366, %parallel_loop3A_367] {strides = array<i32>} : memref<2x16x512xf32, #tpu.memory_space<vmem>>, vector<16xf32>,
      tpu.vector_store %arg7[%parallel_loop3A_365, %parallel_loop3A_366, %parallel_loop3A_367], %parallel_loop3A_363 {strides = array<i32>} : memref<2x16x512xf32, #tpu.memory_space<vmem>>, vector<16xf32>,
      %parallel_loop3A_369 = arith.index_cast %parallel_loop3A_8 : i32 to index
      %parallel_loop3A_370 = arith.constant 320 : index
      %parallel_loop3A_371 = tpu.vector_load %arg6[%parallel_loop3A_369, %parallel_loop3A_370] {strides = array<i32>} : memref<16x512xi32, #tpu.memory_space<vmem>>, vector<16xi32>,
      %parallel_loop3A_372 = tpu.vector_load_idx %arg5[%parallel_loop3A_371] : memref<1024xf32, #tpu.memory_space<vmem>>[vector<16xi32>], vector<16xf32>,
      %parallel_loop3A_373 = arith.constant 0 : i32
      %parallel_loop3A_374 = arith.index_cast %parallel_loop3A_373 : i32 to index
      %parallel_loop3A_375 = arith.index_cast %parallel_loop3A_8 : i32 to index
      %parallel_loop3A_376 = arith.constant 320 : index
      %parallel_loop3A_377 = tpu.vector_load %arg7[%parallel_loop3A_374, %parallel_loop3A_375, %parallel_loop3A_376] {strides = array<i32>} : memref<2x16x512xf32, #tpu.memory_space<vmem>>, vector<16xf32>,
      tpu.vector_store %arg7[%parallel_loop3A_374, %parallel_loop3A_375, %parallel_loop3A_376], %parallel_loop3A_372 {strides = array<i32>} : memref<2x16x512xf32, #tpu.memory_space<vmem>>, vector<16xf32>,
      %parallel_loop3A_378 = arith.constant 512 : i32
      %parallel_loop3A_379 = vector.broadcast %parallel_loop3A_378 : i32 to vector<16xi32>
      %parallel_loop3A_380 = arith.addi %parallel_loop3A_371, %parallel_loop3A_379 : vector<16xi32>
      %parallel_loop3A_381 = tpu.vector_load_idx %arg5[%parallel_loop3A_380] : memref<1024xf32, #tpu.memory_space<vmem>>[vector<16xi32>], vector<16xf32>,
      %parallel_loop3A_382 = arith.constant 1 : i32
      %parallel_loop3A_383 = arith.index_cast %parallel_loop3A_382 : i32 to index
      %parallel_loop3A_384 = arith.index_cast %parallel_loop3A_8 : i32 to index
      %parallel_loop3A_385 = arith.constant 320 : index
      %parallel_loop3A_386 = tpu.vector_load %arg7[%parallel_loop3A_383, %parallel_loop3A_384, %parallel_loop3A_385] {strides = array<i32>} : memref<2x16x512xf32, #tpu.memory_space<vmem>>, vector<16xf32>,
      tpu.vector_store %arg7[%parallel_loop3A_383, %parallel_loop3A_384, %parallel_loop3A_385], %parallel_loop3A_381 {strides = array<i32>} : memref<2x16x512xf32, #tpu.memory_space<vmem>>, vector<16xf32>,
      %parallel_loop3A_387 = arith.index_cast %parallel_loop3A_8 : i32 to index
      %parallel_loop3A_388 = arith.constant 336 : index
      %parallel_loop3A_389 = tpu.vector_load %arg6[%parallel_loop3A_387, %parallel_loop3A_388] {strides = array<i32>} : memref<16x512xi32, #tpu.memory_space<vmem>>, vector<16xi32>,
      %parallel_loop3A_390 = tpu.vector_load_idx %arg5[%parallel_loop3A_389] : memref<1024xf32, #tpu.memory_space<vmem>>[vector<16xi32>], vector<16xf32>,
      %parallel_loop3A_391 = arith.constant 0 : i32
      %parallel_loop3A_392 = arith.index_cast %parallel_loop3A_391 : i32 to index
      %parallel_loop3A_393 = arith.index_cast %parallel_loop3A_8 : i32 to index
      %parallel_loop3A_394 = arith.constant 336 : index
      %parallel_loop3A_395 = tpu.vector_load %arg7[%parallel_loop3A_392, %parallel_loop3A_393, %parallel_loop3A_394] {strides = array<i32>} : memref<2x16x512xf32, #tpu.memory_space<vmem>>, vector<16xf32>,
      tpu.vector_store %arg7[%parallel_loop3A_392, %parallel_loop3A_393, %parallel_loop3A_394], %parallel_loop3A_390 {strides = array<i32>} : memref<2x16x512xf32, #tpu.memory_space<vmem>>, vector<16xf32>,
      %parallel_loop3A_396 = arith.constant 512 : i32
      %parallel_loop3A_397 = vector.broadcast %parallel_loop3A_396 : i32 to vector<16xi32>
      %parallel_loop3A_398 = arith.addi %parallel_loop3A_389, %parallel_loop3A_397 : vector<16xi32>
      %parallel_loop3A_399 = tpu.vector_load_idx %arg5[%parallel_loop3A_398] : memref<1024xf32, #tpu.memory_space<vmem>>[vector<16xi32>], vector<16xf32>,
      %parallel_loop3A_400 = arith.constant 1 : i32
      %parallel_loop3A_401 = arith.index_cast %parallel_loop3A_400 : i32 to index
      %parallel_loop3A_402 = arith.index_cast %parallel_loop3A_8 : i32 to index
      %parallel_loop3A_403 = arith.constant 336 : index
      %parallel_loop3A_404 = tpu.vector_load %arg7[%parallel_loop3A_401, %parallel_loop3A_402, %parallel_loop3A_403] {strides = array<i32>} : memref<2x16x512xf32, #tpu.memory_space<vmem>>, vector<16xf32>,
      tpu.vector_store %arg7[%parallel_loop3A_401, %parallel_loop3A_402, %parallel_loop3A_403], %parallel_loop3A_399 {strides = array<i32>} : memref<2x16x512xf32, #tpu.memory_space<vmem>>, vector<16xf32>,
      %parallel_loop3A_405 = arith.index_cast %parallel_loop3A_8 : i32 to index
      %parallel_loop3A_406 = arith.constant 352 : index
      %parallel_loop3A_407 = tpu.vector_load %arg6[%parallel_loop3A_405, %parallel_loop3A_406] {strides = array<i32>} : memref<16x512xi32, #tpu.memory_space<vmem>>, vector<16xi32>,
      %parallel_loop3A_408 = tpu.vector_load_idx %arg5[%parallel_loop3A_407] : memref<1024xf32, #tpu.memory_space<vmem>>[vector<16xi32>], vector<16xf32>,
      %parallel_loop3A_409 = arith.constant 0 : i32
      %parallel_loop3A_410 = arith.index_cast %parallel_loop3A_409 : i32 to index
      %parallel_loop3A_411 = arith.index_cast %parallel_loop3A_8 : i32 to index
      %parallel_loop3A_412 = arith.constant 352 : index
      %parallel_loop3A_413 = tpu.vector_load %arg7[%parallel_loop3A_410, %parallel_loop3A_411, %parallel_loop3A_412] {strides = array<i32>} : memref<2x16x512xf32, #tpu.memory_space<vmem>>, vector<16xf32>,
      tpu.vector_store %arg7[%parallel_loop3A_410, %parallel_loop3A_411, %parallel_loop3A_412], %parallel_loop3A_408 {strides = array<i32>} : memref<2x16x512xf32, #tpu.memory_space<vmem>>, vector<16xf32>,
      %parallel_loop3A_414 = arith.constant 512 : i32
      %parallel_loop3A_415 = vector.broadcast %parallel_loop3A_414 : i32 to vector<16xi32>
      %parallel_loop3A_416 = arith.addi %parallel_loop3A_407, %parallel_loop3A_415 : vector<16xi32>
      %parallel_loop3A_417 = tpu.vector_load_idx %arg5[%parallel_loop3A_416] : memref<1024xf32, #tpu.memory_space<vmem>>[vector<16xi32>], vector<16xf32>,
      %parallel_loop3A_418 = arith.constant 1 : i32
      %parallel_loop3A_419 = arith.index_cast %parallel_loop3A_418 : i32 to index
      %parallel_loop3A_420 = arith.index_cast %parallel_loop3A_8 : i32 to index
      %parallel_loop3A_421 = arith.constant 352 : index
      %parallel_loop3A_422 = tpu.vector_load %arg7[%parallel_loop3A_419, %parallel_loop3A_420, %parallel_loop3A_421] {strides = array<i32>} : memref<2x16x512xf32, #tpu.memory_space<vmem>>, vector<16xf32>,
      tpu.vector_store %arg7[%parallel_loop3A_419, %parallel_loop3A_420, %parallel_loop3A_421], %parallel_loop3A_417 {strides = array<i32>} : memref<2x16x512xf32, #tpu.memory_space<vmem>>, vector<16xf32>,
      %parallel_loop3A_423 = arith.index_cast %parallel_loop3A_8 : i32 to index
      %parallel_loop3A_424 = arith.constant 368 : index
      %parallel_loop3A_425 = tpu.vector_load %arg6[%parallel_loop3A_423, %parallel_loop3A_424] {strides = array<i32>} : memref<16x512xi32, #tpu.memory_space<vmem>>, vector<16xi32>,
      %parallel_loop3A_426 = tpu.vector_load_idx %arg5[%parallel_loop3A_425] : memref<1024xf32, #tpu.memory_space<vmem>>[vector<16xi32>], vector<16xf32>,
      %parallel_loop3A_427 = arith.constant 0 : i32
      %parallel_loop3A_428 = arith.index_cast %parallel_loop3A_427 : i32 to index
      %parallel_loop3A_429 = arith.index_cast %parallel_loop3A_8 : i32 to index
      %parallel_loop3A_430 = arith.constant 368 : index
      %parallel_loop3A_431 = tpu.vector_load %arg7[%parallel_loop3A_428, %parallel_loop3A_429, %parallel_loop3A_430] {strides = array<i32>} : memref<2x16x512xf32, #tpu.memory_space<vmem>>, vector<16xf32>,
      tpu.vector_store %arg7[%parallel_loop3A_428, %parallel_loop3A_429, %parallel_loop3A_430], %parallel_loop3A_426 {strides = array<i32>} : memref<2x16x512xf32, #tpu.memory_space<vmem>>, vector<16xf32>,
      %parallel_loop3A_432 = arith.constant 512 : i32
      %parallel_loop3A_433 = vector.broadcast %parallel_loop3A_432 : i32 to vector<16xi32>
      %parallel_loop3A_434 = arith.addi %parallel_loop3A_425, %parallel_loop3A_433 : vector<16xi32>
      %parallel_loop3A_435 = tpu.vector_load_idx %arg5[%parallel_loop3A_434] : memref<1024xf32, #tpu.memory_space<vmem>>[vector<16xi32>], vector<16xf32>,
      %parallel_loop3A_436 = arith.constant 1 : i32
      %parallel_loop3A_437 = arith.index_cast %parallel_loop3A_436 : i32 to index
      %parallel_loop3A_438 = arith.index_cast %parallel_loop3A_8 : i32 to index
      %parallel_loop3A_439 = arith.constant 368 : index
      %parallel_loop3A_440 = tpu.vector_load %arg7[%parallel_loop3A_437, %parallel_loop3A_438, %parallel_loop3A_439] {strides = array<i32>} : memref<2x16x512xf32, #tpu.memory_space<vmem>>, vector<16xf32>,
      tpu.vector_store %arg7[%parallel_loop3A_437, %parallel_loop3A_438, %parallel_loop3A_439], %parallel_loop3A_435 {strides = array<i32>} : memref<2x16x512xf32, #tpu.memory_space<vmem>>, vector<16xf32>,
      %parallel_loop3A_441 = arith.index_cast %parallel_loop3A_8 : i32 to index
      %parallel_loop3A_442 = arith.constant 384 : index
      %parallel_loop3A_443 = tpu.vector_load %arg6[%parallel_loop3A_441, %parallel_loop3A_442] {strides = array<i32>} : memref<16x512xi32, #tpu.memory_space<vmem>>, vector<16xi32>,
      %parallel_loop3A_444 = tpu.vector_load_idx %arg5[%parallel_loop3A_443] : memref<1024xf32, #tpu.memory_space<vmem>>[vector<16xi32>], vector<16xf32>,
      %parallel_loop3A_445 = arith.constant 0 : i32
      %parallel_loop3A_446 = arith.index_cast %parallel_loop3A_445 : i32 to index
      %parallel_loop3A_447 = arith.index_cast %parallel_loop3A_8 : i32 to index
      %parallel_loop3A_448 = arith.constant 384 : index
      %parallel_loop3A_449 = tpu.vector_load %arg7[%parallel_loop3A_446, %parallel_loop3A_447, %parallel_loop3A_448] {strides = array<i32>} : memref<2x16x512xf32, #tpu.memory_space<vmem>>, vector<16xf32>,
      tpu.vector_store %arg7[%parallel_loop3A_446, %parallel_loop3A_447, %parallel_loop3A_448], %parallel_loop3A_444 {strides = array<i32>} : memref<2x16x512xf32, #tpu.memory_space<vmem>>, vector<16xf32>,
      %parallel_loop3A_450 = arith.constant 512 : i32
      %parallel_loop3A_451 = vector.broadcast %parallel_loop3A_450 : i32 to vector<16xi32>
      %parallel_loop3A_452 = arith.addi %parallel_loop3A_443, %parallel_loop3A_451 : vector<16xi32>
      %parallel_loop3A_453 = tpu.vector_load_idx %arg5[%parallel_loop3A_452] : memref<1024xf32, #tpu.memory_space<vmem>>[vector<16xi32>], vector<16xf32>,
      %parallel_loop3A_454 = arith.constant 1 : i32
      %parallel_loop3A_455 = arith.index_cast %parallel_loop3A_454 : i32 to index
      %parallel_loop3A_456 = arith.index_cast %parallel_loop3A_8 : i32 to index
      %parallel_loop3A_457 = arith.constant 384 : index
      %parallel_loop3A_458 = tpu.vector_load %arg7[%parallel_loop3A_455, %parallel_loop3A_456, %parallel_loop3A_457] {strides = array<i32>} : memref<2x16x512xf32, #tpu.memory_space<vmem>>, vector<16xf32>,
      tpu.vector_store %arg7[%parallel_loop3A_455, %parallel_loop3A_456, %parallel_loop3A_457], %parallel_loop3A_453 {strides = array<i32>} : memref<2x16x512xf32, #tpu.memory_space<vmem>>, vector<16xf32>,
      %parallel_loop3A_459 = arith.index_cast %parallel_loop3A_8 : i32 to index
      %parallel_loop3A_460 = arith.constant 400 : index
      %parallel_loop3A_461 = tpu.vector_load %arg6[%parallel_loop3A_459, %parallel_loop3A_460] {strides = array<i32>} : memref<16x512xi32, #tpu.memory_space<vmem>>, vector<16xi32>,
      %parallel_loop3A_462 = tpu.vector_load_idx %arg5[%parallel_loop3A_461] : memref<1024xf32, #tpu.memory_space<vmem>>[vector<16xi32>], vector<16xf32>,
      %parallel_loop3A_463 = arith.constant 0 : i32
      %parallel_loop3A_464 = arith.index_cast %parallel_loop3A_463 : i32 to index
      %parallel_loop3A_465 = arith.index_cast %parallel_loop3A_8 : i32 to index
      %parallel_loop3A_466 = arith.constant 400 : index
      %parallel_loop3A_467 = tpu.vector_load %arg7[%parallel_loop3A_464, %parallel_loop3A_465, %parallel_loop3A_466] {strides = array<i32>} : memref<2x16x512xf32, #tpu.memory_space<vmem>>, vector<16xf32>,
      tpu.vector_store %arg7[%parallel_loop3A_464, %parallel_loop3A_465, %parallel_loop3A_466], %parallel_loop3A_462 {strides = array<i32>} : memref<2x16x512xf32, #tpu.memory_space<vmem>>, vector<16xf32>,
      %parallel_loop3A_468 = arith.constant 512 : i32
      %parallel_loop3A_469 = vector.broadcast %parallel_loop3A_468 : i32 to vector<16xi32>
      %parallel_loop3A_470 = arith.addi %parallel_loop3A_461, %parallel_loop3A_469 : vector<16xi32>
      %parallel_loop3A_471 = tpu.vector_load_idx %arg5[%parallel_loop3A_470] : memref<1024xf32, #tpu.memory_space<vmem>>[vector<16xi32>], vector<16xf32>,
      %parallel_loop3A_472 = arith.constant 1 : i32
      %parallel_loop3A_473 = arith.index_cast %parallel_loop3A_472 : i32 to index
      %parallel_loop3A_474 = arith.index_cast %parallel_loop3A_8 : i32 to index
      %parallel_loop3A_475 = arith.constant 400 : index
      %parallel_loop3A_476 = tpu.vector_load %arg7[%parallel_loop3A_473, %parallel_loop3A_474, %parallel_loop3A_475] {strides = array<i32>} : memref<2x16x512xf32, #tpu.memory_space<vmem>>, vector<16xf32>,
      tpu.vector_store %arg7[%parallel_loop3A_473, %parallel_loop3A_474, %parallel_loop3A_475], %parallel_loop3A_471 {strides = array<i32>} : memref<2x16x512xf32, #tpu.memory_space<vmem>>, vector<16xf32>,
      %parallel_loop3A_477 = arith.index_cast %parallel_loop3A_8 : i32 to index
      %parallel_loop3A_478 = arith.constant 416 : index
      %parallel_loop3A_479 = tpu.vector_load %arg6[%parallel_loop3A_477, %parallel_loop3A_478] {strides = array<i32>} : memref<16x512xi32, #tpu.memory_space<vmem>>, vector<16xi32>,
      %parallel_loop3A_480 = tpu.vector_load_idx %arg5[%parallel_loop3A_479] : memref<1024xf32, #tpu.memory_space<vmem>>[vector<16xi32>], vector<16xf32>,
      %parallel_loop3A_481 = arith.constant 0 : i32
      %parallel_loop3A_482 = arith.index_cast %parallel_loop3A_481 : i32 to index
      %parallel_loop3A_483 = arith.index_cast %parallel_loop3A_8 : i32 to index
      %parallel_loop3A_484 = arith.constant 416 : index
      %parallel_loop3A_485 = tpu.vector_load %arg7[%parallel_loop3A_482, %parallel_loop3A_483, %parallel_loop3A_484] {strides = array<i32>} : memref<2x16x512xf32, #tpu.memory_space<vmem>>, vector<16xf32>,
      tpu.vector_store %arg7[%parallel_loop3A_482, %parallel_loop3A_483, %parallel_loop3A_484], %parallel_loop3A_480 {strides = array<i32>} : memref<2x16x512xf32, #tpu.memory_space<vmem>>, vector<16xf32>,
      %parallel_loop3A_486 = arith.constant 512 : i32
      %parallel_loop3A_487 = vector.broadcast %parallel_loop3A_486 : i32 to vector<16xi32>
      %parallel_loop3A_488 = arith.addi %parallel_loop3A_479, %parallel_loop3A_487 : vector<16xi32>
      %parallel_loop3A_489 = tpu.vector_load_idx %arg5[%parallel_loop3A_488] : memref<1024xf32, #tpu.memory_space<vmem>>[vector<16xi32>], vector<16xf32>,
      %parallel_loop3A_490 = arith.constant 1 : i32
      %parallel_loop3A_491 = arith.index_cast %parallel_loop3A_490 : i32 to index
      %parallel_loop3A_492 = arith.index_cast %parallel_loop3A_8 : i32 to index
      %parallel_loop3A_493 = arith.constant 416 : index
      %parallel_loop3A_494 = tpu.vector_load %arg7[%parallel_loop3A_491, %parallel_loop3A_492, %parallel_loop3A_493] {strides = array<i32>} : memref<2x16x512xf32, #tpu.memory_space<vmem>>, vector<16xf32>,
      tpu.vector_store %arg7[%parallel_loop3A_491, %parallel_loop3A_492, %parallel_loop3A_493], %parallel_loop3A_489 {strides = array<i32>} : memref<2x16x512xf32, #tpu.memory_space<vmem>>, vector<16xf32>,
      %parallel_loop3A_495 = arith.index_cast %parallel_loop3A_8 : i32 to index
      %parallel_loop3A_496 = arith.constant 432 : index
      %parallel_loop3A_497 = tpu.vector_load %arg6[%parallel_loop3A_495, %parallel_loop3A_496] {strides = array<i32>} : memref<16x512xi32, #tpu.memory_space<vmem>>, vector<16xi32>,
      %parallel_loop3A_498 = tpu.vector_load_idx %arg5[%parallel_loop3A_497] : memref<1024xf32, #tpu.memory_space<vmem>>[vector<16xi32>], vector<16xf32>,
      %parallel_loop3A_499 = arith.constant 0 : i32
      %parallel_loop3A_500 = arith.index_cast %parallel_loop3A_499 : i32 to index
      %parallel_loop3A_501 = arith.index_cast %parallel_loop3A_8 : i32 to index
      %parallel_loop3A_502 = arith.constant 432 : index
      %parallel_loop3A_503 = tpu.vector_load %arg7[%parallel_loop3A_500, %parallel_loop3A_501, %parallel_loop3A_502] {strides = array<i32>} : memref<2x16x512xf32, #tpu.memory_space<vmem>>, vector<16xf32>,
      tpu.vector_store %arg7[%parallel_loop3A_500, %parallel_loop3A_501, %parallel_loop3A_502], %parallel_loop3A_498 {strides = array<i32>} : memref<2x16x512xf32, #tpu.memory_space<vmem>>, vector<16xf32>,
      %parallel_loop3A_504 = arith.constant 512 : i32
      %parallel_loop3A_505 = vector.broadcast %parallel_loop3A_504 : i32 to vector<16xi32>
      %parallel_loop3A_506 = arith.addi %parallel_loop3A_497, %parallel_loop3A_505 : vector<16xi32>
      %parallel_loop3A_507 = tpu.vector_load_idx %arg5[%parallel_loop3A_506] : memref<1024xf32, #tpu.memory_space<vmem>>[vector<16xi32>], vector<16xf32>,
      %parallel_loop3A_508 = arith.constant 1 : i32
      %parallel_loop3A_509 = arith.index_cast %parallel_loop3A_508 : i32 to index
      %parallel_loop3A_510 = arith.index_cast %parallel_loop3A_8 : i32 to index
      %parallel_loop3A_511 = arith.constant 432 : index
      %parallel_loop3A_512 = tpu.vector_load %arg7[%parallel_loop3A_509, %parallel_loop3A_510, %parallel_loop3A_511] {strides = array<i32>} : memref<2x16x512xf32, #tpu.memory_space<vmem>>, vector<16xf32>,
      tpu.vector_store %arg7[%parallel_loop3A_509, %parallel_loop3A_510, %parallel_loop3A_511], %parallel_loop3A_507 {strides = array<i32>} : memref<2x16x512xf32, #tpu.memory_space<vmem>>, vector<16xf32>,
      %parallel_loop3A_513 = arith.index_cast %parallel_loop3A_8 : i32 to index
      %parallel_loop3A_514 = arith.constant 448 : index
      %parallel_loop3A_515 = tpu.vector_load %arg6[%parallel_loop3A_513, %parallel_loop3A_514] {strides = array<i32>} : memref<16x512xi32, #tpu.memory_space<vmem>>, vector<16xi32>,
      %parallel_loop3A_516 = tpu.vector_load_idx %arg5[%parallel_loop3A_515] : memref<1024xf32, #tpu.memory_space<vmem>>[vector<16xi32>], vector<16xf32>,
      %parallel_loop3A_517 = arith.constant 0 : i32
      %parallel_loop3A_518 = arith.index_cast %parallel_loop3A_517 : i32 to index
      %parallel_loop3A_519 = arith.index_cast %parallel_loop3A_8 : i32 to index
      %parallel_loop3A_520 = arith.constant 448 : index
      %parallel_loop3A_521 = tpu.vector_load %arg7[%parallel_loop3A_518, %parallel_loop3A_519, %parallel_loop3A_520] {strides = array<i32>} : memref<2x16x512xf32, #tpu.memory_space<vmem>>, vector<16xf32>,
      tpu.vector_store %arg7[%parallel_loop3A_518, %parallel_loop3A_519, %parallel_loop3A_520], %parallel_loop3A_516 {strides = array<i32>} : memref<2x16x512xf32, #tpu.memory_space<vmem>>, vector<16xf32>,
      %parallel_loop3A_522 = arith.constant 512 : i32
      %parallel_loop3A_523 = vector.broadcast %parallel_loop3A_522 : i32 to vector<16xi32>
      %parallel_loop3A_524 = arith.addi %parallel_loop3A_515, %parallel_loop3A_523 : vector<16xi32>
      %parallel_loop3A_525 = tpu.vector_load_idx %arg5[%parallel_loop3A_524] : memref<1024xf32, #tpu.memory_space<vmem>>[vector<16xi32>], vector<16xf32>,
      %parallel_loop3A_526 = arith.constant 1 : i32
      %parallel_loop3A_527 = arith.index_cast %parallel_loop3A_526 : i32 to index
      %parallel_loop3A_528 = arith.index_cast %parallel_loop3A_8 : i32 to index
      %parallel_loop3A_529 = arith.constant 448 : index
      %parallel_loop3A_530 = tpu.vector_load %arg7[%parallel_loop3A_527, %parallel_loop3A_528, %parallel_loop3A_529] {strides = array<i32>} : memref<2x16x512xf32, #tpu.memory_space<vmem>>, vector<16xf32>,
      tpu.vector_store %arg7[%parallel_loop3A_527, %parallel_loop3A_528, %parallel_loop3A_529], %parallel_loop3A_525 {strides = array<i32>} : memref<2x16x512xf32, #tpu.memory_space<vmem>>, vector<16xf32>,
      %parallel_loop3A_531 = arith.index_cast %parallel_loop3A_8 : i32 to index
      %parallel_loop3A_532 = arith.constant 464 : index
      %parallel_loop3A_533 = tpu.vector_load %arg6[%parallel_loop3A_531, %parallel_loop3A_532] {strides = array<i32>} : memref<16x512xi32, #tpu.memory_space<vmem>>, vector<16xi32>,
      %parallel_loop3A_534 = tpu.vector_load_idx %arg5[%parallel_loop3A_533] : memref<1024xf32, #tpu.memory_space<vmem>>[vector<16xi32>], vector<16xf32>,
      %parallel_loop3A_535 = arith.constant 0 : i32
      %parallel_loop3A_536 = arith.index_cast %parallel_loop3A_535 : i32 to index
      %parallel_loop3A_537 = arith.index_cast %parallel_loop3A_8 : i32 to index
      %parallel_loop3A_538 = arith.constant 464 : index
      %parallel_loop3A_539 = tpu.vector_load %arg7[%parallel_loop3A_536, %parallel_loop3A_537, %parallel_loop3A_538] {strides = array<i32>} : memref<2x16x512xf32, #tpu.memory_space<vmem>>, vector<16xf32>,
      tpu.vector_store %arg7[%parallel_loop3A_536, %parallel_loop3A_537, %parallel_loop3A_538], %parallel_loop3A_534 {strides = array<i32>} : memref<2x16x512xf32, #tpu.memory_space<vmem>>, vector<16xf32>,
      %parallel_loop3A_540 = arith.constant 512 : i32
      %parallel_loop3A_541 = vector.broadcast %parallel_loop3A_540 : i32 to vector<16xi32>
      %parallel_loop3A_542 = arith.addi %parallel_loop3A_533, %parallel_loop3A_541 : vector<16xi32>
      %parallel_loop3A_543 = tpu.vector_load_idx %arg5[%parallel_loop3A_542] : memref<1024xf32, #tpu.memory_space<vmem>>[vector<16xi32>], vector<16xf32>,
      %parallel_loop3A_544 = arith.constant 1 : i32
      %parallel_loop3A_545 = arith.index_cast %parallel_loop3A_544 : i32 to index
      %parallel_loop3A_546 = arith.index_cast %parallel_loop3A_8 : i32 to index
      %parallel_loop3A_547 = arith.constant 464 : index
      %parallel_loop3A_548 = tpu.vector_load %arg7[%parallel_loop3A_545, %parallel_loop3A_546, %parallel_loop3A_547] {strides = array<i32>} : memref<2x16x512xf32, #tpu.memory_space<vmem>>, vector<16xf32>,
      tpu.vector_store %arg7[%parallel_loop3A_545, %parallel_loop3A_546, %parallel_loop3A_547], %parallel_loop3A_543 {strides = array<i32>} : memref<2x16x512xf32, #tpu.memory_space<vmem>>, vector<16xf32>,
      %parallel_loop3A_549 = arith.index_cast %parallel_loop3A_8 : i32 to index
      %parallel_loop3A_550 = arith.constant 480 : index
      %parallel_loop3A_551 = tpu.vector_load %arg6[%parallel_loop3A_549, %parallel_loop3A_550] {strides = array<i32>} : memref<16x512xi32, #tpu.memory_space<vmem>>, vector<16xi32>,
      %parallel_loop3A_552 = tpu.vector_load_idx %arg5[%parallel_loop3A_551] : memref<1024xf32, #tpu.memory_space<vmem>>[vector<16xi32>], vector<16xf32>,
      %parallel_loop3A_553 = arith.constant 0 : i32
      %parallel_loop3A_554 = arith.index_cast %parallel_loop3A_553 : i32 to index
      %parallel_loop3A_555 = arith.index_cast %parallel_loop3A_8 : i32 to index
      %parallel_loop3A_556 = arith.constant 480 : index
      %parallel_loop3A_557 = tpu.vector_load %arg7[%parallel_loop3A_554, %parallel_loop3A_555, %parallel_loop3A_556] {strides = array<i32>} : memref<2x16x512xf32, #tpu.memory_space<vmem>>, vector<16xf32>,
      tpu.vector_store %arg7[%parallel_loop3A_554, %parallel_loop3A_555, %parallel_loop3A_556], %parallel_loop3A_552 {strides = array<i32>} : memref<2x16x512xf32, #tpu.memory_space<vmem>>, vector<16xf32>,
      %parallel_loop3A_558 = arith.constant 512 : i32
      %parallel_loop3A_559 = vector.broadcast %parallel_loop3A_558 : i32 to vector<16xi32>
      %parallel_loop3A_560 = arith.addi %parallel_loop3A_551, %parallel_loop3A_559 : vector<16xi32>
      %parallel_loop3A_561 = tpu.vector_load_idx %arg5[%parallel_loop3A_560] : memref<1024xf32, #tpu.memory_space<vmem>>[vector<16xi32>], vector<16xf32>,
      %parallel_loop3A_562 = arith.constant 1 : i32
      %parallel_loop3A_563 = arith.index_cast %parallel_loop3A_562 : i32 to index
      %parallel_loop3A_564 = arith.index_cast %parallel_loop3A_8 : i32 to index
      %parallel_loop3A_565 = arith.constant 480 : index
      %parallel_loop3A_566 = tpu.vector_load %arg7[%parallel_loop3A_563, %parallel_loop3A_564, %parallel_loop3A_565] {strides = array<i32>} : memref<2x16x512xf32, #tpu.memory_space<vmem>>, vector<16xf32>,
      tpu.vector_store %arg7[%parallel_loop3A_563, %parallel_loop3A_564, %parallel_loop3A_565], %parallel_loop3A_561 {strides = array<i32>} : memref<2x16x512xf32, #tpu.memory_space<vmem>>, vector<16xf32>,
      %parallel_loop3A_567 = arith.index_cast %parallel_loop3A_8 : i32 to index
      %parallel_loop3A_568 = arith.constant 496 : index
      %parallel_loop3A_569 = tpu.vector_load %arg6[%parallel_loop3A_567, %parallel_loop3A_568] {strides = array<i32>} : memref<16x512xi32, #tpu.memory_space<vmem>>, vector<16xi32>,
      %parallel_loop3A_570 = tpu.vector_load_idx %arg5[%parallel_loop3A_569] : memref<1024xf32, #tpu.memory_space<vmem>>[vector<16xi32>], vector<16xf32>,
      %parallel_loop3A_571 = arith.constant 0 : i32
      %parallel_loop3A_572 = arith.index_cast %parallel_loop3A_571 : i32 to index
      %parallel_loop3A_573 = arith.index_cast %parallel_loop3A_8 : i32 to index
      %parallel_loop3A_574 = arith.constant 496 : index
      %parallel_loop3A_575 = tpu.vector_load %arg7[%parallel_loop3A_572, %parallel_loop3A_573, %parallel_loop3A_574] {strides = array<i32>} : memref<2x16x512xf32, #tpu.memory_space<vmem>>, vector<16xf32>,
      tpu.vector_store %arg7[%parallel_loop3A_572, %parallel_loop3A_573, %parallel_loop3A_574], %parallel_loop3A_570 {strides = array<i32>} : memref<2x16x512xf32, #tpu.memory_space<vmem>>, vector<16xf32>,
      %parallel_loop3A_576 = arith.constant 512 : i32
      %parallel_loop3A_577 = vector.broadcast %parallel_loop3A_576 : i32 to vector<16xi32>
      %parallel_loop3A_578 = arith.addi %parallel_loop3A_569, %parallel_loop3A_577 : vector<16xi32>
      %parallel_loop3A_579 = tpu.vector_load_idx %arg5[%parallel_loop3A_578] : memref<1024xf32, #tpu.memory_space<vmem>>[vector<16xi32>], vector<16xf32>,
      %parallel_loop3A_580 = arith.constant 1 : i32
      %parallel_loop3A_581 = arith.index_cast %parallel_loop3A_580 : i32 to index
      %parallel_loop3A_582 = arith.index_cast %parallel_loop3A_8 : i32 to index
      %parallel_loop3A_583 = arith.constant 496 : index
      %parallel_loop3A_584 = tpu.vector_load %arg7[%parallel_loop3A_581, %parallel_loop3A_582, %parallel_loop3A_583] {strides = array<i32>} : memref<2x16x512xf32, #tpu.memory_space<vmem>>, vector<16xf32>,
      tpu.vector_store %arg7[%parallel_loop3A_581, %parallel_loop3A_582, %parallel_loop3A_583], %parallel_loop3A_579 {strides = array<i32>} : memref<2x16x512xf32, #tpu.memory_space<vmem>>, vector<16xf32>,
    } {sc.loop_unroll_factor = 2 : i64, sc.parallel_access}
    %run_scoped3A = arith.constant 0 : i32
    %run_scoped3A_5 = arith.constant 0 : i32
    "tpu.region"() ({
      %run_scoped3A_8 = tpu.sem_alloc : memref<!tpu.dma_semaphore, #tpu.memory_space<semaphore_mem>>
      %dma_start3A = arith.constant 0 : i32
      %dma_start3A_9 = arith.constant 0 : i32
      %dma_start3A_10 = tpu.memref_slice %arg7[%run_scoped3A, %dma_start3A, %dma_start3A_9] : memref<2x16x512xf32, #tpu.memory_space<vmem>> -> memref<1x16x512xf32, #tpu.memory_space<vmem>>
      %dma_start3A_11 = tpu.memref_squeeze %dma_start3A_10 : memref<1x16x512xf32, #tpu.memory_space<vmem>> -> memref<16x512xf32, #tpu.memory_space<vmem>>
      %dma_start3A_12 = arith.constant 0 : i32
      %dma_start3A_13 = tpu.memref_slice %arg4[%run_scoped3A_5, %mul3A_2, %dma_start3A_12] : memref<2x512x512xf32, #tpu.memory_space<hbm>> -> memref<1x16x512xf32, #tpu.memory_space<hbm>>
      %dma_start3A_14 = tpu.memref_squeeze %dma_start3A_13 : memref<1x16x512xf32, #tpu.memory_space<hbm>> -> memref<16x512xf32, #tpu.memory_space<hbm>>
      %dma_start3A_15 = arith.constant 0 : i32
      %dma_start3A_16 = tpu.memref_slice %arg4[%run_scoped3A_5, %mul3A_2, %dma_start3A_15] : memref<2x512x512xf32, #tpu.memory_space<hbm>> -> memref<1x16x512xf32, #tpu.memory_space<hbm>>
      %dma_start3A_17 = tpu.memref_squeeze %dma_start3A_16 : memref<1x16x512xf32, #tpu.memory_space<hbm>> -> memref<16x512xf32, #tpu.memory_space<hbm>>
      %dma_start3A_18 = arith.constant 0 : i32
      %dma_start3A_19 = arith.constant 0 : i32
      %dma_start3A_20 = tpu.memref_slice %arg7[%run_scoped3A, %dma_start3A_18, %dma_start3A_19] : memref<2x16x512xf32, #tpu.memory_space<vmem>> -> memref<1x16x512xf32, #tpu.memory_space<vmem>>
      %dma_start3A_21 = tpu.memref_squeeze %dma_start3A_20 : memref<1x16x512xf32, #tpu.memory_space<vmem>> -> memref<16x512xf32, #tpu.memory_space<vmem>>
      tpu.enqueue_dma source(%dma_start3A_21 : memref<16x512xf32, #tpu.memory_space<vmem>>) target(%dma_start3A_17 : memref<16x512xf32, #tpu.memory_space<hbm>>) target_semaphore(%run_scoped3A_8 : memref<!tpu.dma_semaphore, #tpu.memory_space<semaphore_mem>>)
      %dma_wait3A = arith.constant 0 : i32
      %dma_wait3A_22 = arith.constant 0 : i32
      %dma_wait3A_23 = tpu.memref_slice %arg7[%run_scoped3A, %dma_wait3A, %dma_wait3A_22] : memref<2x16x512xf32, #tpu.memory_space<vmem>> -> memref<1x16x512xf32, #tpu.memory_space<vmem>>
      %dma_wait3A_24 = tpu.memref_squeeze %dma_wait3A_23 : memref<1x16x512xf32, #tpu.memory_space<vmem>> -> memref<16x512xf32, #tpu.memory_space<vmem>>
      %dma_wait3A_25 = arith.constant 0 : i32
      %dma_wait3A_26 = tpu.memref_slice %arg4[%run_scoped3A_5, %mul3A_2, %dma_wait3A_25] : memref<2x512x512xf32, #tpu.memory_space<hbm>> -> memref<1x16x512xf32, #tpu.memory_space<hbm>>
      %dma_wait3A_27 = tpu.memref_squeeze %dma_wait3A_26 : memref<1x16x512xf32, #tpu.memory_space<hbm>> -> memref<16x512xf32, #tpu.memory_space<hbm>>
      %dma_wait3A_28 = arith.constant 0 : i32
      %dma_wait3A_29 = tpu.memref_slice %arg4[%run_scoped3A_5, %mul3A_2, %dma_wait3A_28] : memref<2x512x512xf32, #tpu.memory_space<hbm>> -> memref<1x16x512xf32, #tpu.memory_space<hbm>>
      %dma_wait3A_30 = tpu.memref_squeeze %dma_wait3A_29 : memref<1x16x512xf32, #tpu.memory_space<hbm>> -> memref<16x512xf32, #tpu.memory_space<hbm>>
      %dma_wait3A_31 = arith.constant 0 : i32
      %dma_wait3A_32 = arith.constant 0 : i32
      %dma_wait3A_33 = tpu.memref_slice %arg7[%run_scoped3A, %dma_wait3A_31, %dma_wait3A_32] : memref<2x16x512xf32, #tpu.memory_space<vmem>> -> memref<1x16x512xf32, #tpu.memory_space<vmem>>
      %dma_wait3A_34 = tpu.memref_squeeze %dma_wait3A_33 : memref<1x16x512xf32, #tpu.memory_space<vmem>> -> memref<16x512xf32, #tpu.memory_space<vmem>>
      tpu.wait_dma2 semaphore(%run_scoped3A_8 : memref<!tpu.dma_semaphore, #tpu.memory_space<semaphore_mem>>) src(%dma_wait3A_34 : memref<16x512xf32, #tpu.memory_space<vmem>>) dst(%dma_wait3A_30 : memref<16x512xf32, #tpu.memory_space<hbm>>)
      tpu.yield
    }) : () -> ()
    %run_scoped3A_6 = arith.constant 1 : i32
    %run_scoped3A_7 = arith.constant 1 : i32
    "tpu.region"() ({
      %run_scoped3A_8 = tpu.sem_alloc : memref<!tpu.dma_semaphore, #tpu.memory_space<semaphore_mem>>
      %dma_start3A = arith.constant 0 : i32
      %dma_start3A_9 = arith.constant 0 : i32
      %dma_start3A_10 = tpu.memref_slice %arg7[%run_scoped3A_6, %dma_start3A, %dma_start3A_9] : memref<2x16x512xf32, #tpu.memory_space<vmem>> -> memref<1x16x512xf32, #tpu.memory_space<vmem>>
      %dma_start3A_11 = tpu.memref_squeeze %dma_start3A_10 : memref<1x16x512xf32, #tpu.memory_space<vmem>> -> memref<16x512xf32, #tpu.memory_space<vmem>>
      %dma_start3A_12 = arith.constant 0 : i32
      %dma_start3A_13 = tpu.memref_slice %arg4[%run_scoped3A_7, %mul3A_2, %dma_start3A_12] : memref<2x512x512xf32, #tpu.memory_space<hbm>> -> memref<1x16x512xf32, #tpu.memory_space<hbm>>
      %dma_start3A_14 = tpu.memref_squeeze %dma_start3A_13 : memref<1x16x512xf32, #tpu.memory_space<hbm>> -> memref<16x512xf32, #tpu.memory_space<hbm>>
      %dma_start3A_15 = arith.constant 0 : i32
      %dma_start3A_16 = tpu.memref_slice %arg4[%run_scoped3A_7, %mul3A_2, %dma_start3A_15] : memref<2x512x512xf32, #tpu.memory_space<hbm>> -> memref<1x16x512xf32, #tpu.memory_space<hbm>>
      %dma_start3A_17 = tpu.memref_squeeze %dma_start3A_16 : memref<1x16x512xf32, #tpu.memory_space<hbm>> -> memref<16x512xf32, #tpu.memory_space<hbm>>
      %dma_start3A_18 = arith.constant 0 : i32
      %dma_start3A_19 = arith.constant 0 : i32
      %dma_start3A_20 = tpu.memref_slice %arg7[%run_scoped3A_6, %dma_start3A_18, %dma_start3A_19] : memref<2x16x512xf32, #tpu.memory_space<vmem>> -> memref<1x16x512xf32, #tpu.memory_space<vmem>>
      %dma_start3A_21 = tpu.memref_squeeze %dma_start3A_20 : memref<1x16x512xf32, #tpu.memory_space<vmem>> -> memref<16x512xf32, #tpu.memory_space<vmem>>
      tpu.enqueue_dma source(%dma_start3A_21 : memref<16x512xf32, #tpu.memory_space<vmem>>) target(%dma_start3A_17 : memref<16x512xf32, #tpu.memory_space<hbm>>) target_semaphore(%run_scoped3A_8 : memref<!tpu.dma_semaphore, #tpu.memory_space<semaphore_mem>>)
      %dma_wait3A = arith.constant 0 : i32
      %dma_wait3A_22 = arith.constant 0 : i32
      %dma_wait3A_23 = tpu.memref_slice %arg7[%run_scoped3A_6, %dma_wait3A, %dma_wait3A_22] : memref<2x16x512xf32, #tpu.memory_space<vmem>> -> memref<1x16x512xf32, #tpu.memory_space<vmem>>
      %dma_wait3A_24 = tpu.memref_squeeze %dma_wait3A_23 : memref<1x16x512xf32, #tpu.memory_space<vmem>> -> memref<16x512xf32, #tpu.memory_space<vmem>>
      %dma_wait3A_25 = arith.constant 0 : i32
      %dma_wait3A_26 = tpu.memref_slice %arg4[%run_scoped3A_7, %mul3A_2, %dma_wait3A_25] : memref<2x512x512xf32, #tpu.memory_space<hbm>> -> memref<1x16x512xf32, #tpu.memory_space<hbm>>
      %dma_wait3A_27 = tpu.memref_squeeze %dma_wait3A_26 : memref<1x16x512xf32, #tpu.memory_space<hbm>> -> memref<16x512xf32, #tpu.memory_space<hbm>>
      %dma_wait3A_28 = arith.constant 0 : i32
      %dma_wait3A_29 = tpu.memref_slice %arg4[%run_scoped3A_7, %mul3A_2, %dma_wait3A_28] : memref<2x512x512xf32, #tpu.memory_space<hbm>> -> memref<1x16x512xf32, #tpu.memory_space<hbm>>
      %dma_wait3A_30 = tpu.memref_squeeze %dma_wait3A_29 : memref<1x16x512xf32, #tpu.memory_space<hbm>> -> memref<16x512xf32, #tpu.memory_space<hbm>>
      %dma_wait3A_31 = arith.constant 0 : i32
      %dma_wait3A_32 = arith.constant 0 : i32
      %dma_wait3A_33 = tpu.memref_slice %arg7[%run_scoped3A_6, %dma_wait3A_31, %dma_wait3A_32] : memref<2x16x512xf32, #tpu.memory_space<vmem>> -> memref<1x16x512xf32, #tpu.memory_space<vmem>>
      %dma_wait3A_34 = tpu.memref_squeeze %dma_wait3A_33 : memref<1x16x512xf32, #tpu.memory_space<vmem>> -> memref<16x512xf32, #tpu.memory_space<vmem>>
      tpu.wait_dma2 semaphore(%run_scoped3A_8 : memref<!tpu.dma_semaphore, #tpu.memory_space<semaphore_mem>>) src(%dma_wait3A_34 : memref<16x512xf32, #tpu.memory_space<vmem>>) dst(%dma_wait3A_30 : memref<16x512xf32, #tpu.memory_space<hbm>>)
      tpu.yield
    }) : () -> ()
    return
  }
}

module attributes {stable_mosaic.version = 14 : i64} {
  func.func @_levels_body(%arg0: memref<2x512x16xf32, #tpu.memory_space<vmem>>, %arg1: memref<2x512x16xf32, #tpu.memory_space<vmem>>, %arg2: memref<2x512xf32, #tpu.memory_space<vmem>>) attributes {dimension_semantics = [], scalar_prefetch = 0 : i64, scratch_operands = 0 : i64, tpu.core_type = #tpu.core_type<tc>} {
    %iota3A = tpu.iota {dimensions = array<i32: 1>} : vector<512x16xi32>
    %convert_element_type3A = arith.sitofp %iota3A : vector<512x16xi32> to vector<512x16xf32>
    %get3A = arith.constant 0 : index
    %get3A_0 = arith.constant 0 : index
    %get3A_1 = arith.constant 0 : index
    %get3A_2 = vector.load %arg1[%get3A, %get3A_0, %get3A_1] : memref<2x512x16xf32, #tpu.memory_space<vmem>>, vector<1x512x16xf32>
    %get3A_3 = vector.shape_cast %get3A_2 : vector<1x512x16xf32> to vector<512x16xf32>
    %add3A = arith.constant 9.99999968E-21 : f32
    %add3A_4 = vector.broadcast %add3A : f32 to vector<512x16xf32>
    %add3A_5 = arith.addf %get3A_3, %add3A_4 : vector<512x16xf32>
    %log3A = math.log %add3A_5 : vector<512x16xf32>
    %neg3A = arith.constant 0.000000e+00 : f32
    %neg3A_6 = vector.broadcast %neg3A : f32 to vector<512x16xf32>
    %neg3A_7 = arith.subf %neg3A_6, %log3A : vector<512x16xf32>
    %add3A_8 = arith.constant 9.99999968E-21 : f32
    %add3A_9 = vector.broadcast %add3A_8 : f32 to vector<512x16xf32>
    %add3A_10 = arith.addf %neg3A_7, %add3A_9 : vector<512x16xf32>
    %log3A_11 = math.log %add3A_10 : vector<512x16xf32>
    %neg3A_12 = arith.constant 0.000000e+00 : f32
    %neg3A_13 = vector.broadcast %neg3A_12 : f32 to vector<512x16xf32>
    %neg3A_14 = arith.subf %neg3A_13, %log3A_11 : vector<512x16xf32>
    %get3A_15 = arith.constant 0 : index
    %get3A_16 = arith.constant 0 : index
    %get3A_17 = arith.constant 0 : index
    %get3A_18 = vector.load %arg0[%get3A_15, %get3A_16, %get3A_17] : memref<2x512x16xf32, #tpu.memory_space<vmem>>, vector<1x512x16xf32>
    %get3A_19 = vector.shape_cast %get3A_18 : vector<1x512x16xf32> to vector<512x16xf32>
    %add3A_20 = arith.addf %get3A_19, %neg3A_14 : vector<512x16xf32>
    %reduce_max3A = arith.constant dense<0xFF800000> : vector<512xf32>
    %reduce_max3A_21 = vector.multi_reduction <maximumf>, %add3A_20, %reduce_max3A [1] : vector<512x16xf32> to vector<512xf32>
    %broadcast_in_dim3A = vector.shape_cast %reduce_max3A_21 : vector<512xf32> to vector<512x1xf32>
    %sub3A = vector.broadcast %broadcast_in_dim3A : vector<512x1xf32> to vector<512x16xf32>
    %sub3A_22 = arith.subf %add3A_20, %sub3A : vector<512x16xf32>
    %exp3A = math.exp %sub3A_22 : vector<512x16xf32>
    %reduce_sum3A = arith.constant dense<0.000000e+00> : vector<512xf32>
    %reduce_sum3A_23 = vector.multi_reduction <add>, %exp3A, %reduce_sum3A [1] : vector<512x16xf32> to vector<512xf32>
    %mul3A = arith.mulf %exp3A, %convert_element_type3A : vector<512x16xf32>
    %reduce_sum3A_24 = arith.constant dense<0.000000e+00> : vector<512xf32>
    %reduce_sum3A_25 = vector.multi_reduction <add>, %mul3A, %reduce_sum3A_24 [1] : vector<512x16xf32> to vector<512xf32>
    %div3A = arith.divf %reduce_sum3A_25, %reduce_sum3A_23 : vector<512xf32>
    %mul3A_26 = arith.constant 1.000000e-03 : f32
    %mul3A_27 = vector.broadcast %mul3A_26 : f32 to vector<512xf32>
    %mul3A_28 = arith.mulf %div3A, %mul3A_27 : vector<512xf32>
    %swap3A = arith.constant 0 : index
    %swap3A_29 = arith.constant 0 : index
    %swap3A_30 = vector.load %arg2[%swap3A, %swap3A_29] : memref<2x512xf32, #tpu.memory_space<vmem>>, vector<1x512xf32>
    %swap3A_31 = vector.shape_cast %swap3A_30 : vector<1x512xf32> to vector<512xf32>
    %swap3A_32 = vector.shape_cast %mul3A_28 : vector<512xf32> to vector<1x512xf32>
    tpu.vector_store %arg2[%swap3A, %swap3A_29], %swap3A_32 {strides = array<i32>} : memref<2x512xf32, #tpu.memory_space<vmem>>, vector<1x512xf32>,
    %get3A_33 = arith.constant 1 : index
    %get3A_34 = arith.constant 0 : index
    %get3A_35 = arith.constant 0 : index
    %get3A_36 = vector.load %arg1[%get3A_33, %get3A_34, %get3A_35] : memref<2x512x16xf32, #tpu.memory_space<vmem>>, vector<1x512x16xf32>
    %get3A_37 = vector.shape_cast %get3A_36 : vector<1x512x16xf32> to vector<512x16xf32>
    %add3A_38 = arith.constant 9.99999968E-21 : f32
    %add3A_39 = vector.broadcast %add3A_38 : f32 to vector<512x16xf32>
    %add3A_40 = arith.addf %get3A_37, %add3A_39 : vector<512x16xf32>
    %log3A_41 = math.log %add3A_40 : vector<512x16xf32>
    %neg3A_42 = arith.constant 0.000000e+00 : f32
    %neg3A_43 = vector.broadcast %neg3A_42 : f32 to vector<512x16xf32>
    %neg3A_44 = arith.subf %neg3A_43, %log3A_41 : vector<512x16xf32>
    %add3A_45 = arith.constant 9.99999968E-21 : f32
    %add3A_46 = vector.broadcast %add3A_45 : f32 to vector<512x16xf32>
    %add3A_47 = arith.addf %neg3A_44, %add3A_46 : vector<512x16xf32>
    %log3A_48 = math.log %add3A_47 : vector<512x16xf32>
    %neg3A_49 = arith.constant 0.000000e+00 : f32
    %neg3A_50 = vector.broadcast %neg3A_49 : f32 to vector<512x16xf32>
    %neg3A_51 = arith.subf %neg3A_50, %log3A_48 : vector<512x16xf32>
    %get3A_52 = arith.constant 1 : index
    %get3A_53 = arith.constant 0 : index
    %get3A_54 = arith.constant 0 : index
    %get3A_55 = vector.load %arg0[%get3A_52, %get3A_53, %get3A_54] : memref<2x512x16xf32, #tpu.memory_space<vmem>>, vector<1x512x16xf32>
    %get3A_56 = vector.shape_cast %get3A_55 : vector<1x512x16xf32> to vector<512x16xf32>
    %add3A_57 = arith.addf %get3A_56, %neg3A_51 : vector<512x16xf32>
    %reduce_max3A_58 = arith.constant dense<0xFF800000> : vector<512xf32>
    %reduce_max3A_59 = vector.multi_reduction <maximumf>, %add3A_57, %reduce_max3A_58 [1] : vector<512x16xf32> to vector<512xf32>
    %broadcast_in_dim3A_60 = vector.shape_cast %reduce_max3A_59 : vector<512xf32> to vector<512x1xf32>
    %sub3A_61 = vector.broadcast %broadcast_in_dim3A_60 : vector<512x1xf32> to vector<512x16xf32>
    %sub3A_62 = arith.subf %add3A_57, %sub3A_61 : vector<512x16xf32>
    %exp3A_63 = math.exp %sub3A_62 : vector<512x16xf32>
    %reduce_sum3A_64 = arith.constant dense<0.000000e+00> : vector<512xf32>
    %reduce_sum3A_65 = vector.multi_reduction <add>, %exp3A_63, %reduce_sum3A_64 [1] : vector<512x16xf32> to vector<512xf32>
    %mul3A_66 = arith.mulf %exp3A_63, %convert_element_type3A : vector<512x16xf32>
    %reduce_sum3A_67 = arith.constant dense<0.000000e+00> : vector<512xf32>
    %reduce_sum3A_68 = vector.multi_reduction <add>, %mul3A_66, %reduce_sum3A_67 [1] : vector<512x16xf32> to vector<512xf32>
    %div3A_69 = arith.divf %reduce_sum3A_68, %reduce_sum3A_65 : vector<512xf32>
    %mul3A_70 = arith.constant 1.000000e-03 : f32
    %mul3A_71 = vector.broadcast %mul3A_70 : f32 to vector<512xf32>
    %mul3A_72 = arith.mulf %div3A_69, %mul3A_71 : vector<512xf32>
    %swap3A_73 = arith.constant 1 : index
    %swap3A_74 = arith.constant 0 : index
    %swap3A_75 = vector.load %arg2[%swap3A_73, %swap3A_74] : memref<2x512xf32, #tpu.memory_space<vmem>>, vector<1x512xf32>
    %swap3A_76 = vector.shape_cast %swap3A_75 : vector<1x512xf32> to vector<512xf32>
    %swap3A_77 = vector.shape_cast %mul3A_72 : vector<512xf32> to vector<1x512xf32>
    tpu.vector_store %arg2[%swap3A_73, %swap3A_74], %swap3A_77 {strides = array<i32>} : memref<2x512xf32, #tpu.memory_space<vmem>>, vector<1x512xf32>,
    return
  }
}

module attributes {stable_mosaic.version = 14 : i64} {
  func.func @_upsample_body(%arg0: i32, %arg1: i32, %arg2: memref<1x64x512xf32, #tpu.memory_space<vmem>>, %arg3: memref<1x512x4096xf32, #tpu.memory_space<vmem>>, %arg4: memref<512x4096xbf16, #tpu.memory_space<vmem>>) attributes {dimension_semantics = [#tpu.dimension_semantics<arbitrary>, #tpu.dimension_semantics<arbitrary>], iteration_bounds = array<i64: 2, 8>, scalar_prefetch = 0 : i64, scratch_operands = 1 : i64, tpu.core_type = #tpu.core_type<tc>, window_params = [{transform_indices = @transform_0, window_bounds = array<i64: 1, 64, 512>}, {transform_indices = @transform_1, window_bounds = array<i64: 1, 512, 4096>}]} {
    %eq3A = arith.constant 0 : i32
    %eq3A_0 = arith.cmpi eq, %arg0, %eq3A : i32
    %eq3A_1 = arith.constant 0 : i32
    %eq3A_2 = arith.cmpi eq, %arg1, %eq3A_1 : i32
    %and3A = arith.andi %eq3A_0, %eq3A_2 : i1
    %convert_element_type3A = arith.extui %and3A : i1 to i32
    %cond3A = arith.constant 0 : i32
    %cond3A_3 = arith.cmpi ne, %convert_element_type3A, %cond3A : i32
    scf.if %cond3A_3 {
      %iota3A = tpu.iota {dimensions = array<i32: 1>} : vector<512x4096xi32>
      %iota3A_20 = tpu.iota {dimensions = array<i32: 0>} : vector<512x4096xi32>
      %jit3A = arith.constant 8 : i32
      %div3A = vector.broadcast %jit3A : i32 to vector<512x4096xi32>
      %div3A_21 = arith.divsi %iota3A, %div3A : vector<512x4096xi32>
      %sign3A = arith.constant 0 : i32
      %sign3A_22 = vector.broadcast %sign3A : i32 to vector<512x4096xi32>
      %sign3A_23 = arith.cmpi sgt, %iota3A, %sign3A_22 : vector<512x4096xi32>
      %sign3A_24 = arith.extui %sign3A_23 : vector<512x4096xi1> to vector<512x4096xi32>
      %sign3A_25 = arith.constant 0 : i32
      %sign3A_26 = vector.broadcast %sign3A_25 : i32 to vector<512x4096xi32>
      %sign3A_27 = arith.cmpi slt, %iota3A, %sign3A_26 : vector<512x4096xi32>
      %sign3A_28 = arith.extui %sign3A_27 : vector<512x4096xi1> to vector<512x4096xi32>
      %sign3A_29 = arith.subi %sign3A_24, %sign3A_28 : vector<512x4096xi32>
      %sign3A_30 = arith.constant 0 : i32
      %sign3A_31 = arith.cmpi sgt, %jit3A, %sign3A_30 : i32
      %sign3A_32 = arith.extui %sign3A_31 : i1 to i32
      %sign3A_33 = arith.constant 0 : i32
      %sign3A_34 = arith.cmpi slt, %jit3A, %sign3A_33 : i32
      %sign3A_35 = arith.extui %sign3A_34 : i1 to i32
      %sign3A_36 = arith.subi %sign3A_32, %sign3A_35 : i32
      %ne3A = vector.broadcast %sign3A_36 : i32 to vector<512x4096xi32>
      %ne3A_37 = arith.cmpi ne, %sign3A_29, %ne3A : vector<512x4096xi32>
      %rem3A = vector.broadcast %jit3A : i32 to vector<512x4096xi32>
      %rem3A_38 = arith.remsi %iota3A, %rem3A : vector<512x4096xi32>
      %ne3A_39 = arith.constant 0 : i32
      %ne3A_40 = vector.broadcast %ne3A_39 : i32 to vector<512x4096xi32>
      %ne3A_41 = arith.cmpi ne, %rem3A_38, %ne3A_40 : vector<512x4096xi32>
      %and3A_42 = arith.andi %ne3A_37, %ne3A_41 : vector<512x4096xi1>
      %sub3A = arith.constant 1 : i32
      %sub3A_43 = vector.broadcast %sub3A : i32 to vector<512x4096xi32>
      %sub3A_44 = arith.subi %div3A_21, %sub3A_43 : vector<512x4096xi32>
      %select_n3A = arith.select %and3A_42, %sub3A_44, %div3A_21 : vector<512x4096xi1>, vector<512x4096xi32>
      %eq3A_45 = arith.cmpi eq, %select_n3A, %iota3A_20 : vector<512x4096xi32>
      %convert_element_type3A_46 = arith.extui %eq3A_45 : vector<512x4096xi1> to vector<512x4096xi32>
      %convert_element_type3A_47 = arith.sitofp %convert_element_type3A_46 : vector<512x4096xi32> to vector<512x4096xf32>
      %convert_element_type3A_48 = arith.truncf %convert_element_type3A_47 : vector<512x4096xf32> to vector<512x4096xbf16>
      %swap3A_49 = arith.constant 0 : index
      %swap3A_50 = arith.constant 0 : index
      %swap3A_51 = vector.load %arg4[%swap3A_49, %swap3A_50] : memref<512x4096xbf16, #tpu.memory_space<vmem>>, vector<512x4096xbf16>
      tpu.vector_store %arg4[%swap3A_49, %swap3A_50], %convert_element_type3A_48 {strides = array<i32>} : memref<512x4096xbf16, #tpu.memory_space<vmem>>, vector<512x4096xbf16>,
    } else {
    }
    %get3A = arith.constant 0 : index
    %get3A_4 = arith.constant 0 : index
    %get3A_5 = arith.constant 0 : index
    %get3A_6 = vector.load %arg2[%get3A, %get3A_4, %get3A_5] : memref<1x64x512xf32, #tpu.memory_space<vmem>>, vector<1x64x512xf32>
    %get3A_7 = vector.shape_cast %get3A_6 : vector<1x64x512xf32> to vector<64x512xf32>
    %convert_element_type3A_8 = arith.truncf %get3A_7 : vector<64x512xf32> to vector<64x512xbf16>
    %get3A_9 = arith.constant 0 : index
    %get3A_10 = arith.constant 0 : index
    %get3A_11 = vector.load %arg4[%get3A_9, %get3A_10] : memref<512x4096xbf16, #tpu.memory_space<vmem>>, vector<512x4096xbf16>
    %dot_general3A = arith.constant dense<0.000000e+00> : vector<64x4096xf32>
    %dot_general3A_12 = tpu.matmul %convert_element_type3A_8, %get3A_11, %dot_general3A {dimension_numbers = #tpu.dot_dimension_numbers<[1], [0], [0], [1], [0, 0, 1, 1], [], []>, transpose_lhs_hint = false} : vector<64x512xbf16>, vector<512x4096xbf16>, vector<64x4096xf32> -> vector<64x4096xf32>
    %broadcast_in_dim3A = vector.shape_cast %dot_general3A_12 : vector<64x4096xf32> to vector<64x1x4096xf32>
    %broadcast_in_dim3A_13 = vector.shape_cast %broadcast_in_dim3A : vector<64x1x4096xf32> to vector<64x1x4096xf32>
    %broadcast_in_dim3A_14 = vector.broadcast %broadcast_in_dim3A_13 : vector<64x1x4096xf32> to vector<64x8x4096xf32>
    %reshape3A = vector.shape_cast %broadcast_in_dim3A_14 : vector<64x8x4096xf32> to vector<512x4096xf32>
    %swap3A = arith.constant 0 : index
    %swap3A_15 = arith.constant 0 : index
    %swap3A_16 = arith.constant 0 : index
    %swap3A_17 = vector.load %arg3[%swap3A, %swap3A_15, %swap3A_16] : memref<1x512x4096xf32, #tpu.memory_space<vmem>>, vector<1x512x4096xf32>
    %swap3A_18 = vector.shape_cast %swap3A_17 : vector<1x512x4096xf32> to vector<512x4096xf32>
    %swap3A_19 = vector.shape_cast %reshape3A : vector<512x4096xf32> to vector<1x512x4096xf32>
    tpu.vector_store %arg3[%swap3A, %swap3A_15, %swap3A_16], %swap3A_19 {strides = array<i32>} : memref<1x512x4096xf32, #tpu.memory_space<vmem>>, vector<1x512x4096xf32>,
    return
  }
  func.func @transform_0(%arg0: i32, %arg1: i32) -> (i32, i32, i32) {
    %c0_i32 = arith.constant 0 : i32
    %c0_i32_0 = arith.constant 0 : i32
    return %arg0, %arg1, %c0_i32 : i32, i32, i32
  }
  func.func @transform_1(%arg0: i32, %arg1: i32) -> (i32, i32, i32) {
    %c0_i32 = arith.constant 0 : i32
    %c0_i32_0 = arith.constant 0 : i32
    return %arg0, %arg1, %c0_i32 : i32, i32, i32
  }
}

</mosaic_0001>

<sc_bundles>
// kernel: kernel.5.cloned.1.call-start
scs
__scs_entry_jumppad:
0x0: {  	(pc) =	sbr.rel $0x88, $3  }
0x1: {  	(tag) =	ssettag $0x0;
	lr =	simm.s32 $0x1  }
0x2: {  	[smem:$0x3F9E] =	sst lr;
	_ =	strace $0xD0000000  }
0x3: {  	_ = 	snop  }
0x4: {  	_ = 	snop  }
0x5: {  	_ = 	snop  }
0x6: {  	_ = 	snop  }
0x7: {  	_ = 	snop  }
__scs_overlays_trampoline_lowered:
0x8: {  	[smem:$0x3FAD] =	sst s0  }
0x9: {  	[smem:$0x3FAE] =	sst s1  }
0xa: {  	[smem:$0x3FAF] =	sst s2  }
0xb: {  	[smem:$0x3FB0] =	sst s3  }
0xc: {  	[smem:$0x3FB1] =	sst s4  }
0xd: {  	[smem:$0x3FB2] =	sst s5  }
0xe: {  	[smem:$0x3FB3] =	sst s6  }
0xf: {  	[smem:$0x3FB4] =	sst s7  }
0x10: {  	[smem:$0x3FB5] =	sst s8  }
0x11: {  	[smem:$0x3FB6] =	sst s9;
	s0 =	simm.s32 @!p0 $0x0  }
0x12: {  	s1 =	sld [smem:$0x3F9C];
	s0 =	simm.s32 @p0 $0x1  }
0x13: {  	[smem:$0x3FB7] =	sst s0;
	s0 =	simm.s32 @!p1 $0x0  }
0x14: {  	s2 =	sld [smem:$0x3F9B];
	s0 =	simm.s32 @p1 $0x1  }
0x15: {  	[smem:$0x3FB8] =	sst s0;
	s0 =	simm.s32 @!p2 $0x0  }
0x16: {  	s3 =	sld [smem:$0x3FDB];
	s0 =	simm.s32 @p2 $0x1  }
0x17: {  	s4 =	simm.s32 $0x1BF5;
	[smem:$0x3FBA] =	sst s0  }
0x18: {  	s0 =	sld [smem:$0x3F9D];
	_ =	swait.ge [sflag:s4], $0x0  }
0x19: {  	s7 =	sld [smem:$0x3F9E]  }
0x1a: {  	s8 =	sadd.s32 $0xFFFFE003, lr  }
0x1b: {  	s9 =	sadd.s32 $0xFFFFFEF7, lr;
	s5 =	simm.s32 $0xFFFFFFFF;
	p2 =	slt.u32 s8, $0xFFFFF086  }
0x1c: {  	p1 =	slt.u32 s9, $0xF7A;
	s5 =	simm.s32 @!p2 $0x0  }
0x1d: {  	s5 =	simm.s32 @p1 $0x1;
	p0 =	seq.s32 s7, s2  }
0x1e: {  	s7 =	smul.u32 @!p0 $0xF7A, s2;
	p2 =	seq.s32 @!p0 s5, $0x0  }
0x1f: {  	s9 =	smul.u32 $0xF7A, s1;
	s8 =	simm.s32 @!p0 $0x1BF5;
	p2 =	por !p2, p0  }
0x20: {  	[sflag:s8] =	ssyncset.s32 @!p0 $0xFFFFF086;
	s6 =	sadd.s32 @!p0 s3, s7;
	s7 =	simm.s32 @!p0 $0x108  }
0x21: {  	s3 =	sadd.s32 s3, s9;
	s6 =	sadd.s32 @!p0 $0x88, s6;
	s7 =	simm.s32 @p2 $0x1082  }
0x22: {  	[simem:s7], [sflag:s8] =	dma.local @!p0 [hbm:s6], $0xF7A  }
0x23: {  	s9 =	sor.u32 $0xD0000000, s2;
	s6 =	simm.s32 $0x108;
	_ =	swait.ge @!p0 [sflag:s8], $0x0  }
0x24: {  	s3 =	sadd.s32 $0x88, s3;
	s6 =	simm.s32 @!p1 $0x1082;
	[sflag:s4] =	ssyncset.s32 $0xFFFFF086  }
0x25: {  	[simem:s6], [sflag:s4] =	dma.local [hbm:s3], $0xF7A  }
0x26: {  	[smem:$0x3F9E] =	sst s1;
	(tag) =	ssettag s2;
	_ =	strace s9  }
0x27: {  	s1 =	sld [smem:$0x3FAE]  }
0x28: {  	s2 =	sld [smem:$0x3FAF]  }
0x29: {  	s4 =	sld [smem:$0x3FB1]  }
0x2a: {  	p0 =	seq.s32 s5, $0x0;
	s5 =	sld [smem:$0x3FB2]  }
0x2b: {  	s6 =	sld [smem:$0x3FB3]  }
0x2c: {  	s7 =	sld [smem:$0x3FB4]  }
0x2d: {  	s3 =	simm.s32 $0x108;
	s8 =	sld [smem:$0x3FB5]  }
0x2e: {  	s3 =	simm.s32 @!p0 $0x1082;
	s9 =	sld [smem:$0x3FB6]  }
0x2f: {  	lr =	sadd.s32 s0, s3;
	s0 =	sld [smem:$0x3FAD]  }
0x30: {  	s3 =	sld [smem:$0x3FB0]  }
0x31: {  	[smem:$0x3FB9] =	sst s10  }
0x32: {  	s10 =	sld [smem:$0x3FB7];
	_ =	sdelay $0x3  }
0x33: {  	p0 =	seq.s32 s10, $0x1;
	s10 =	sld [smem:$0x3FB9];
	_ =	sdelay $0x3  }
0x34: {  	[smem:$0x3FB9] =	sst s10  }
0x35: {  	s10 =	sld [smem:$0x3FB8];
	_ =	sdelay $0x3  }
0x36: {  	p1 =	seq.s32 s10, $0x1;
	s10 =	sld [smem:$0x3FB9];
	_ =	sdelay $0x3  }
0x37: {  	[smem:$0x3FB9] =	sst s10  }
0x38: {  	s10 =	sld [smem:$0x3FBA]  }
0x39: {  	_ = 	snop;
	(pc) =	sbr.ind lr, $3  }
0x3a: {  	_ = 	snop  }
0x3b: {  	_ = 	snop  }
0x3c: {  	p2 =	seq.s32 s10, $0x1;
	s10 =	sld [smem:$0x3FB9]  }
0x3d: {  	_ =	shalt  }
0x3e: {  	_ =	shalt  }
0x3f: {  	_ =	shalt  }
0x40: {  	_ =	shalt  }
0x41: {  	_ =	shalt  }
0x42: {  	_ =	shalt  }
0x43: {  	_ =	shalt  }
0x44: {  	_ =	shalt  }
0x45: {  	_ =	shalt  }
0x46: {  	_ =	shalt  }
0x47: {  	_ =	shalt  }
0x48: {  	_ =	shalt  }
0x49: {  	_ =	shalt  }
0x4a: {  	_ =	shalt  }
0x4b: {  	_ =	shalt  }
0x4c: {  	_ =	shalt  }
0x4d: {  	_ =	shalt  }
0x4e: {  	_ =	shalt  }
0x4f: {  	_ =	shalt  }
0x50: {  	_ =	shalt  }
0x51: {  	_ =	shalt  }
0x52: {  	_ =	shalt  }
0x53: {  	_ =	shalt  }
0x54: {  	_ =	shalt  }
0x55: {  	_ =	shalt  }
0x56: {  	_ =	shalt  }
0x57: {  	_ =	shalt  }
0x58: {  	_ =	shalt  }
0x59: {  	_ =	shalt  }
0x5a: {  	_ =	shalt  }
0x5b: {  	_ =	shalt  }
0x5c: {  	_ =	shalt  }
0x5d: {  	_ =	shalt  }
0x5e: {  	_ =	shalt  }
0x5f: {  	_ =	shalt  }
0x60: {  	_ =	shalt  }
0x61: {  	_ =	shalt  }
0x62: {  	_ =	shalt  }
0x63: {  	_ =	shalt  }
0x64: {  	_ =	shalt  }
0x65: {  	_ =	shalt  }
0x66: {  	_ =	shalt  }
0x67: {  	_ =	shalt  }
0x68: {  	_ =	shalt  }
0x69: {  	_ =	shalt  }
0x6a: {  	_ =	shalt  }
0x6b: {  	_ =	shalt  }
0x6c: {  	_ =	shalt  }
0x6d: {  	_ =	shalt  }
0x6e: {  	_ =	shalt  }
0x6f: {  	_ =	shalt  }
0x70: {  	_ =	shalt  }
0x71: {  	_ =	shalt  }
0x72: {  	_ =	shalt  }
0x73: {  	_ =	shalt  }
0x74: {  	_ =	shalt  }
0x75: {  	_ =	shalt  }
0x76: {  	_ =	shalt  }
0x77: {  	_ =	shalt  }
0x78: {  	_ =	shalt  }
0x79: {  	_ =	shalt  }
0x7a: {  	_ =	shalt  }
0x7b: {  	_ =	shalt  }
0x7c: {  	_ =	shalt  }
0x7d: {  	_ =	shalt  }
0x7e: {  	_ =	shalt  }
0x7f: {  	_ =	shalt  }
0x80: {  	_ =	shalt  }
0x81: {  	_ =	shalt  }
0x82: {  	_ =	shalt  }
0x83: {  	_ =	shalt  }
0x84: {  	_ =	shalt  }
0x85: {  	_ =	shalt  }
0x86: {  	_ =	shalt  }
0x87: {  	_ =	shalt  }
.Lfunc_end0:
.L_simem_size_0:
called_computation_lowered:
.L_overlay_start_0:
0x88: {  	s2 =	sld [smem:$0x3FD9]  }
0x89: {  	s3 =	sld [smem:$0x3FFE];
	_ =	sdelay $0x1  }
0x8a: {  	s1 =	srdreg.scid  }
0x8b: {  	s0 =	sand.u32 $0x1, s1  }
0x8c: {  	s17 =	sshll.u32 s0, $0xA;
	s2 =	sadd.s32 s3, s2  }
0x8d: {  	s2 =	sadd.s32 s2, s17  }
0x8e: {  	[smem:$0x3FC5] =	sst s2  }
0x8f: {  	_ = 	snop  }
0x90: {  	s2 =	sld [smem:$0x3FC7]  }
0x91: {  	s18 =	sld [smem:$0x3FD0];
	(tm) =	ssettm $0x1  }
0x92: {  	s4 =	sld [smem:$0x3FFB];
	_ =	sdelay $0x3  }
0x93: {  	_ =	strace s4  }
0x94: {  	s4 =	sld [smem:$0x3FFC];
	_ =	sdelay $0x3  }
0x95: {  	_ =	strace s4  }
0x96: {  	s4 =	sld [smem:$0x3FFD];
	_ =	sdelay $0x3  }
0x97: {  	_ =	strace s4  }
0x98: {  	_ =	strace $0x8FFFFFFF  }
0x99: {  	s19 =	sld [smem:$0x3FDB];
	_ =	sdelay $0x1  }
0x9a: {  	s5 =	simm.s32 $_scs_section_size  }
0x9b: {  	s6 =	simm.s32 $_size__tile_overlayer_lowered;
	s7 =	simm.s32 $_tile_overlayer_lowered  }
0x9c: {  	s22 =	simm.s32 $0x1BFF;
	s21 =	sshll.u32 s7, $0x1;
	s4 =	sadd.s32 s5, s19  }
0x9d: {  	s8 =	simm.s32 $0x0;
	s20 =	sshll.u32 s6, $0x1;
	s6 =	sadd.s32 s21, s4  }
0x9e: {  	[timem:s8], [sflag:s22] =	dma.local [hbm:s6], s20  }
0x9f: {  	_ =	swait.ge [sflag:s22], s20  }
0xa0: {  	s5 =	ssub.s32 $0x0, s20;
	[sflag:s22] =	ssyncset.done $0x0  }
0xa1: {  	[sflag:s22] =	ssyncadd.s32 s5;
	_ =	sdelay $0x1  }
0xa2: {  	s23 =	simm.s32 $0x1B8B  }
0xa3: {  	_ =	swait.ge [sflag:s23], $0x1  }
0xa4: {  	[sflag:s23] =	ssyncset.done $0x0  }
0xa5: {  	s25 =	simm.s32 $0x1B8E;
	s24 =	sld [smem:$0x3FFE];
	[sflag:s23] =	ssyncadd.s32 $0xFFFFFFFF  }
0xa6: {  	s26 =	simm.s32 $execute0_lowered;
	[smem:$0x3FD2] =	sst s25  }
0xa7: {  	s6 =	sshll.u32 s26, $0x1;
	_ =	strace $0x80000046;
	[dreg:$0x1] =	wrdreg $0xFFFFFFFF  }
0xa8: {  	s28 =	simm.s32 $_size_execute0_lowered;
	s4 =	sadd.s32 s4, s6;
	[dreg:$0x0] =	wrdreg $0x0  }
0xa9: {  	s6 =	sshll.u32 s28, $0x1;
	[dreg:$0x2] =	wrdreg s4  }
0xaa: {  	[dreg:$0x3] =	wrdreg s6  }
0xab: {  	[dreg:$0x4] =	wrdreg $0xC0  }
0xac: {  	_ =	task [dreg:s8], $0x5FFFF  }
0xad: {  	[dreg:$0x1] =	wrdreg $0xFFFFFFFF  }
0xae: {  	[dreg:$0x0] =	wrdreg $0x60  }
0xaf: {  	[dreg:$0x2] =	wrdreg s24  }
0xb0: {  	[dreg:$0x3] =	wrdreg s2  }
0xb1: {  	[dreg:$0x4] =	wrdreg s18  }
0xb2: {  	[dreg:$0x5] =	wrdreg $0x9  }
0xb3: {  	_ =	task.clear_ibuf [dreg:s8], $0x6FFFF;
	_ =	strace $0x90000046  }
0xb4: {  	s29 =	simm.s32 $0x9;
	_ =	strace $0x80000048  }
0xb5: {  	_ =	swait.ge [sflag:s29], $0x1  }
0xb6: {  	[sflag:s29] =	ssyncadd.s32 $0xFFFFFFFF  }
0xb7: {  	_ =	strace $0x90000048  }
0xb8: {  	_ =	sfence  }
0xb9: {  	s30 =	sld [smem:$0x0];
	_ =	sdelay $0x2  }
0xba: {  	s31 =	sshll.u32 s1, $0xD;
	s1 =	sshrl.u32 s1, $0x2  }
0xbb: {  	s3 =	sand.u32 $0x4000, s31;
	s1 =	sadd.s32 s1, s30  }
0xbc: {  	s0 =	sor.u32 s3, s0;
	s1 =	sshll.u32 s1, $0x11  }
0xbd: {  	s0 =	sor.u32 s1, s0  }
0xbe: {  	s0 =	sadd.s32 $0x8F2B, s0  }
0xbf: {  	[sflag:s0] =	ssyncadd.remote.s32 $0x1  }
0xc0: {  	_ =	sfence.sel $0xFFFF  }
0xc1: {  	[dreg:$0x0] =	wrdreg $0xFFFFFFFF;
	(pc) =	sbr.abs _section_cstart, $3  }
0xc2: {  	[dreg:$0x1] =	wrdreg $0xFFFFFFFF  }
0xc3: {  	_ =	task.clear_ibuf [dreg:s8], $0x2FFFF;
	_ =	strace $0x9FFFFFFF  }
0xc4: {  	(tm) =	ssettm $0x7FFFFFFF  }
0xc5: {  	_ =	shalt  }
tec
execute0_lowered:
.L_overlay_start_1:
0x0: {  	(tag) =	ssettag $0x1  }
0x1: {  	s0 =	rddreg [dreg:$0x0]  }
0x2: {  	s1 =	rddreg [dreg:$0x1]  }
0x3: {  	s3 =	rddreg [dreg:$0x2];
	s4 =	srdreg.scid  }
0x4: {  	s2 =	simm.s32 $0x0;
	s5 =	stileid.u32;
	s4 =	sand.u32 $0x1, s4  }
0x5: {  	[smem:$0x7FF] =	sst s2;
	s5 =	sshll.u32 s5, $0xB;
	s6 =	sshll.u32 s4, $0xA  }
0x6: {  	s0 =	sadd.s32 $0x600, s0;
	_ =	strace $0x80000047;
	s5 =	sor.u32 s6, s5  }
0x7: {  	s4 =	ssub.s32 $0x2, s4;
	[dreg:$0x7] =	wrdreg s0;
	s1 =	sadd.s32 s1, s5  }
0x8: {  	s30 =	sshrl.u32 s4, $0x1;
	s3 =	sadd.s32 s3, s5;
	[dreg:$0x9] =	wrdreg s1  }
0x9: {  	s0 =	ssub.s32 s4, s30;
	[dreg:$0x8] =	wrdreg s3;
	s31 =	sadd.s32 $0x8000, s3  }
0xa: {  	s0 =	smax.u32 s0, $0x1;
	[dreg:$0xa] =	wrdreg s31  }
0xb: {  	s3 =	simm.s32 $0x1;
	s1 =	simm.s32 $0x0;
	[dreg:$0xb] =	wrdreg s0  }
.LBB2_1:
0xc: {  	[dreg:$0xc] =	wrdreg s1  }
0xd: {  	s0 =	rddreg [dreg:$0x7]  }
0xe: {  	[tilespmem:s2], [sflag:$0x1] =	stream.linear.gather [hbm4b:s0+s2], $0x400, $0x38;
	[tilespmem:$0x6400] =	vst v63  }
0xf: {  	_ =	swait.ge [sflag:s3], $0x400  }
0x10: {  	[sflag:s3] =	ssyncset.done $0x0  }
0x11: {  	s15 =	simm.s32 $0x400;
	s14 =	rddreg [dreg:$0x9];
	[sflag:s3] =	ssyncadd.s32 $0xFFFFFC00  }
0x12: {  	[tilespmem:s15], [sflag:$0x1] =	stream.linear.gather [hbm4b:s14+s2], $0x2000, $0x38;
	[tilespmem:$0x6400] =	vst v63  }
0x13: {  	_ =	swait.ge [sflag:s3], $0x2000  }
0x14: {  	s16 =	sand.u32 $0x1000, s2;
	s17 =	sand.u32 $0x300, s2;
	[sflag:s3] =	ssyncset.done $0x0  }
0x15: {  	s0 =	sor.u32 s17, s16;
	[sflag:s3] =	ssyncadd.s32 $0xFFFFE000  }
0x16: {  	v0 =	vld [tilespmem:s0+$0x400];
	_ =	sdelay $0x7  }
0x17: {  	v1 =	vld.idx.msk [tilespmem:v0+s2+$0x0], $0xffff  }
0x18: {  	v0 =	vadd.s32 $0x200, v0;
	_ =	sdelay $0x2  }
0x19: {  	v2 =	vld [tilespmem:s0+$0x410]  }
0x1a: {  	[tilespmem:s0+$0x2400] =	vst v1  }
0x1b: {  	v0 =	vld.idx.msk [tilespmem:v0+s2+$0x0], $0xffff;
	_ =	sdelay $0x4  }
0x1c: {  	[tilespmem:s0+$0x4400] =	vst v0  }
0x1d: {  	v0 =	vld.idx.msk [tilespmem:v2+s2+$0x0], $0xffff  }
0x1e: {  	v1 =	vadd.s32 $0x200, v2;
	_ =	sdelay $0x2  }
0x1f: {  	v2 =	vld [tilespmem:s0+$0x420]  }
0x20: {  	[tilespmem:s0+$0x2410] =	vst v0  }
0x21: {  	v0 =	vld.idx.msk [tilespmem:v1+s2+$0x0], $0xffff;
	_ =	sdelay $0x4  }
0x22: {  	[tilespmem:s0+$0x4410] =	vst v0  }
0x23: {  	v0 =	vld.idx.msk [tilespmem:v2+s2+$0x0], $0xffff  }
0x24: {  	v1 =	vadd.s32 $0x200, v2;
	_ =	sdelay $0x2  }
0x25: {  	v2 =	vld [tilespmem:s0+$0x430]  }
0x26: {  	[tilespmem:s0+$0x2420] =	vst v0  }
0x27: {  	v0 =	vld.idx.msk [tilespmem:v1+s2+$0x0], $0xffff  }
0x28: {  	v1 =	vld [tilespmem:s0+$0x480];
	_ =	sdelay $0x3  }
0x29: {  	[tilespmem:s0+$0x4420] =	vst v0  }
0x2a: {  	v0 =	vld.idx.msk [tilespmem:v2+s2+$0x0], $0xffff  }
0x2b: {  	v2 =	vadd.s32 $0x200, v2;
	_ =	sdelay $0x1  }
0x2c: {  	v3 =	vld.idx.msk [tilespmem:v1+s2+$0x0], $0xffff  }
0x2d: {  	v4 =	vld [tilespmem:s0+$0x440];
	v1 =	vadd.s32 $0x200, v1  }
0x2e: {  	[tilespmem:s0+$0x2430] =	vst v0  }
0x2f: {  	v0 =	vld.idx.msk [tilespmem:v2+s2+$0x0], $0xffff  }
0x30: {  	v2 =	vld [tilespmem:s0+$0x490]  }
0x31: {  	[tilespmem:s0+$0x2480] =	vst v3  }
0x32: {  	v1 =	vld.idx.msk [tilespmem:v1+s2+$0x0], $0xffff;
	_ =	sdelay $0x1  }
0x33: {  	[tilespmem:s0+$0x4430] =	vst v0  }
0x34: {  	v0 =	vld.idx.msk [tilespmem:v4+s2+$0x0], $0xffff  }
0x35: {  	v3 =	vadd.s32 $0x200, v4  }
0x36: {  	[tilespmem:s0+$0x4480] =	vst v1  }
0x37: {  	v1 =	vld.idx.msk [tilespmem:v2+s2+$0x0], $0xffff  }
0x38: {  	v4 =	vld [tilespmem:s0+$0x450];
	v2 =	vadd.s32 $0x200, v2  }
0x39: {  	[tilespmem:s0+$0x2440] =	vst v0  }
0x3a: {  	v0 =	vld.idx.msk [tilespmem:v3+s2+$0x0], $0xffff  }
0x3b: {  	v3 =	vld [tilespmem:s0+$0x4A0]  }
0x3c: {  	[tilespmem:s0+$0x2490] =	vst v1  }
0x3d: {  	v1 =	vld.idx.msk [tilespmem:v2+s2+$0x0], $0xffff;
	_ =	sdelay $0x1  }
0x3e: {  	[tilespmem:s0+$0x4440] =	vst v0  }
0x3f: {  	v0 =	vld.idx.msk [tilespmem:v4+s2+$0x0], $0xffff  }
0x40: {  	v2 =	vadd.s32 $0x200, v4  }
0x41: {  	[tilespmem:s0+$0x4490] =	vst v1  }
0x42: {  	v1 =	vld.idx.msk [tilespmem:v3+s2+$0x0], $0xffff  }
0x43: {  	v4 =	vld [tilespmem:s0+$0x460];
	v3 =	vadd.s32 $0x200, v3  }
0x44: {  	[tilespmem:s0+$0x2450] =	vst v0  }
0x45: {  	v0 =	vld.idx.msk [tilespmem:v2+s2+$0x0], $0xffff  }
0x46: {  	v2 =	vld [tilespmem:s0+$0x4B0]  }
0x47: {  	[tilespmem:s0+$0x24A0] =	vst v1  }
0x48: {  	v1 =	vld.idx.msk [tilespmem:v3+s2+$0x0], $0xffff;
	_ =	sdelay $0x1  }
0x49: {  	[tilespmem:s0+$0x4450] =	vst v0  }
0x4a: {  	v0 =	vld.idx.msk [tilespmem:v4+s2+$0x0], $0xffff  }
0x4b: {  	v3 =	vadd.s32 $0x200, v4  }
0x4c: {  	[tilespmem:s0+$0x44A0] =	vst v1  }
0x4d: {  	v1 =	vld.idx.msk [tilespmem:v2+s2+$0x0], $0xffff  }
0x4e: {  	v4 =	vld [tilespmem:s0+$0x470];
	v2 =	vadd.s32 $0x200, v2  }
0x4f: {  	[tilespmem:s0+$0x2460] =	vst v0  }
0x50: {  	v0 =	vld.idx.msk [tilespmem:v3+s2+$0x0], $0xffff  }
0x51: {  	v3 =	vld [tilespmem:s0+$0x4C0]  }
0x52: {  	[tilespmem:s0+$0x24B0] =	vst v1  }
0x53: {  	v1 =	vld.idx.msk [tilespmem:v2+s2+$0x0], $0xffff;
	_ =	sdelay $0x1  }
0x54: {  	[tilespmem:s0+$0x4460] =	vst v0  }
0x55: {  	v0 =	vld.idx.msk [tilespmem:v4+s2+$0x0], $0xffff  }
0x56: {  	v2 =	vadd.s32 $0x200, v4  }
0x57: {  	[tilespmem:s0+$0x44B0] =	vst v1  }
0x58: {  	v1 =	vld.idx.msk [tilespmem:v3+s2+$0x0], $0xffff  }
0x59: {  	v4 =	vld [tilespmem:s0+$0x800];
	v3 =	vadd.s32 $0x200, v3  }
0x5a: {  	[tilespmem:s0+$0x2470] =	vst v0  }
0x5b: {  	v0 =	vld.idx.msk [tilespmem:v2+s2+$0x0], $0xffff  }
0x5c: {  	v2 =	vld [tilespmem:s0+$0x4D0]  }
0x5d: {  	[tilespmem:s0+$0x24C0] =	vst v1  }
0x5e: {  	v1 =	vld.idx.msk [tilespmem:v3+s2+$0x0], $0xffff;
	_ =	sdelay $0x1  }
0x5f: {  	[tilespmem:s0+$0x4470] =	vst v0  }
0x60: {  	v0 =	vld.idx.msk [tilespmem:v4+s2+$0x0], $0xffff  }
0x61: {  	v3 =	vadd.s32 $0x200, v4  }
0x62: {  	[tilespmem:s0+$0x44C0] =	vst v1  }
0x63: {  	v1 =	vld.idx.msk [tilespmem:v2+s2+$0x0], $0xffff  }
0x64: {  	v2 =	vadd.s32 $0x200, v2  }
0x65: {  	[tilespmem:s0+$0x2800] =	vst v0  }
0x66: {  	v0 =	vld.idx.msk [tilespmem:v3+s2+$0x0], $0xffff  }
0x67: {  	v3 =	vld [tilespmem:s0+$0x4E0]  }
0x68: {  	[tilespmem:s0+$0x24D0] =	vst v1  }
0x69: {  	s1 =	sor.u32 s16, s2;
	v1 =	vld.idx.msk [tilespmem:v2+s2+$0x0], $0xffff  }
0x6a: {  	s18 =	sor.u32 $0x2400, s1  }
0x6b: {  	[tilespmem:s18+$0x2400] =	vst v0  }
0x6c: {  	v0 =	vld [tilespmem:s0+$0x810];
	_ =	sdelay $0x1  }
0x6d: {  	[tilespmem:s0+$0x44D0] =	vst v1  }
0x6e: {  	v1 =	vld.idx.msk [tilespmem:v3+s2+$0x0], $0xffff  }
0x6f: {  	v2 =	vadd.s32 $0x200, v3;
	_ =	sdelay $0x2  }
0x70: {  	v3 =	vld [tilespmem:s0+$0x4F0]  }
0x71: {  	[tilespmem:s0+$0x24E0] =	vst v1;
	v1 =	vld.idx.msk [tilespmem:v0+s2+$0x0], $0xffff  }
0x72: {  	v2 =	vld.idx.msk [tilespmem:v2+s2+$0x0], $0xffff;
	v0 =	vadd.s32 $0x200, v0;
	_ =	sdelay $0x3  }
0x73: {  	[tilespmem:s0+$0x2810] =	vst v1  }
0x74: {  	[tilespmem:s0+$0x44E0] =	vst v2;
	v0 =	vld.idx.msk [tilespmem:v0+s2+$0x0], $0xffff  }
0x75: {  	v1 =	vld.idx.msk [tilespmem:v3+s2+$0x0], $0xffff  }
0x76: {  	v2 =	vadd.s32 $0x200, v3;
	_ =	sdelay $0x2  }
0x77: {  	v3 =	vld [tilespmem:s0+$0x880];
	[tilespmem:s18+$0x2410] =	vst v0  }
0x78: {  	[tilespmem:s0+$0x24F0] =	vst v1;
	v0 =	vld [tilespmem:s0+$0x820]  }
0x79: {  	v1 =	vld.idx.msk [tilespmem:v2+s2+$0x0], $0xffff;
	_ =	sdelay $0x4  }
0x7a: {  	[tilespmem:s0+$0x44F0] =	vst v1  }
0x7b: {  	v1 =	vld.idx.msk [tilespmem:v3+s2+$0x0], $0xffff  }
0x7c: {  	v2 =	vadd.s32 $0x200, v3;
	v3 =	vld.idx.msk [tilespmem:v0+s2+$0x0], $0xffff  }
0x7d: {  	v0 =	vadd.s32 $0x200, v0;
	_ =	sdelay $0x1  }
0x7e: {  	v4 =	vld [tilespmem:s0+$0x890]  }
0x7f: {  	[tilespmem:s0+$0x2880] =	vst v1  }
0x80: {  	v1 =	vld.idx.msk [tilespmem:v2+s2+$0x0], $0xffff;
	[tilespmem:s0+$0x2820] =	vst v3  }
0x81: {  	v0 =	vld.idx.msk [tilespmem:v0+s2+$0x0], $0xffff;
	_ =	sdelay $0x3  }
0x82: {  	[tilespmem:s0+$0x4880] =	vst v1  }
0x83: {  	v1 =	vld.idx.msk [tilespmem:v4+s2+$0x0], $0xffff;
	[tilespmem:s18+$0x2420] =	vst v0  }
0x84: {  	v0 =	vld [tilespmem:s0+$0x830]  }
0x85: {  	v2 =	vadd.s32 $0x200, v4;
	_ =	sdelay $0x2  }
0x86: {  	v3 =	vld [tilespmem:s0+$0x8A0]  }
0x87: {  	[tilespmem:s0+$0x2890] =	vst v1  }
0x88: {  	v1 =	vld.idx.msk [tilespmem:v2+s2+$0x0], $0xffff;
	_ =	sdelay $0x1  }
0x89: {  	v2 =	vld.idx.msk [tilespmem:v0+s2+$0x0], $0xffff  }
0x8a: {  	v0 =	vadd.s32 $0x200, v0;
	_ =	sdelay $0x1  }
0x8b: {  	[tilespmem:s0+$0x4890] =	vst v1  }
0x8c: {  	s19 =	simm.s32 $0x100;
	s23 =	simm.s32 $0x400;
	v1 =	vld.idx.msk [tilespmem:v3+s2+$0x0], $0xffff  }
0x8d: {  	s21 =	sand.u32 $0x1000, s23;
	s4 =	sand.u32 $0x300, s19;
	v3 =	vadd.s32 $0x200, v3;
	[tilespmem:s0+$0x2830] =	vst v2  }
0x8e: {  	s20 =	sor.u32 s4, s21;
	v0 =	vld.idx.msk [tilespmem:v0+s2+$0x0], $0xffff  }
0x8f: {  	v2 =	vld [tilespmem:s20+$0x400]  }
0x90: {  	v4 =	vld [tilespmem:s0+$0x8B0]  }
0x91: {  	[tilespmem:s0+$0x28A0] =	vst v1;
	v1 =	vld [tilespmem:s20+$0x480]  }
0x92: {  	v3 =	vld.idx.msk [tilespmem:v3+s2+$0x0], $0xffff  }
0x93: {  	[tilespmem:s18+$0x2430] =	vst v0  }
0x94: {  	v0 =	vld [tilespmem:s0+$0x840];
	_ =	sdelay $0x1  }
0x95: {  	v5 =	vld [tilespmem:s0+$0x8C0]  }
0x96: {  	[tilespmem:s0+$0x48A0] =	vst v3;
	v3 =	vld.idx.msk [tilespmem:v2+s2+$0x0], $0xffff  }
0x97: {  	v2 =	vadd.s32 $0x200, v2;
	v6 =	vld.idx.msk [tilespmem:v4+s2+$0x0], $0xffff  }
0x98: {  	v4 =	vadd.s32 $0x200, v4;
	v7 =	vld.idx.msk [tilespmem:v1+s2+$0x0], $0xffff  }
0x99: {  	v8 =	vld [tilespmem:s20+$0x490];
	v1 =	vadd.s32 $0x200, v1  }
0x9a: {  	v9 =	vld [tilespmem:s20+$0x410]  }
0x9b: {  	[tilespmem:s20+$0x2400] =	vst v3;
	v3 =	vld.idx.msk [tilespmem:v0+s2+$0x0], $0xffff  }
0x9c: {  	[tilespmem:s0+$0x28B0] =	vst v6;
	v2 =	vld.idx.msk [tilespmem:v2+s2+$0x0], $0xffff;
	v0 =	vadd.s32 $0x200, v0  }
0x9d: {  	v4 =	vld.idx.msk [tilespmem:v4+s2+$0x0], $0xffff;
	[tilespmem:s20+$0x2480] =	vst v7  }
0x9e: {  	v1 =	vld.idx.msk [tilespmem:v1+s2+$0x0], $0xffff;
	_ =	sdelay $0x1  }
0x9f: {  	[tilespmem:s0+$0x2840] =	vst v3  }
0xa0: {  	[tilespmem:s20+$0x4400] =	vst v2;
	v0 =	vld.idx.msk [tilespmem:v0+s2+$0x0], $0xffff  }
0xa1: {  	[tilespmem:s0+$0x48B0] =	vst v4;
	v2 =	vld.idx.msk [tilespmem:v9+s2+$0x0], $0xffff  }
0xa2: {  	v6 =	vld [tilespmem:s20+$0x4A0];
	v4 =	vadd.s32 $0x200, v9;
	[tilespmem:s20+$0x4480] =	vst v1  }
0xa3: {  	v1 =	vld.idx.msk [tilespmem:v8+s2+$0x0], $0xffff  }
0xa4: {  	v7 =	vadd.s32 $0x200, v8;
	v3 =	vld.idx.msk [tilespmem:v5+s2+$0x0], $0xffff  }
0xa5: {  	v8 =	vld [tilespmem:s20+$0x420];
	[tilespmem:s18+$0x2440] =	vst v0  }
0xa6: {  	[tilespmem:s20+$0x2410] =	vst v2;
	v0 =	vld [tilespmem:s0+$0x850]  }
0xa7: {  	v2 =	vadd.s32 $0x200, v5;
	v4 =	vld.idx.msk [tilespmem:v4+s2+$0x0], $0xffff  }
0xa8: {  	[tilespmem:s20+$0x2490] =	vst v1  }
0xa9: {  	v1 =	vld.idx.msk [tilespmem:v7+s2+$0x0], $0xffff  }
0xaa: {  	v5 =	vld [tilespmem:s0+$0x8D0]  }
0xab: {  	v10 =	vld [tilespmem:s20+$0x4E0];
	[tilespmem:s0+$0x28C0] =	vst v3  }
0xac: {  	v2 =	vld.idx.msk [tilespmem:v2+s2+$0x0], $0xffff;
	[tilespmem:s20+$0x4410] =	vst v4  }
0xad: {  	v3 =	vld.idx.msk [tilespmem:v8+s2+$0x0], $0xffff  }
0xae: {  	[tilespmem:s20+$0x4490] =	vst v1;
	v1 =	vadd.s32 $0x200, v8;
	v4 =	vld.idx.msk [tilespmem:v0+s2+$0x0], $0xffff  }
0xaf: {  	v7 =	vld.idx.msk [tilespmem:v6+s2+$0x0], $0xffff;
	v0 =	vadd.s32 $0x200, v0  }
0xb0: {  	v8 =	vld [tilespmem:s20+$0x4B0];
	v6 =	vadd.s32 $0x200, v6  }
0xb1: {  	[tilespmem:s0+$0x48C0] =	vst v2;
	v2 =	vld [tilespmem:s20+$0x430]  }
0xb2: {  	v9 =	vld.idx.msk [tilespmem:v5+s2+$0x0], $0xffff;
	[tilespmem:s20+$0x2420] =	vst v3  }
0xb3: {  	v3 =	vadd.s32 $0x200, v5;
	v1 =	vld.idx.msk [tilespmem:v1+s2+$0x0], $0xffff;
	[tilespmem:s0+$0x2850] =	vst v4  }
0xb4: {  	[tilespmem:s20+$0x24A0] =	vst v7;
	v0 =	vld.idx.msk [tilespmem:v0+s2+$0x0], $0xffff  }
0xb5: {  	v4 =	vld.idx.msk [tilespmem:v6+s2+$0x0], $0xffff  }
0xb6: {  	v11 =	vld [tilespmem:s20+$0x800]  }
0xb7: {  	v5 =	vld [tilespmem:s0+$0x8E0];
	[tilespmem:s0+$0x28D0] =	vst v9  }
0xb8: {  	v3 =	vld.idx.msk [tilespmem:v3+s2+$0x0], $0xffff;
	[tilespmem:s20+$0x4420] =	vst v1  }
0xb9: {  	v1 =	vld.idx.msk [tilespmem:v2+s2+$0x0], $0xffff;
	[tilespmem:s18+$0x2450] =	vst v0  }
0xba: {  	[tilespmem:s20+$0x44A0] =	vst v4;
	v0 =	vadd.s32 $0x200, v2;
	v2 =	vld [tilespmem:s0+$0x860]  }
0xbb: {  	v4 =	vld.idx.msk [tilespmem:v8+s2+$0x0], $0xffff  }
0xbc: {  	v23 =	vld [tilespmem:s20+$0xC80];
	v6 =	vadd.s32 $0x200, v8  }
0xbd: {  	v7 =	vld [tilespmem:s20+$0x440]  }
0xbe: {  	v8 =	vld [tilespmem:s20+$0x4C0];
	[tilespmem:s20+$0x2430] =	vst v1  }
0xbf: {  	[tilespmem:s0+$0x48D0] =	vst v3;
	v0 =	vld.idx.msk [tilespmem:v0+s2+$0x0], $0xffff  }
0xc0: {  	v1 =	vld.idx.msk [tilespmem:v5+s2+$0x0], $0xffff;
	[tilespmem:s20+$0x24B0] =	vst v4  }
0xc1: {  	v3 =	vadd.s32 $0x200, v5;
	v4 =	vld.idx.msk [tilespmem:v6+s2+$0x0], $0xffff  }
0xc2: {  	v5 =	vld.idx.msk [tilespmem:v2+s2+$0x0], $0xffff  }
0xc3: {  	v21 =	vld [tilespmem:s20+$0xC90];
	v2 =	vadd.s32 $0x200, v2  }
0xc4: {  	v6 =	vld [tilespmem:s0+$0x8F0];
	[tilespmem:s20+$0x4430] =	vst v0  }
0xc5: {  	[tilespmem:s0+$0x28E0] =	vst v1;
	v0 =	vld.idx.msk [tilespmem:v7+s2+$0x0], $0xffff  }
0xc6: {  	v1 =	vld.idx.msk [tilespmem:v3+s2+$0x0], $0xffff;
	v3 =	vadd.s32 $0x200, v7;
	[tilespmem:s20+$0x44B0] =	vst v4  }
0xc7: {  	v4 =	vld.idx.msk [tilespmem:v8+s2+$0x0], $0xffff;
	[tilespmem:s0+$0x2860] =	vst v5  }
0xc8: {  	v5 =	vadd.s32 $0x200, v8;
	v2 =	vld.idx.msk [tilespmem:v2+s2+$0x0], $0xffff  }
0xc9: {  	v7 =	vld [tilespmem:s20+$0x450]  }
0xca: {  	v8 =	vld [tilespmem:s20+$0x4D0];
	[tilespmem:s20+$0x2440] =	vst v0  }
0xcb: {  	[tilespmem:s0+$0x48E0] =	vst v1;
	v0 =	vld.idx.msk [tilespmem:v3+s2+$0x0], $0xffff  }
0xcc: {  	v1 =	vld.idx.msk [tilespmem:v6+s2+$0x0], $0xffff;
	[tilespmem:s20+$0x24C0] =	vst v4  }
0xcd: {  	v3 =	vld.idx.msk [tilespmem:v5+s2+$0x0], $0xffff;
	[tilespmem:s18+$0x2460] =	vst v2  }
0xce: {  	v2 =	vadd.s32 $0x200, v6;
	v4 =	vld [tilespmem:s0+$0x870]  }
0xcf: {  	s17 =	simm.s32 $0x800;
	s15 =	simm.s32 $0x200;
	v19 =	vld [tilespmem:s20+$0xCA0]  }
0xd0: {  	s5 =	sand.u32 $0x1000, s17;
	s24 =	sand.u32 $0x300, s15;
	v5 =	vld [tilespmem:s0+$0xC80];
	[tilespmem:s20+$0x4440] =	vst v0  }
0xd1: {  	s16 =	sor.u32 s24, s5;
	v0 =	vld.idx.msk [tilespmem:v7+s2+$0x0], $0xffff  }
0xd2: {  	v18 =	vld [tilespmem:s16+$0x490];
	[tilespmem:s0+$0x28F0] =	vst v1;
	v1 =	vadd.s32 $0x200, v7  }
0xd3: {  	[tilespmem:s20+$0x44C0] =	vst v3;
	v2 =	vld.idx.msk [tilespmem:v2+s2+$0x0], $0xffff  }
0xd4: {  	v3 =	vld.idx.msk [tilespmem:v8+s2+$0x0], $0xffff  }
0xd5: {  	v7 =	vadd.s32 $0x200, v8;
	v8 =	vld [tilespmem:s20+$0x460]  }
0xd6: {  	[tilespmem:s20+$0x2450] =	vst v0;
	v0 =	vld.idx.msk [tilespmem:v4+s2+$0x0], $0xffff  }
0xd7: {  	v1 =	vld.idx.msk [tilespmem:v1+s2+$0x0], $0xffff;
	v4 =	vadd.s32 $0x200, v4  }
0xd8: {  	v28 =	vld [tilespmem:s16+$0x4A0];
	[tilespmem:s0+$0x48F0] =	vst v2  }
0xd9: {  	[tilespmem:s20+$0x24D0] =	vst v3;
	v2 =	vld.idx.msk [tilespmem:v5+s2+$0x0], $0xffff  }
0xda: {  	v3 =	vadd.s32 $0x200, v5;
	v5 =	vld.idx.msk [tilespmem:v7+s2+$0x0], $0xffff  }
0xdb: {  	v6 =	vld [tilespmem:s0+$0xC90];
	[tilespmem:s0+$0x2870] =	vst v0  }
0xdc: {  	[tilespmem:s20+$0x4450] =	vst v1;
	v0 =	vld.idx.msk [tilespmem:v4+s2+$0x0], $0xffff  }
0xdd: {  	v1 =	vld.idx.msk [tilespmem:v8+s2+$0x0], $0xffff  }
0xde: {  	v29 =	vld [tilespmem:s16+$0x4B0];
	[tilespmem:s0+$0x2C80] =	vst v2;
	v2 =	vadd.s32 $0x200, v8  }
0xdf: {  	[tilespmem:s20+$0x44D0] =	vst v5;
	v3 =	vld.idx.msk [tilespmem:v3+s2+$0x0], $0xffff  }
0xe0: {  	v5 =	vld.idx.msk [tilespmem:v10+s2+$0x0], $0xffff  }
0xe1: {  	v8 =	vadd.s32 $0x200, v10;
	v10 =	vld [tilespmem:s20+$0x470];
	[tilespmem:s18+$0x2470] =	vst v0  }
0xe2: {  	[tilespmem:s20+$0x2460] =	vst v1;
	v0 =	vld [tilespmem:s0+$0xC00]  }
0xe3: {  	v1 =	vld.idx.msk [tilespmem:v2+s2+$0x0], $0xffff  }
0xe4: {  	v2 =	vld [tilespmem:s20+$0x4F0];
	[tilespmem:s0+$0x4C80] =	vst v3  }
0xe5: {  	v3 =	vld.idx.msk [tilespmem:v6+s2+$0x0], $0xffff  }
0xe6: {  	v30 =	vld [tilespmem:s16+$0x4C0];
	[tilespmem:s20+$0x24E0] =	vst v5  }
0xe7: {  	v5 =	vadd.s32 $0x200, v6;
	v6 =	vld.idx.msk [tilespmem:v8+s2+$0x0], $0xffff  }
0xe8: {  	v9 =	vld [tilespmem:s0+$0xCA0];
	[tilespmem:s20+$0x4460] =	vst v1  }
0xe9: {  	v1 =	vld.idx.msk [tilespmem:v10+s2+$0x0], $0xffff  }
0xea: {  	[tilespmem:s0+$0x2C90] =	vst v3;
	v3 =	vadd.s32 $0x200, v10;
	v10 =	vld.idx.msk [tilespmem:v0+s2+$0x0], $0xffff  }
0xeb: {  	v27 =	vld [tilespmem:s16+$0x4D0];
	v0 =	vadd.s32 $0x200, v0  }
0xec: {  	[tilespmem:s20+$0x44E0] =	vst v6;
	v5 =	vld.idx.msk [tilespmem:v5+s2+$0x0], $0xffff  }
0xed: {  	v6 =	vld.idx.msk [tilespmem:v2+s2+$0x0], $0xffff  }
0xee: {  	v2 =	vadd.s32 $0x200, v2;
	[tilespmem:s20+$0x2470] =	vst v1;
	v1 =	vld [tilespmem:s0+$0xC10]  }
0xef: {  	v3 =	vld.idx.msk [tilespmem:v3+s2+$0x0], $0xffff;
	[tilespmem:s0+$0x2C00] =	vst v10  }
0xf0: {  	v0 =	vld.idx.msk [tilespmem:v0+s2+$0x0], $0xffff  }
0xf1: {  	v10 =	vld [tilespmem:s20+$0x880];
	[tilespmem:s0+$0x4C90] =	vst v5  }
0xf2: {  	[tilespmem:s20+$0x24F0] =	vst v6;
	v5 =	vld.idx.msk [tilespmem:v9+s2+$0x0], $0xffff  }
0xf3: {  	v6 =	vadd.s32 $0x200, v9;
	v2 =	vld.idx.msk [tilespmem:v2+s2+$0x0], $0xffff  }
0xf4: {  	v7 =	vld [tilespmem:s0+$0xCB0];
	[tilespmem:s20+$0x4470] =	vst v3  }
0xf5: {  	[tilespmem:s0+$0x4C00] =	vst v0;
	v0 =	vld.idx.msk [tilespmem:v11+s2+$0x0], $0xffff  }
0xf6: {  	v9 =	vadd.s32 $0x200, v11;
	v3 =	vld.idx.msk [tilespmem:v1+s2+$0x0], $0xffff  }
0xf7: {  	v26 =	vld [tilespmem:s16+$0x4E0];
	[tilespmem:s0+$0x2CA0] =	vst v5;
	v1 =	vadd.s32 $0x200, v1  }
0xf8: {  	[tilespmem:s20+$0x44F0] =	vst v2;
	v5 =	vld.idx.msk [tilespmem:v6+s2+$0x0], $0xffff  }
0xf9: {  	v2 =	vld.idx.msk [tilespmem:v10+s2+$0x0], $0xffff  }
0xfa: {  	v6 =	vadd.s32 $0x200, v10;
	v10 =	vld [tilespmem:s0+$0xC20];
	[tilespmem:s20+$0x2800] =	vst v0  }
0xfb: {  	[tilespmem:s0+$0x2C10] =	vst v3;
	v0 =	vld.idx.msk [tilespmem:v9+s2+$0x0], $0xffff  }
0xfc: {  	v1 =	vld.idx.msk [tilespmem:v1+s2+$0x0], $0xffff  }
0xfd: {  	v4 =	vld [tilespmem:s0+$0xCC0];
	[tilespmem:s0+$0x4CA0] =	vst v5  }
0xfe: {  	s1 =	sor.u32 s21, s19;
	v5 =	vld.idx.msk [tilespmem:v7+s2+$0x0], $0xffff  }
0xff: {  	s22 =	sor.u32 $0x2400, s1;
	v11 =	vld [tilespmem:s20+$0x890];
	[tilespmem:s20+$0x2880] =	vst v2;
	v2 =	vadd.s32 $0x200, v7  }
0x100: {  	v6 =	vld.idx.msk [tilespmem:v6+s2+$0x0], $0xffff;
	[tilespmem:s22+$0x2400] =	vst v0  }
0x101: {  	[tilespmem:s0+$0x4C10] =	vst v1;
	v0 =	vld [tilespmem:s20+$0x810]  }
0x102: {  	v9 =	vld.idx.msk [tilespmem:v10+s2+$0x0], $0xffff  }
0x103: {  	v25 =	vld [tilespmem:s16+$0x4F0];
	[tilespmem:s0+$0x2CB0] =	vst v5;
	v10 =	vadd.s32 $0x200, v10  }
0x104: {  	v2 =	vld.idx.msk [tilespmem:v2+s2+$0x0], $0xffff  }
0x105: {  	v24 =	vld [tilespmem:s16+$0x880]  }
0x106: {  	v13 =	vld [tilespmem:s0+$0xC30];
	[tilespmem:s20+$0x4880] =	vst v6  }
0x107: {  	v6 =	vld.idx.msk [tilespmem:v11+s2+$0x0], $0xffff;
	[tilespmem:s0+$0x2C20] =	vst v9  }
0x108: {  	v14 =	vadd.s32 $0x200, v11;
	v9 =	vld.idx.msk [tilespmem:v10+s2+$0x0], $0xffff  }
0x109: {  	[tilespmem:s0+$0x4CB0] =	vst v2;
	v2 =	vld.idx.msk [tilespmem:v0+s2+$0x0], $0xffff  }
0x10a: {  	v15 =	vadd.s32 $0x200, v0;
	v10 =	vld.idx.msk [tilespmem:v4+s2+$0x0], $0xffff  }
0x10b: {  	v3 =	vld [tilespmem:s20+$0x8A0];
	v4 =	vadd.s32 $0x200, v4  }
0x10c: {  	v8 =	vld [tilespmem:s0+$0xCD0];
	[tilespmem:s20+$0x2890] =	vst v6  }
0x10d: {  	v6 =	vld.idx.msk [tilespmem:v14+s2+$0x0], $0xffff;
	[tilespmem:s0+$0x4C20] =	vst v9  }
0x10e: {  	v9 =	vld.idx.msk [tilespmem:v13+s2+$0x0], $0xffff;
	[tilespmem:s20+$0x2810] =	vst v2  }
0x10f: {  	[tilespmem:s0+$0x2CC0] =	vst v10;
	v10 =	vadd.s32 $0x200, v13;
	v2 =	vld.idx.msk [tilespmem:v15+s2+$0x0], $0xffff  }
0x110: {  	v4 =	vld.idx.msk [tilespmem:v4+s2+$0x0], $0xffff  }
0x111: {  	v22 =	vld [tilespmem:s16+$0x890]  }
0x112: {  	[tilespmem:s20+$0x4890] =	vst v6;
	v13 =	vld [tilespmem:s0+$0xC40]  }
0x113: {  	v6 =	vld.idx.msk [tilespmem:v3+s2+$0x0], $0xffff;
	[tilespmem:s0+$0x2C30] =	vst v9  }
0x114: {  	v10 =	vld.idx.msk [tilespmem:v10+s2+$0x0], $0xffff;
	[tilespmem:s22+$0x2410] =	vst v2  }
0x115: {  	[tilespmem:s0+$0x4CC0] =	vst v4;
	v2 =	vadd.s32 $0x200, v3;
	v3 =	vld [tilespmem:s20+$0x820]  }
0x116: {  	v4 =	vld.idx.msk [tilespmem:v8+s2+$0x0], $0xffff  }
0x117: {  	v31 =	vld [tilespmem:s16+$0x420]  }
0x118: {  	v7 =	vld [tilespmem:s20+$0x8B0]  }
0x119: {  	v33 =	vld [tilespmem:s16+$0x430];
	[tilespmem:s20+$0x28A0] =	vst v6  }
0x11a: {  	v2 =	vld.idx.msk [tilespmem:v2+s2+$0x0], $0xffff;
	[tilespmem:s0+$0x4C30] =	vst v10  }
0x11b: {  	[tilespmem:s0+$0x2CD0] =	vst v4;
	v4 =	vld.idx.msk [tilespmem:v13+s2+$0x0], $0xffff  }
0x11c: {  	v12 =	vld [tilespmem:s0+$0xCE0];
	v10 =	vadd.s32 $0x200, v13  }
0x11d: {  	v13 =	vld.idx.msk [tilespmem:v3+s2+$0x0], $0xffff  }
0x11e: {  	v16 =	vld [tilespmem:s0+$0xCF0];
	v3 =	vadd.s32 $0x200, v3  }
0x11f: {  	[tilespmem:s20+$0x48A0] =	vst v2;
	v2 =	vld [tilespmem:s0+$0xC50]  }
0x120: {  	v8 =	vadd.s32 $0x200, v8;
	v14 =	vld.idx.msk [tilespmem:v7+s2+$0x0], $0xffff;
	[tilespmem:s0+$0x2C40] =	vst v4  }
0x121: {  	v4 =	vadd.s32 $0x200, v7;
	v10 =	vld.idx.msk [tilespmem:v10+s2+$0x0], $0xffff  }
0x122: {  	v1 =	vld [tilespmem:s20+$0x8C0];
	[tilespmem:s20+$0x2820] =	vst v13  }
0x123: {  	v3 =	vld.idx.msk [tilespmem:v3+s2+$0x0], $0xffff  }
0x124: {  	v5 =	vld [tilespmem:s20+$0x8D0]  }
0x125: {  	v6 =	vld.idx.msk [tilespmem:v8+s2+$0x0], $0xffff;
	[tilespmem:s20+$0x28B0] =	vst v14  }
0x126: {  	v4 =	vld.idx.msk [tilespmem:v4+s2+$0x0], $0xffff;
	[tilespmem:s0+$0x4C40] =	vst v10  }
0x127: {  	v10 =	vld.idx.msk [tilespmem:v2+s2+$0x0], $0xffff  }
0x128: {  	v11 =	vld [tilespmem:s20+$0x8E0];
	v2 =	vadd.s32 $0x200, v2;
	[tilespmem:s22+$0x2420] =	vst v3  }
0x129: {  	v13 =	vld [tilespmem:s20+$0x830]  }
0x12a: {  	v0 =	vld [tilespmem:s20+$0x8F0];
	[tilespmem:s0+$0x4CD0] =	vst v6  }
0x12b: {  	[tilespmem:s20+$0x48B0] =	vst v4;
	v4 =	vld [tilespmem:s0+$0xC60]  }
0x12c: {  	v15 =	vld.idx.msk [tilespmem:v12+s2+$0x0], $0xffff;
	[tilespmem:s0+$0x2C50] =	vst v10  }
0x12d: {  	v2 =	vld.idx.msk [tilespmem:v2+s2+$0x0], $0xffff  }
0x12e: {  	v10 =	vld [tilespmem:s16+$0x400]  }
0x12f: {  	v9 =	vld [tilespmem:s20+$0xCB0]  }
0x130: {  	v8 =	vld [tilespmem:s20+$0xCC0]  }
0x131: {  	[tilespmem:s0+$0x2CE0] =	vst v15;
	v17 =	vld.idx.msk [tilespmem:v13+s2+$0x0], $0xffff  }
0x132: {  	v15 =	vld [tilespmem:s16+$0x480];
	v13 =	vadd.s32 $0x200, v13;
	[tilespmem:s0+$0x4C50] =	vst v2  }
0x133: {  	v2 =	vld.idx.msk [tilespmem:v4+s2+$0x0], $0xffff  }
0x134: {  	v7 =	vld [tilespmem:s20+$0xCD0];
	v12 =	vadd.s32 $0x200, v12  }
0x135: {  	v6 =	vld [tilespmem:s20+$0xCE0];
	v4 =	vadd.s32 $0x200, v4  }
0x136: {  	v20 =	vld.idx.msk [tilespmem:v10+s2+$0x0], $0xffff;
	[tilespmem:s20+$0x2830] =	vst v17  }
0x137: {  	v13 =	vld.idx.msk [tilespmem:v13+s2+$0x0], $0xffff  }
0x138: {  	[tilespmem:s0+$0x2C60] =	vst v2;
	v2 =	vld [tilespmem:s0+$0xC70]  }
0x139: {  	v12 =	vld.idx.msk [tilespmem:v12+s2+$0x0], $0xffff;
	v10 =	vadd.s32 $0x200, v10  }
0x13a: {  	v4 =	vld.idx.msk [tilespmem:v4+s2+$0x0], $0xffff  }
0x13b: {  	v17 =	vld.idx.msk [tilespmem:v15+s2+$0x0], $0xffff;
	[tilespmem:s16+$0x2400] =	vst v20  }
0x13c: {  	v15 =	vadd.s32 $0x200, v15;
	v20 =	vld [tilespmem:s16+$0x410];
	[tilespmem:s22+$0x2430] =	vst v13  }
0x13d: {  	v13 =	vld [tilespmem:s20+$0x840]  }
0x13e: {  	v10 =	vld.idx.msk [tilespmem:v10+s2+$0x0], $0xffff  }
0x13f: {  	v3 =	vld [tilespmem:s20+$0xCF0];
	[tilespmem:s0+$0x4C60] =	vst v4  }
0x140: {  	[tilespmem:s16+$0x2480] =	vst v17;
	v4 =	vld.idx.msk [tilespmem:v2+s2+$0x0], $0xffff  }
0x141: {  	v15 =	vld.idx.msk [tilespmem:v15+s2+$0x0], $0xffff;
	v2 =	vadd.s32 $0x200, v2  }
0x142: {  	v14 =	vld.idx.msk [tilespmem:v1+s2+$0x0], $0xffff;
	[tilespmem:s0+$0x4CE0] =	vst v12  }
0x143: {  	v1 =	vadd.s32 $0x200, v1;
	v12 =	vld.idx.msk [tilespmem:v16+s2+$0x0], $0xffff;
	[tilespmem:s16+$0x4400] =	vst v10  }
0x144: {  	v10 =	vld.idx.msk [tilespmem:v20+s2+$0x0], $0xffff  }
0x145: {  	[tilespmem:s0+$0x2C70] =	vst v4;
	v4 =	vadd.s32 $0x200, v20;
	v17 =	vld.idx.msk [tilespmem:v13+s2+$0x0], $0xffff  }
0x146: {  	[tilespmem:s16+$0x4480] =	vst v15;
	v2 =	vld.idx.msk [tilespmem:v2+s2+$0x0], $0xffff;
	v13 =	vadd.s32 $0x200, v13  }
0x147: {  	[tilespmem:s20+$0x28C0] =	vst v14;
	v15 =	vld.idx.msk [tilespmem:v18+s2+$0x0], $0xffff  }
0x148: {  	s25 =	sand.u32 $0x3, s2;
	v14 =	vld.idx.msk [tilespmem:v1+s2+$0x0], $0xffff;
	v18 =	vadd.s32 $0x200, v18  }
0x149: {  	s1 =	sshll.u32 s25, $0x8;
	v1 =	vld [tilespmem:s16+$0x8E0];
	[tilespmem:s16+$0x2410] =	vst v10  }
0x14a: {  	s26 =	sadd.s32 $0x0, s1;
	v4 =	vld.idx.msk [tilespmem:v4+s2+$0x0], $0xffff;
	[tilespmem:s20+$0x2840] =	vst v17  }
0x14b: {  	s1 =	sor.u32 $0xC00, s26;
	[tilespmem:s0+$0x4C70] =	vst v2;
	v13 =	vld.idx.msk [tilespmem:v13+s2+$0x0], $0xffff  }
0x14c: {  	[tilespmem:s16+$0x2490] =	vst v15;
	v15 =	vld [tilespmem:s1+$0x400]  }
0x14d: {  	v17 =	vld.idx.msk [tilespmem:v18+s2+$0x0], $0xffff  }
0x14e: {  	v20 =	vld [tilespmem:s16+$0x8A0]  }
0x14f: {  	v10 =	vld [tilespmem:s16+$0x8B0]  }
0x150: {  	v2 =	vld [tilespmem:s16+$0x8C0];
	[tilespmem:s16+$0x4410] =	vst v4  }
0x151: {  	v18 =	vld.idx.msk [tilespmem:v31+s2+$0x0], $0xffff;
	[tilespmem:s22+$0x2440] =	vst v13  }
0x152: {  	[tilespmem:s16+$0x4490] =	vst v17;
	v13 =	vld [tilespmem:s20+$0x850]  }
0x153: {  	v17 =	vadd.s32 $0x200, v31;
	v32 =	vld.idx.msk [tilespmem:v28+s2+$0x0], $0xffff  }
0x154: {  	[tilespmem:s20+$0x48C0] =	vst v14;
	v14 =	vadd.s32 $0x200, v15;
	v31 =	vld.idx.msk [tilespmem:v15+s2+$0x0], $0xffff;
	v15 =	vadd.s32 $0x200, v28  }
0x155: {  	v4 =	vld [tilespmem:s16+$0x8D0]  }
0x156: {  	v28 =	vld.idx.msk [tilespmem:v5+s2+$0x0], $0xffff  }
0x157: {  	[tilespmem:s16+$0x2420] =	vst v18;
	v18 =	vadd.s32 $0x200, v5;
	v5 =	vld [tilespmem:s16+$0x8F0]  }
0x158: {  	v17 =	vld.idx.msk [tilespmem:v17+s2+$0x0], $0xffff;
	[tilespmem:s16+$0x24A0] =	vst v32  }
0x159: {  	v15 =	vld.idx.msk [tilespmem:v15+s2+$0x0], $0xffff  }
0x15a: {  	[tilespmem:s1+$0x2400] =	vst v31;
	v34 =	vld.idx.msk [tilespmem:v13+s2+$0x0], $0xffff  }
0x15b: {  	[tilespmem:s20+$0x28D0] =	vst v28;
	v14 =	vld.idx.msk [tilespmem:v14+s2+$0x0], $0xffff;
	v13 =	vadd.s32 $0x200, v13  }
0x15c: {  	v28 =	vld.idx.msk [tilespmem:v18+s2+$0x0], $0xffff  }
0x15d: {  	v18 =	vld [tilespmem:s16+$0xC80]  }
0x15e: {  	s7 =	sor.u32 s2, s2;
	[tilespmem:s16+$0x4420] =	vst v17;
	v17 =	vld [tilespmem:s16+$0xC90]  }
0x15f: {  	s24 =	sor.u32 $0x2C00, s7;
	v31 =	vld.idx.msk [tilespmem:v33+s2+$0x0], $0xffff;
	[tilespmem:s20+$0x2850] =	vst v34  }
0x160: {  	s8 =	sor.u32 $0xC10, s26;
	[tilespmem:s24+$0x2400] =	vst v14;
	v14 =	vadd.s32 $0x200, v33;
	v13 =	vld.idx.msk [tilespmem:v13+s2+$0x0], $0xffff  }
0x161: {  	[tilespmem:s16+$0x44A0] =	vst v15;
	v53 =	vld [tilespmem:s8+$0x400]  }
0x162: {  	v15 =	vld.idx.msk [tilespmem:v29+s2+$0x0], $0xffff;
	[tilespmem:s20+$0x48D0] =	vst v28  }
0x163: {  	v29 =	vadd.s32 $0x200, v29;
	v28 =	vld.idx.msk [tilespmem:v11+s2+$0x0], $0xffff  }
0x164: {  	[tilespmem:s16+$0x2430] =	vst v31;
	v31 =	vld [tilespmem:s16+$0x440]  }
0x165: {  	v33 =	vld.idx.msk [tilespmem:v14+s2+$0x0], $0xffff;
	[tilespmem:s22+$0x2450] =	vst v13  }
0x166: {  	v54 =	vld [tilespmem:s20+$0x860]  }
0x167: {  	v11 =	vadd.s32 $0x200, v11;
	[tilespmem:s16+$0x24B0] =	vst v15;
	v15 =	vld [tilespmem:s16+$0xCA0]  }
0x168: {  	v29 =	vld.idx.msk [tilespmem:v29+s2+$0x0], $0xffff  }
0x169: {  	v35 =	vld.idx.msk [tilespmem:v53+s2+$0x0], $0xffff  }
0x16a: {  	v14 =	vld [tilespmem:s16+$0xCB0];
	[tilespmem:s20+$0x28E0] =	vst v28;
	v28 =	vadd.s32 $0x200, v53  }
0x16b: {  	[tilespmem:s0+$0x2CF0] =	vst v12;
	v13 =	vld [tilespmem:s16+$0xCC0]  }
0x16c: {  	v11 =	vld.idx.msk [tilespmem:v11+s2+$0x0], $0xffff;
	[tilespmem:s16+$0x4430] =	vst v33  }
0x16d: {  	v55 =	vld.idx.msk [tilespmem:v31+s2+$0x0], $0xffff;
	[tilespmem:s16+$0x44B0] =	vst v29  }
0x16e: {  	v31 =	vadd.s32 $0x200, v31;
	[tilespmem:s8+$0x2400] =	vst v35;
	v56 =	vld.idx.msk [tilespmem:v54+s2+$0x0], $0xffff  }
0x16f: {  	v28 =	vld.idx.msk [tilespmem:v28+s2+$0x0], $0xffff  }
0x170: {  	v34 =	vadd.s32 $0x200, v54;
	v29 =	vld.idx.msk [tilespmem:v30+s2+$0x0], $0xffff  }
0x171: {  	[tilespmem:s20+$0x48E0] =	vst v11;
	v57 =	vld [tilespmem:s16+$0x450]  }
0x172: {  	v30 =	vadd.s32 $0x200, v30;
	v11 =	vld.idx.msk [tilespmem:v0+s2+$0x0], $0xffff;
	[tilespmem:s16+$0x2440] =	vst v55  }
0x173: {  	v0 =	vadd.s32 $0x200, v0;
	v31 =	vld.idx.msk [tilespmem:v31+s2+$0x0], $0xffff  }
0x174: {  	[tilespmem:s20+$0x2860] =	vst v56  }
0x175: {  	s9 =	sor.u32 $0xC20, s26;
	[tilespmem:s24+$0x2410] =	vst v28;
	v33 =	vld.idx.msk [tilespmem:v34+s2+$0x0], $0xffff  }
0x176: {  	[tilespmem:s16+$0x24C0] =	vst v29;
	v28 =	vld [tilespmem:s9+$0x400]  }
0x177: {  	v29 =	vld.idx.msk [tilespmem:v30+s2+$0x0], $0xffff;
	[tilespmem:s20+$0x28F0] =	vst v11  }
0x178: {  	v30 =	vld.idx.msk [tilespmem:v0+s2+$0x0], $0xffff;
	[tilespmem:s16+$0x4440] =	vst v31  }
0x179: {  	v31 =	vld.idx.msk [tilespmem:v57+s2+$0x0], $0xffff;
	_ =	sdelay $0x1  }
0x17a: {  	[tilespmem:s22+$0x2460] =	vst v33  }
0x17b: {  	[tilespmem:s16+$0x44C0] =	vst v29  }
0x17c: {  	v16 =	vadd.s32 $0x200, v16;
	v33 =	vld [tilespmem:s20+$0x870];
	[tilespmem:s20+$0x48F0] =	vst v30  }
0x17d: {  	v32 =	vadd.s32 $0x200, v57;
	[tilespmem:s16+$0x2450] =	vst v31;
	v31 =	vld.idx.msk [tilespmem:v23+s2+$0x0], $0xffff  }
0x17e: {  	v58 =	vld.idx.msk [tilespmem:v27+s2+$0x0], $0xffff;
	v23 =	vadd.s32 $0x200, v23  }
0x17f: {  	v29 =	vld.idx.msk [tilespmem:v28+s2+$0x0], $0xffff  }
0x180: {  	v30 =	vld [tilespmem:s16+$0x460];
	v28 =	vadd.s32 $0x200, v28  }
0x181: {  	v16 =	vld.idx.msk [tilespmem:v16+s2+$0x0], $0xffff;
	v27 =	vadd.s32 $0x200, v27  }
0x182: {  	v32 =	vld.idx.msk [tilespmem:v32+s2+$0x0], $0xffff;
	[tilespmem:s20+$0x2C80] =	vst v31  }
0x183: {  	v23 =	vld.idx.msk [tilespmem:v23+s2+$0x0], $0xffff  }
0x184: {  	[tilespmem:s9+$0x2400] =	vst v29;
	v59 =	vld.idx.msk [tilespmem:v33+s2+$0x0], $0xffff  }
0x185: {  	[tilespmem:s16+$0x24D0] =	vst v58;
	v29 =	vadd.s32 $0x200, v33;
	v28 =	vld.idx.msk [tilespmem:v28+s2+$0x0], $0xffff  }
0x186: {  	[tilespmem:s0+$0x4CF0] =	vst v16;
	v27 =	vld.idx.msk [tilespmem:v27+s2+$0x0], $0xffff  }
0x187: {  	[tilespmem:s16+$0x4450] =	vst v32  }
0x188: {  	v16 =	vld.idx.msk [tilespmem:v30+s2+$0x0], $0xffff;
	[tilespmem:s20+$0x4C80] =	vst v23  }
0x189: {  	[tilespmem:s20+$0x2870] =	vst v59;
	v23 =	vld.idx.msk [tilespmem:v21+s2+$0x0], $0xffff  }
0x18a: {  	s10 =	sor.u32 $0xC30, s26;
	s1 =	sadd.s32 $0x80, s26;
	[tilespmem:s24+$0x2420] =	vst v28;
	v28 =	vadd.s32 $0x200, v30;
	v29 =	vld.idx.msk [tilespmem:v29+s2+$0x0], $0xffff  }
0x18b: {  	s6 =	sor.u32 $0xC00, s1;
	[tilespmem:s16+$0x44D0] =	vst v27;
	v27 =	vld [tilespmem:s10+$0x400]  }
0x18c: {  	v31 =	vld [tilespmem:s6+$0x400];
	v21 =	vadd.s32 $0x200, v21  }
0x18d: {  	v30 =	vld.idx.msk [tilespmem:v26+s2+$0x0], $0xffff  }
0x18e: {  	[tilespmem:s16+$0x2460] =	vst v16;
	v16 =	vld [tilespmem:s16+$0x470]  }
0x18f: {  	v26 =	vadd.s32 $0x200, v26;
	v28 =	vld.idx.msk [tilespmem:v28+s2+$0x0], $0xffff;
	[tilespmem:s22+$0x2470] =	vst v29  }
0x190: {  	[tilespmem:s20+$0x2C90] =	vst v23;
	v29 =	vld [tilespmem:s20+$0xC00]  }
0x191: {  	v21 =	vld.idx.msk [tilespmem:v21+s2+$0x0], $0xffff;
	_ =	sdelay $0x1  }
0x192: {  	[tilespmem:s16+$0x24E0] =	vst v30;
	v30 =	vld.idx.msk [tilespmem:v27+s2+$0x0], $0xffff  }
0x193: {  	v23 =	vld.idx.msk [tilespmem:v26+s2+$0x0], $0xffff;
	v26 =	vadd.s32 $0x200, v27  }
0x194: {  	[tilespmem:s16+$0x4460] =	vst v28;
	v28 =	vld.idx.msk [tilespmem:v31+s2+$0x0], $0xffff  }
0x195: {  	v27 =	vld.idx.msk [tilespmem:v16+s2+$0x0], $0xffff;
	[tilespmem:s20+$0x4C90] =	vst v21  }
0x196: {  	v21 =	vld.idx.msk [tilespmem:v19+s2+$0x0], $0xffff  }
0x197: {  	v16 =	vadd.s32 $0x200, v16;
	[tilespmem:s10+$0x2400] =	vst v30;
	v60 =	vld.idx.msk [tilespmem:v29+s2+$0x0], $0xffff  }
0x198: {  	[tilespmem:s16+$0x44E0] =	vst v23;
	v23 =	vld.idx.msk [tilespmem:v26+s2+$0x0], $0xffff;
	v26 =	vadd.s32 $0x200, v29  }
0x199: {  	v29 =	vld.idx.msk [tilespmem:v25+s2+$0x0], $0xffff  }
0x19a: {  	v30 =	vld [tilespmem:s20+$0xC10];
	v25 =	vadd.s32 $0x200, v25  }
0x19b: {  	v19 =	vadd.s32 $0x200, v19;
	[tilespmem:s16+$0x2470] =	vst v27;
	v27 =	vld [tilespmem:s16+$0x800]  }
0x19c: {  	v16 =	vld.idx.msk [tilespmem:v16+s2+$0x0], $0xffff;
	[tilespmem:s20+$0x2C00] =	vst v60  }
0x19d: {  	s11 =	sor.u32 $0xC40, s26;
	[tilespmem:s24+$0x2430] =	vst v23;
	v23 =	vadd.s32 $0x200, v31;
	v26 =	vld.idx.msk [tilespmem:v26+s2+$0x0], $0xffff  }
0x19e: {  	[tilespmem:s16+$0x24F0] =	vst v29;
	v31 =	vld [tilespmem:s11+$0x400]  }
0x19f: {  	[tilespmem:s20+$0x2CA0] =	vst v21;
	v25 =	vld.idx.msk [tilespmem:v25+s2+$0x0], $0xffff  }
0x1a0: {  	v19 =	vld.idx.msk [tilespmem:v19+s2+$0x0], $0xffff  }
0x1a1: {  	v12 =	vld [tilespmem:s16+$0xCD0];
	[tilespmem:s6+$0x2400] =	vst v28  }
0x1a2: {  	[tilespmem:s16+$0x4470] =	vst v16;
	v21 =	vld.idx.msk [tilespmem:v23+s2+$0x0], $0xffff  }
0x1a3: {  	v23 =	vld.idx.msk [tilespmem:v27+s2+$0x0], $0xffff;
	[tilespmem:s20+$0x4C00] =	vst v26  }
0x1a4: {  	[tilespmem:s16+$0x44F0] =	vst v25;
	v16 =	vld.idx.msk [tilespmem:v30+s2+$0x0], $0xffff  }
0x1a5: {  	[tilespmem:s20+$0x4CA0] =	vst v19;
	v27 =	vadd.s32 $0x200, v27;
	v19 =	vld.idx.msk [tilespmem:v24+s2+$0x0], $0xffff  }
0x1a6: {  	v26 =	vadd.s32 $0x200, v30;
	v30 =	vld [tilespmem:s20+$0xC20]  }
0x1a7: {  	s14 =	sor.u32 $0x2C00, s1;
	v25 =	vld.idx.msk [tilespmem:v31+s2+$0x0], $0xffff  }
0x1a8: {  	s12 =	sor.u32 $0xC10, s1;
	v28 =	vadd.s32 $0x200, v31;
	[tilespmem:s14+$0x2400] =	vst v21;
	v21 =	vld.idx.msk [tilespmem:v9+s2+$0x0], $0xffff  }
0x1a9: {  	v24 =	vadd.s32 $0x200, v24;
	[tilespmem:s16+$0x2800] =	vst v23;
	v29 =	vld [tilespmem:s12+$0x400]  }
0x1aa: {  	v9 =	vadd.s32 $0x200, v9;
	v23 =	vld.idx.msk [tilespmem:v27+s2+$0x0], $0xffff;
	[tilespmem:s20+$0x2C10] =	vst v16  }
0x1ab: {  	v16 =	vld.idx.msk [tilespmem:v26+s2+$0x0], $0xffff  }
0x1ac: {  	v11 =	vld [tilespmem:s16+$0xCE0];
	[tilespmem:s11+$0x2400] =	vst v25  }
0x1ad: {  	s13 =	sor.u32 s5, s15;
	[tilespmem:s16+$0x2880] =	vst v19;
	v19 =	vld.idx.msk [tilespmem:v28+s2+$0x0], $0xffff  }
0x1ae: {  	s4 =	sor.u32 $0x2400, s13;
	v24 =	vld.idx.msk [tilespmem:v24+s2+$0x0], $0xffff;
	[tilespmem:s20+$0x2CB0] =	vst v21  }
0x1af: {  	v9 =	vld.idx.msk [tilespmem:v9+s2+$0x0], $0xffff;
	[tilespmem:s4+$0x2400] =	vst v23  }
0x1b0: {  	v23 =	vld [tilespmem:s16+$0x810];
	[tilespmem:s20+$0x4C10] =	vst v16  }
0x1b1: {  	v21 =	vld.idx.msk [tilespmem:v30+s2+$0x0], $0xffff  }
0x1b2: {  	s18 =	sor.u32 $0xC50, s26;
	v16 =	vld.idx.msk [tilespmem:v29+s2+$0x0], $0xffff;
	[tilespmem:s24+$0x2440] =	vst v19;
	v19 =	vadd.s32 $0x200, v30  }
0x1b3: {  	v26 =	vadd.s32 $0x200, v29;
	[tilespmem:s16+$0x4880] =	vst v24;
	v25 =	vld [tilespmem:s18+$0x400]  }
0x1b4: {  	v24 =	vld.idx.msk [tilespmem:v22+s2+$0x0], $0xffff  }
0x1b5: {  	v22 =	vadd.s32 $0x200, v22;
	[tilespmem:s20+$0x4CB0] =	vst v9;
	v9 =	vld [tilespmem:s20+$0xC30]  }
0x1b6: {  	v27 =	vld.idx.msk [tilespmem:v8+s2+$0x0], $0xffff;
	[tilespmem:s20+$0x2C20] =	vst v21  }
0x1b7: {  	v8 =	vadd.s32 $0x200, v8;
	[tilespmem:s12+$0x2400] =	vst v16;
	v16 =	vld.idx.msk [tilespmem:v19+s2+$0x0], $0xffff  }
0x1b8: {  	v19 =	vld.idx.msk [tilespmem:v26+s2+$0x0], $0xffff  }
0x1b9: {  	[tilespmem:s16+$0x2890] =	vst v24;
	v21 =	vld.idx.msk [tilespmem:v23+s2+$0x0], $0xffff  }
0x1ba: {  	v23 =	vadd.s32 $0x200, v23;
	v22 =	vld.idx.msk [tilespmem:v22+s2+$0x0], $0xffff  }
0x1bb: {  	[tilespmem:s20+$0x2CC0] =	vst v27;
	v24 =	vld.idx.msk [tilespmem:v25+s2+$0x0], $0xffff  }
0x1bc: {  	v8 =	vld.idx.msk [tilespmem:v8+s2+$0x0], $0xffff;
	v25 =	vadd.s32 $0x200, v25;
	[tilespmem:s20+$0x4C20] =	vst v16  }
0x1bd: {  	s21 =	sor.u32 $0xC20, s1;
	[tilespmem:s14+$0x2410] =	vst v19;
	v16 =	vld.idx.msk [tilespmem:v9+s2+$0x0], $0xffff  }
0x1be: {  	[tilespmem:s16+$0x2810] =	vst v21;
	v19 =	vld [tilespmem:s21+$0x400]  }
0x1bf: {  	[tilespmem:s16+$0x4890] =	vst v22;
	v21 =	vld.idx.msk [tilespmem:v23+s2+$0x0], $0xffff;
	v9 =	vadd.s32 $0x200, v9  }
0x1c0: {  	v23 =	vld.idx.msk [tilespmem:v20+s2+$0x0], $0xffff;
	[tilespmem:s18+$0x2400] =	vst v24  }
0x1c1: {  	v20 =	vadd.s32 $0x200, v20;
	[tilespmem:s20+$0x4CC0] =	vst v8;
	v22 =	vld.idx.msk [tilespmem:v25+s2+$0x0], $0xffff  }
0x1c2: {  	[tilespmem:s20+$0x2C30] =	vst v16;
	v16 =	vld [tilespmem:s20+$0xC40]  }
0x1c3: {  	v8 =	vld.idx.msk [tilespmem:v7+s2+$0x0], $0xffff  }
0x1c4: {  	v7 =	vadd.s32 $0x200, v7;
	[tilespmem:s4+$0x2410] =	vst v21;
	v9 =	vld.idx.msk [tilespmem:v9+s2+$0x0], $0xffff  }
0x1c5: {  	[tilespmem:s16+$0x28A0] =	vst v23;
	v21 =	vld [tilespmem:s16+$0x820]  }
0x1c6: {  	s22 =	sor.u32 $0xC60, s26;
	v20 =	vld.idx.msk [tilespmem:v20+s2+$0x0], $0xffff;
	[tilespmem:s24+$0x2450] =	vst v22  }
0x1c7: {  	v22 =	vld [tilespmem:s22+$0x400]  }
0x1c8: {  	v0 =	vld [tilespmem:s16+$0xCF0];
	[tilespmem:s20+$0x2CD0] =	vst v8  }
0x1c9: {  	v7 =	vld.idx.msk [tilespmem:v7+s2+$0x0], $0xffff;
	[tilespmem:s20+$0x4C30] =	vst v9  }
0x1ca: {  	v8 =	vld.idx.msk [tilespmem:v16+s2+$0x0], $0xffff  }
0x1cb: {  	v9 =	vld.idx.msk [tilespmem:v19+s2+$0x0], $0xffff;
	[tilespmem:s16+$0x48A0] =	vst v20;
	v16 =	vadd.s32 $0x200, v16  }
0x1cc: {  	v25 =	vld.idx.msk [tilespmem:v10+s2+$0x0], $0xffff  }
0x1cd: {  	v19 =	vadd.s32 $0x200, v19;
	v23 =	vld.idx.msk [tilespmem:v21+s2+$0x0], $0xffff  }
0x1ce: {  	v20 =	vadd.s32 $0x200, v21;
	v21 =	vld [tilespmem:s20+$0xC50]  }
0x1cf: {  	v10 =	vadd.s32 $0x200, v10;
	v24 =	vld.idx.msk [tilespmem:v22+s2+$0x0], $0xffff;
	[tilespmem:s20+$0x2C40] =	vst v8  }
0x1d0: {  	[tilespmem:s20+$0x4CD0] =	vst v7;
	v8 =	vadd.s32 $0x200, v22;
	v7 =	vld.idx.msk [tilespmem:v16+s2+$0x0], $0xffff  }
0x1d1: {  	[tilespmem:s21+$0x2400] =	vst v9;
	v9 =	vld.idx.msk [tilespmem:v6+s2+$0x0], $0xffff  }
0x1d2: {  	v6 =	vadd.s32 $0x200, v6;
	[tilespmem:s16+$0x2820] =	vst v23;
	v16 =	vld.idx.msk [tilespmem:v19+s2+$0x0], $0xffff  }
0x1d3: {  	[tilespmem:s16+$0x28B0] =	vst v25;
	v19 =	vld.idx.msk [tilespmem:v20+s2+$0x0], $0xffff  }
0x1d4: {  	v10 =	vld.idx.msk [tilespmem:v10+s2+$0x0], $0xffff;
	[tilespmem:s22+$0x2400] =	vst v24  }
0x1d5: {  	v8 =	vld.idx.msk [tilespmem:v8+s2+$0x0], $0xffff;
	[tilespmem:s20+$0x4C40] =	vst v7  }
0x1d6: {  	[tilespmem:s20+$0x2CE0] =	vst v9;
	v7 =	vld.idx.msk [tilespmem:v21+s2+$0x0], $0xffff  }
0x1d7: {  	s7 =	sor.u32 $0xC30, s1;
	v6 =	vld.idx.msk [tilespmem:v6+s2+$0x0], $0xffff;
	[tilespmem:s14+$0x2420] =	vst v16  }
0x1d8: {  	v9 =	vadd.s32 $0x200, v21;
	[tilespmem:s4+$0x2420] =	vst v19;
	v25 =	vld [tilespmem:s7+$0x400]  }
0x1d9: {  	[tilespmem:s16+$0x48B0] =	vst v10;
	v21 =	vld [tilespmem:s16+$0x830]  }
0x1da: {  	s0 =	sor.u32 $0xC70, s26;
	[tilespmem:s24+$0x2460] =	vst v8;
	v8 =	vld.idx.msk [tilespmem:v2+s2+$0x0], $0xffff  }
0x1db: {  	s25 =	simm.s32 $0xC00;
	s26 =	simm.s32 $0xC00;
	s11 =	simm.s32 $0x300;
	v19 =	vld [tilespmem:s0+$0x400];
	[tilespmem:s20+$0x2C50] =	vst v7  }
0x1dc: {  	s5 =	sand.u32 $0x1000, s25;
	s6 =	sand.u32 $0x300, s11;
	v7 =	vld [tilespmem:s20+$0xC60];
	[dreg:$0x4] =	wrdreg s26  }
0x1dd: {  	s21 =	sor.u32 s6, s5;
	v9 =	vld.idx.msk [tilespmem:v9+s2+$0x0], $0xffff  }
0x1de: {  	[tilespmem:s20+$0x4CE0] =	vst v6;
	v6 =	vld [tilespmem:s21+$0x400]  }
0x1df: {  	v10 =	vld [tilespmem:s21+$0x480]  }
0x1e0: {  	v27 =	vld [tilespmem:s21+$0x490]  }
0x1e1: {  	v30 =	vld [tilespmem:s21+$0x4A0]  }
0x1e2: {  	v31 =	vld [tilespmem:s21+$0x4B0]  }
0x1e3: {  	v61 =	vld [tilespmem:s21+$0x4C0]  }
0x1e4: {  	v29 =	vld [tilespmem:s21+$0x4D0]  }
0x1e5: {  	v28 =	vld [tilespmem:s21+$0x4E0]  }
0x1e6: {  	v26 =	vld [tilespmem:s21+$0x4F0]  }
0x1e7: {  	v22 =	vld.idx.msk [tilespmem:v21+s2+$0x0], $0xffff  }
0x1e8: {  	v24 =	vld [tilespmem:s21+$0x880];
	v21 =	vadd.s32 $0x200, v21  }
0x1e9: {  	v46 =	vld [tilespmem:s21+$0x450]  }
0x1ea: {  	v51 =	vld [tilespmem:s21+$0x460];
	[tilespmem:s20+$0x4C50] =	vst v9  }
0x1eb: {  	v9 =	vld.idx.msk [tilespmem:v7+s2+$0x0], $0xffff  }
0x1ec: {  	v7 =	vadd.s32 $0x200, v7;
	[tilespmem:s16+$0x2830] =	vst v22;
	v23 =	vld.idx.msk [tilespmem:v6+s2+$0x0], $0xffff  }
0x1ed: {  	v21 =	vld.idx.msk [tilespmem:v21+s2+$0x0], $0xffff  }
0x1ee: {  	v56 =	vld [tilespmem:s21+$0x470]  }
0x1ef: {  	v6 =	vadd.s32 $0x200, v6;
	v22 =	vld.idx.msk [tilespmem:v10+s2+$0x0], $0xffff  }
0x1f0: {  	[tilespmem:s20+$0x2C60] =	vst v9;
	v9 =	vld [tilespmem:s20+$0xC70]  }
0x1f1: {  	v7 =	vld.idx.msk [tilespmem:v7+s2+$0x0], $0xffff;
	[tilespmem:s21+$0x2400] =	vst v23  }
0x1f2: {  	v10 =	vadd.s32 $0x200, v10;
	v23 =	vld [tilespmem:s21+$0x410];
	[tilespmem:s4+$0x2430] =	vst v21  }
0x1f3: {  	v21 =	vld [tilespmem:s16+$0x840]  }
0x1f4: {  	v6 =	vld.idx.msk [tilespmem:v6+s2+$0x0], $0xffff  }
0x1f5: {  	v16 =	vld.idx.msk [tilespmem:v3+s2+$0x0], $0xffff  }
0x1f6: {  	v39 =	vld.idx.msk [tilespmem:v25+s2+$0x0], $0xffff;
	[tilespmem:s21+$0x2480] =	vst v22  }
0x1f7: {  	v10 =	vld.idx.msk [tilespmem:v10+s2+$0x0], $0xffff;
	[tilespmem:s20+$0x4C60] =	vst v7  }
0x1f8: {  	v25 =	vadd.s32 $0x200, v25;
	v7 =	vld.idx.msk [tilespmem:v9+s2+$0x0], $0xffff  }
0x1f9: {  	v20 =	vld.idx.msk [tilespmem:v19+s2+$0x0], $0xffff;
	[tilespmem:s21+$0x4400] =	vst v6  }
0x1fa: {  	[tilespmem:s20+$0x2CF0] =	vst v16;
	v9 =	vadd.s32 $0x200, v9;
	v6 =	vld.idx.msk [tilespmem:v23+s2+$0x0], $0xffff  }
0x1fb: {  	[tilespmem:s7+$0x2400] =	vst v39;
	v62 =	vld.idx.msk [tilespmem:v21+s2+$0x0], $0xffff  }
0x1fc: {  	v16 =	vld [tilespmem:s21+$0xCF0];
	[tilespmem:s21+$0x4480] =	vst v10;
	v21 =	vadd.s32 $0x200, v21  }
0x1fd: {  	v25 =	vld.idx.msk [tilespmem:v25+s2+$0x0], $0xffff;
	[tilespmem:s20+$0x2C70] =	vst v7;
	v7 =	vadd.s32 $0x200, v23  }
0x1fe: {  	v10 =	vld.idx.msk [tilespmem:v27+s2+$0x0], $0xffff  }
0x1ff: {  	v9 =	vld.idx.msk [tilespmem:v9+s2+$0x0], $0xffff;
	[tilespmem:s21+$0x2410] =	vst v6  }
0x200: {  	s22 =	simm.s32 $0x1;
	v6 =	vld [tilespmem:s21+$0x420];
	[tilespmem:s16+$0x2840] =	vst v62  }
0x201: {  	s8 =	sand.u32 $0x3, s22;
	v27 =	vadd.s32 $0x200, v27;
	v33 =	vld.idx.msk [tilespmem:v21+s2+$0x0], $0xffff  }
0x202: {  	s3 =	sshll.u32 s8, $0x8;
	v2 =	vadd.s32 $0x200, v2;
	v7 =	vld.idx.msk [tilespmem:v7+s2+$0x0], $0xffff  }
0x203: {  	s3 =	sadd.s32 $0x400, s3;
	[tilespmem:s16+$0x28C0] =	vst v8;
	v22 =	vld [tilespmem:s21+$0x8A0]  }
0x204: {  	s9 =	sor.u32 $0xC00, s3;
	v23 =	vld [tilespmem:s21+$0x890];
	[tilespmem:s20+$0x4C70] =	vst v9  }
0x205: {  	[tilespmem:s21+$0x2490] =	vst v10;
	v10 =	vld [tilespmem:s9+$0x400]  }
0x206: {  	v9 =	vld.idx.msk [tilespmem:v27+s2+$0x0], $0xffff;
	[tilespmem:s4+$0x2440] =	vst v33  }
0x207: {  	[tilespmem:s21+$0x4410] =	vst v7;
	v7 =	vld.idx.msk [tilespmem:v2+s2+$0x0], $0xffff  }
0x208: {  	v33 =	vld [tilespmem:s16+$0x850]  }
0x209: {  	v21 =	vld [tilespmem:s21+$0x8B0]  }
0x20a: {  	v8 =	vld.idx.msk [tilespmem:v6+s2+$0x0], $0xffff  }
0x20b: {  	v27 =	vld [tilespmem:s21+$0x8C0];
	[tilespmem:s21+$0x4490] =	vst v9  }
0x20c: {  	v40 =	vld.idx.msk [tilespmem:v30+s2+$0x0], $0xffff  }
0x20d: {  	v6 =	vadd.s32 $0x200, v6;
	v63 =	vld.idx.msk [tilespmem:v10+s2+$0x0], $0xffff;
	[tilespmem:s16+$0x48C0] =	vst v7  }
0x20e: {  	v7 =	vadd.s32 $0x200, v10;
	v10 =	vadd.s32 $0x200, v30;
	v30 =	vld.idx.msk [tilespmem:v4+s2+$0x0], $0xffff  }
0x20f: {  	[tilespmem:s21+$0x2420] =	vst v8;
	v8 =	vld [tilespmem:s21+$0x430];
	v4 =	vadd.s32 $0x200, v4  }
0x210: {  	v36 =	vld.idx.msk [tilespmem:v33+s2+$0x0], $0xffff  }
0x211: {  	v2 =	vld [tilespmem:s21+$0x8E0];
	v33 =	vadd.s32 $0x200, v33  }
0x212: {  	v6 =	vld.idx.msk [tilespmem:v6+s2+$0x0], $0xffff;
	[tilespmem:s9+$0x2400] =	vst v63  }
0x213: {  	v7 =	vld.idx.msk [tilespmem:v7+s2+$0x0], $0xffff;
	[tilespmem:s16+$0x28D0] =	vst v30  }
0x214: {  	[tilespmem:s21+$0x24A0] =	vst v40;
	v30 =	vld.idx.msk [tilespmem:v4+s2+$0x0], $0xffff  }
0x215: {  	v41 =	vld.idx.msk [tilespmem:v10+s2+$0x0], $0xffff;
	[tilespmem:s16+$0x2850] =	vst v36  }
0x216: {  	s10 =	sor.u32 s23, s19;
	v33 =	vld.idx.msk [tilespmem:v33+s2+$0x0], $0xffff  }
0x217: {  	s19 =	sor.u32 $0x2C00, s10;
	v9 =	vld [tilespmem:s21+$0x8D0];
	[tilespmem:s21+$0x4420] =	vst v6  }
0x218: {  	s12 =	sor.u32 $0xC10, s3;
	v6 =	vld.idx.msk [tilespmem:v8+s2+$0x0], $0xffff;
	[tilespmem:s19+$0x2400] =	vst v7  }
0x219: {  	v42 =	vld [tilespmem:s12+$0x400];
	[tilespmem:s16+$0x48D0] =	vst v30  }
0x21a: {  	v8 =	vadd.s32 $0x200, v8;
	[tilespmem:s21+$0x44A0] =	vst v41;
	v30 =	vld.idx.msk [tilespmem:v1+s2+$0x0], $0xffff  }
0x21b: {  	v35 =	vld.idx.msk [tilespmem:v31+s2+$0x0], $0xffff;
	v1 =	vadd.s32 $0x200, v1;
	[tilespmem:s4+$0x2450] =	vst v33  }
0x21c: {  	v33 =	vld [tilespmem:s16+$0x860]  }
0x21d: {  	[tilespmem:s21+$0x2430] =	vst v6;
	v6 =	vadd.s32 $0x200, v31;
	v31 =	vld [tilespmem:s21+$0x440]  }
0x21e: {  	v10 =	vld [tilespmem:s21+$0x8F0]  }
0x21f: {  	v43 =	vld.idx.msk [tilespmem:v8+s2+$0x0], $0xffff;
	[tilespmem:s16+$0x28E0] =	vst v30  }
0x220: {  	v30 =	vld.idx.msk [tilespmem:v1+s2+$0x0], $0xffff  }
0x221: {  	v44 =	vld.idx.msk [tilespmem:v42+s2+$0x0], $0xffff  }
0x222: {  	v4 =	vld [tilespmem:s21+$0xC80];
	[tilespmem:s21+$0x24B0] =	vst v35;
	v34 =	vadd.s32 $0x200, v42  }
0x223: {  	v37 =	vld.idx.msk [tilespmem:v6+s2+$0x0], $0xffff  }
0x224: {  	[tilespmem:s21+$0x4430] =	vst v43;
	v38 =	vld.idx.msk [tilespmem:v33+s2+$0x0], $0xffff  }
0x225: {  	v36 =	vld.idx.msk [tilespmem:v31+s2+$0x0], $0xffff;
	v33 =	vadd.s32 $0x200, v33;
	[tilespmem:s16+$0x48E0] =	vst v30  }
0x226: {  	v31 =	vadd.s32 $0x200, v31;
	[tilespmem:s12+$0x2400] =	vst v44;
	v30 =	vld.idx.msk [tilespmem:v5+s2+$0x0], $0xffff  }
0x227: {  	v47 =	vadd.s32 $0x200, v5;
	v34 =	vld.idx.msk [tilespmem:v34+s2+$0x0], $0xffff  }
0x228: {  	v7 =	vld [tilespmem:s21+$0xC90];
	[tilespmem:s21+$0x44B0] =	vst v37  }
0x229: {  	v45 =	vld.idx.msk [tilespmem:v61+s2+$0x0], $0xffff;
	[tilespmem:s16+$0x2860] =	vst v38  }
0x22a: {  	v32 =	vadd.s32 $0x200, v61;
	[tilespmem:s21+$0x2440] =	vst v36;
	v33 =	vld.idx.msk [tilespmem:v33+s2+$0x0], $0xffff  }
0x22b: {  	v31 =	vld.idx.msk [tilespmem:v31+s2+$0x0], $0xffff;
	[tilespmem:s16+$0x28F0] =	vst v30  }
0x22c: {  	s13 =	sor.u32 $0xC20, s3;
	[tilespmem:s19+$0x2410] =	vst v34;
	v48 =	vld.idx.msk [tilespmem:v47+s2+$0x0], $0xffff  }
0x22d: {  	v34 =	vld [tilespmem:s13+$0x400]  }
0x22e: {  	v8 =	vld [tilespmem:s21+$0xCA0];
	[tilespmem:s21+$0x24C0] =	vst v45  }
0x22f: {  	v32 =	vld.idx.msk [tilespmem:v32+s2+$0x0], $0xffff;
	[tilespmem:s4+$0x2460] =	vst v33  }
0x230: {  	[tilespmem:s21+$0x4440] =	vst v31;
	v33 =	vld [tilespmem:s16+$0x870]  }
0x231: {  	v31 =	vld.idx.msk [tilespmem:v46+s2+$0x0], $0xffff  }
0x232: {  	v6 =	vld [tilespmem:s21+$0xCB0];
	v30 =	vadd.s32 $0x200, v3;
	[tilespmem:s16+$0x48F0] =	vst v48  }
0x233: {  	v35 =	vld.idx.msk [tilespmem:v18+s2+$0x0], $0xffff  }
0x234: {  	v1 =	vld [tilespmem:s21+$0xCC0];
	v18 =	vadd.s32 $0x200, v18  }
0x235: {  	v36 =	vadd.s32 $0x200, v46;
	[tilespmem:s21+$0x44C0] =	vst v32;
	v49 =	vld.idx.msk [tilespmem:v34+s2+$0x0], $0xffff  }
0x236: {  	v50 =	vld.idx.msk [tilespmem:v29+s2+$0x0], $0xffff;
	[tilespmem:s21+$0x2450] =	vst v31;
	v31 =	vadd.s32 $0x200, v34  }
0x237: {  	v30 =	vld.idx.msk [tilespmem:v30+s2+$0x0], $0xffff;
	v29 =	vadd.s32 $0x200, v29  }
0x238: {  	[tilespmem:s16+$0x2C80] =	vst v35;
	v38 =	vld.idx.msk [tilespmem:v33+s2+$0x0], $0xffff  }
0x239: {  	v52 =	vadd.s32 $0x200, v33;
	v18 =	vld.idx.msk [tilespmem:v18+s2+$0x0], $0xffff  }
0x23a: {  	v36 =	vld.idx.msk [tilespmem:v36+s2+$0x0], $0xffff;
	[tilespmem:s13+$0x2400] =	vst v49  }
0x23b: {  	s6 =	sadd.s32 $0x80, s3;
	[tilespmem:s21+$0x24D0] =	vst v50;
	v31 =	vld.idx.msk [tilespmem:v31+s2+$0x0], $0xffff  }
0x23c: {  	s8 =	sor.u32 $0xC00, s6;
	[tilespmem:s20+$0x4CF0] =	vst v30;
	v29 =	vld.idx.msk [tilespmem:v29+s2+$0x0], $0xffff  }
0x23d: {  	v54 =	vld [tilespmem:s8+$0x400];
	[tilespmem:s16+$0x2870] =	vst v38  }
0x23e: {  	[tilespmem:s16+$0x4C80] =	vst v18;
	v30 =	vld.idx.msk [tilespmem:v52+s2+$0x0], $0xffff  }
0x23f: {  	[tilespmem:s21+$0x4450] =	vst v36;
	v18 =	vld.idx.msk [tilespmem:v17+s2+$0x0], $0xffff  }
0x240: {  	s9 =	sor.u32 $0xC30, s3;
	v53 =	vld.idx.msk [tilespmem:v51+s2+$0x0], $0xffff;
	v17 =	vadd.s32 $0x200, v17;
	[tilespmem:s19+$0x2420] =	vst v31  }
0x241: {  	[tilespmem:s21+$0x44D0] =	vst v29;
	v31 =	vadd.s32 $0x200, v51;
	v29 =	vld [tilespmem:s9+$0x400]  }
0x242: {  	v5 =	vld [tilespmem:s21+$0xCD0]  }
0x243: {  	v55 =	vld.idx.msk [tilespmem:v28+s2+$0x0], $0xffff;
	[tilespmem:s4+$0x2470] =	vst v30  }
0x244: {  	[tilespmem:s16+$0x2C90] =	vst v18;
	v30 =	vld [tilespmem:s16+$0xC00]  }
0x245: {  	v28 =	vadd.s32 $0x200, v28;
	[tilespmem:s21+$0x2460] =	vst v53;
	v17 =	vld.idx.msk [tilespmem:v17+s2+$0x0], $0xffff  }
0x246: {  	v31 =	vld.idx.msk [tilespmem:v31+s2+$0x0], $0xffff  }
0x247: {  	v3 =	vld [tilespmem:s21+$0xCE0]  }
0x248: {  	v57 =	vld.idx.msk [tilespmem:v54+s2+$0x0], $0xffff  }
0x249: {  	[tilespmem:s21+$0x24E0] =	vst v55;
	v58 =	vld.idx.msk [tilespmem:v29+s2+$0x0], $0xffff  }
0x24a: {  	v18 =	vld.idx.msk [tilespmem:v28+s2+$0x0], $0xffff;
	v28 =	vadd.s32 $0x200, v29;
	[tilespmem:s16+$0x4C90] =	vst v17  }
0x24b: {  	[tilespmem:s21+$0x4460] =	vst v31;
	v59 =	vld.idx.msk [tilespmem:v15+s2+$0x0], $0xffff  }
0x24c: {  	s18 =	sor.u32 $0xC40, s1;
	[tilespmem:s14+$0x2430] =	vst v25;
	v29 =	vld.idx.msk [tilespmem:v56+s2+$0x0], $0xffff  }
0x24d: {  	v31 =	vld [tilespmem:s18+$0x400];
	v15 =	vadd.s32 $0x200, v15  }
0x24e: {  	v25 =	vld.idx.msk [tilespmem:v30+s2+$0x0], $0xffff;
	[tilespmem:s9+$0x2400] =	vst v58  }
0x24f: {  	[tilespmem:s21+$0x44E0] =	vst v18;
	v17 =	vadd.s32 $0x200, v56;
	v18 =	vld.idx.msk [tilespmem:v28+s2+$0x0], $0xffff  }
0x250: {  	v28 =	vadd.s32 $0x200, v30;
	v30 =	vld.idx.msk [tilespmem:v26+s2+$0x0], $0xffff;
	[tilespmem:s16+$0x2CA0] =	vst v59  }
0x251: {  	v32 =	vadd.s32 $0x200, v54;
	[tilespmem:s21+$0x2470] =	vst v29;
	v29 =	vld [tilespmem:s21+$0x800]  }
0x252: {  	v15 =	vld.idx.msk [tilespmem:v15+s2+$0x0], $0xffff  }
0x253: {  	v26 =	vadd.s32 $0x200, v26;
	[tilespmem:s16+$0x2C00] =	vst v25;
	v25 =	vld [tilespmem:s16+$0xC10]  }
0x254: {  	[tilespmem:s8+$0x2400] =	vst v57;
	v17 =	vld.idx.msk [tilespmem:v17+s2+$0x0], $0xffff  }
0x255: {  	v28 =	vld.idx.msk [tilespmem:v28+s2+$0x0], $0xffff;
	[tilespmem:s19+$0x2430] =	vst v18  }
0x256: {  	s23 =	sor.u32 $0xC40, s3;
	[tilespmem:s21+$0x24F0] =	vst v30;
	v30 =	vld.idx.msk [tilespmem:v32+s2+$0x0], $0xffff  }
0x257: {  	v18 =	vld [tilespmem:s23+$0x400]  }
0x258: {  	v26 =	vld.idx.msk [tilespmem:v26+s2+$0x0], $0xffff  }
0x259: {  	v60 =	vld.idx.msk [tilespmem:v31+s2+$0x0], $0xffff;
	[tilespmem:s21+$0x4470] =	vst v17  }
0x25a: {  	[tilespmem:s16+$0x4C00] =	vst v28;
	v28 =	vld.idx.msk [tilespmem:v29+s2+$0x0], $0xffff  }
0x25b: {  	s20 =	sor.u32 $0x2C00, s6;
	[tilespmem:s16+$0x4CA0] =	vst v15;
	v17 =	vld.idx.msk [tilespmem:v25+s2+$0x0], $0xffff  }
0x25c: {  	s25 =	sor.u32 $0xC10, s6;
	v15 =	vadd.s32 $0x200, v29;
	[tilespmem:s20+$0x2400] =	vst v30;
	v30 =	vld.idx.msk [tilespmem:v14+s2+$0x0], $0xffff  }
0x25d: {  	v14 =	vadd.s32 $0x200, v14;
	[tilespmem:s21+$0x44F0] =	vst v26;
	v61 =	vld [tilespmem:s25+$0x400]  }
0x25e: {  	v25 =	vadd.s32 $0x200, v25;
	v29 =	vld.idx.msk [tilespmem:v24+s2+$0x0], $0xffff  }
0x25f: {  	v24 =	vadd.s32 $0x200, v24;
	v26 =	vld.idx.msk [tilespmem:v18+s2+$0x0], $0xffff;
	[tilespmem:s21+$0x2800] =	vst v28  }
0x260: {  	v18 =	vadd.s32 $0x200, v18;
	[tilespmem:s16+$0x2C10] =	vst v17;
	v17 =	vld [tilespmem:s16+$0xC20]  }
0x261: {  	v31 =	vadd.s32 $0x200, v31;
	[tilespmem:s16+$0x2CB0] =	vst v30;
	v15 =	vld.idx.msk [tilespmem:v15+s2+$0x0], $0xffff  }
0x262: {  	[tilespmem:s18+$0x2400] =	vst v60;
	v14 =	vld.idx.msk [tilespmem:v14+s2+$0x0], $0xffff  }
0x263: {  	v25 =	vld.idx.msk [tilespmem:v25+s2+$0x0], $0xffff;
	[tilespmem:s21+$0x2880] =	vst v29  }
0x264: {  	s26 =	simm.s32 $0x300;
	v24 =	vld.idx.msk [tilespmem:v24+s2+$0x0], $0xffff;
	[tilespmem:s23+$0x2400] =	vst v26  }
0x265: {  	s7 =	sor.u32 s5, s11;
	v18 =	vld.idx.msk [tilespmem:v18+s2+$0x0], $0xffff;
	[dreg:$0x5] =	wrdreg s26  }
0x266: {  	s30 =	sor.u32 $0x2400, s7;
	v26 =	vld.idx.msk [tilespmem:v31+s2+$0x0], $0xffff  }
0x267: {  	v19 =	vadd.s32 $0x200, v19;
	[tilespmem:s30+$0x2400] =	vst v15;
	v62 =	vld [tilespmem:s16+$0xC50]  }
0x268: {  	[tilespmem:s16+$0x4C10] =	vst v25;
	v25 =	vld.idx.msk [tilespmem:v61+s2+$0x0], $0xffff  }
0x269: {  	[tilespmem:s16+$0x4CB0] =	vst v14;
	v28 =	vld [tilespmem:s21+$0x810]  }
0x26a: {  	v14 =	vld.idx.msk [tilespmem:v13+s2+$0x0], $0xffff  }
0x26b: {  	[tilespmem:s0+$0x2400] =	vst v20;
	v15 =	vld.idx.msk [tilespmem:v17+s2+$0x0], $0xffff  }
0x26c: {  	s9 =	sor.u32 $0xC50, s3;
	v19 =	vld.idx.msk [tilespmem:v19+s2+$0x0], $0xffff;
	v17 =	vadd.s32 $0x200, v17;
	[tilespmem:s19+$0x2440] =	vst v18  }
0x26d: {  	[tilespmem:s21+$0x4880] =	vst v24;
	v18 =	vld [tilespmem:s9+$0x400]  }
0x26e: {  	s10 =	sor.u32 $0xC50, s1;
	v24 =	vadd.s32 $0x200, v61;
	v29 =	vld.idx.msk [tilespmem:v23+s2+$0x0], $0xffff;
	[tilespmem:s14+$0x2440] =	vst v26  }
0x26f: {  	v13 =	vadd.s32 $0x200, v13;
	v26 =	vld [tilespmem:s10+$0x400]  }
0x270: {  	[tilespmem:s16+$0x2C20] =	vst v15;
	v15 =	vadd.s32 $0x200, v23;
	v23 =	vld [tilespmem:s16+$0xC30]  }
0x271: {  	v17 =	vld.idx.msk [tilespmem:v17+s2+$0x0], $0xffff  }
0x272: {  	[tilespmem:s25+$0x2400] =	vst v25;
	v25 =	vld.idx.msk [tilespmem:v28+s2+$0x0], $0xffff  }
0x273: {  	[tilespmem:s16+$0x2CC0] =	vst v14;
	v14 =	vadd.s32 $0x200, v28;
	v24 =	vld.idx.msk [tilespmem:v24+s2+$0x0], $0xffff  }
0x274: {  	v13 =	vld.idx.msk [tilespmem:v13+s2+$0x0], $0xffff  }
0x275: {  	[tilespmem:s21+$0x2890] =	vst v29;
	v29 =	vld.idx.msk [tilespmem:v18+s2+$0x0], $0xffff  }
0x276: {  	v15 =	vld.idx.msk [tilespmem:v15+s2+$0x0], $0xffff;
	[tilespmem:s16+$0x4C20] =	vst v17  }
0x277: {  	v18 =	vadd.s32 $0x200, v18;
	v17 =	vld.idx.msk [tilespmem:v26+s2+$0x0], $0xffff;
	[tilespmem:s21+$0x2810] =	vst v25  }
0x278: {  	v14 =	vld.idx.msk [tilespmem:v14+s2+$0x0], $0xffff  }
0x279: {  	s11 =	sor.u32 $0xC20, s6;
	[tilespmem:s20+$0x2410] =	vst v24;
	v25 =	vadd.s32 $0x200, v26;
	v28 =	vld.idx.msk [tilespmem:v23+s2+$0x0], $0xffff  }
0x27a: {  	v24 =	vld [tilespmem:s11+$0x400];
	v23 =	vadd.s32 $0x200, v23;
	[tilespmem:s9+$0x2400] =	vst v29  }
0x27b: {  	v26 =	vld [tilespmem:s16+$0xC40];
	[tilespmem:s21+$0x4890] =	vst v15  }
0x27c: {  	v15 =	vld.idx.msk [tilespmem:v18+s2+$0x0], $0xffff;
	[tilespmem:s10+$0x2400] =	vst v17  }
0x27d: {  	v18 =	vld.idx.msk [tilespmem:v22+s2+$0x0], $0xffff;
	[tilespmem:s30+$0x2410] =	vst v14  }
0x27e: {  	v22 =	vadd.s32 $0x200, v22;
	v14 =	vld.idx.msk [tilespmem:v25+s2+$0x0], $0xffff;
	[tilespmem:s16+$0x2C30] =	vst v28  }
0x27f: {  	v17 =	vld.idx.msk [tilespmem:v23+s2+$0x0], $0xffff  }
0x280: {  	[tilespmem:s16+$0x4CC0] =	vst v13;
	v23 =	vld [tilespmem:s21+$0x820]  }
0x281: {  	s12 =	sor.u32 $0xC60, s3;
	v13 =	vld.idx.msk [tilespmem:v12+s2+$0x0], $0xffff;
	[tilespmem:s19+$0x2450] =	vst v15  }
0x282: {  	v12 =	vadd.s32 $0x200, v12;
	[tilespmem:s21+$0x28A0] =	vst v18;
	v15 =	vld [tilespmem:s12+$0x400]  }
0x283: {  	s13 =	sor.u32 $0xC60, s1;
	v18 =	vld.idx.msk [tilespmem:v22+s2+$0x0], $0xffff;
	[tilespmem:s14+$0x2450] =	vst v14  }
0x284: {  	v30 =	vld [tilespmem:s13+$0x400]  }
0x285: {  	[tilespmem:s16+$0x4C30] =	vst v17;
	v17 =	vld.idx.msk [tilespmem:v24+s2+$0x0], $0xffff  }
0x286: {  	[tilespmem:s16+$0x2CD0] =	vst v13;
	v22 =	vadd.s32 $0x200, v24;
	v13 =	vld.idx.msk [tilespmem:v26+s2+$0x0], $0xffff  }
0x287: {  	v12 =	vld.idx.msk [tilespmem:v12+s2+$0x0], $0xffff;
	v14 =	vadd.s32 $0x200, v26  }
0x288: {  	v20 =	vld.idx.msk [tilespmem:v23+s2+$0x0], $0xffff;
	[tilespmem:s21+$0x48A0] =	vst v18  }
0x289: {  	v24 =	vld.idx.msk [tilespmem:v21+s2+$0x0], $0xffff  }
0x28a: {  	v23 =	vadd.s32 $0x200, v23;
	[tilespmem:s11+$0x2400] =	vst v17;
	v18 =	vld.idx.msk [tilespmem:v15+s2+$0x0], $0xffff  }
0x28b: {  	[tilespmem:s16+$0x2C40] =	vst v13;
	v13 =	vadd.s32 $0x200, v15;
	v15 =	vadd.s32 $0x200, v21;
	v17 =	vld.idx.msk [tilespmem:v22+s2+$0x0], $0xffff  }
0x28c: {  	[tilespmem:s16+$0x4CD0] =	vst v12;
	v12 =	vld.idx.msk [tilespmem:v14+s2+$0x0], $0xffff  }
0x28d: {  	[tilespmem:s24+$0x2470] =	vst v19;
	v14 =	vld.idx.msk [tilespmem:v11+s2+$0x0], $0xffff  }
0x28e: {  	v63 =	vld.idx.msk [tilespmem:v30+s2+$0x0], $0xffff;
	[tilespmem:s21+$0x2820] =	vst v20  }
0x28f: {  	v11 =	vadd.s32 $0x200, v11;
	v20 =	vld.idx.msk [tilespmem:v23+s2+$0x0], $0xffff;
	[tilespmem:s21+$0x28B0] =	vst v24  }
0x290: {  	[tilespmem:s12+$0x2400] =	vst v18;
	v15 =	vld.idx.msk [tilespmem:v15+s2+$0x0], $0xffff  }
0x291: {  	s29 =	sor.u32 $0xC30, s6;
	[tilespmem:s20+$0x2420] =	vst v17;
	v13 =	vld.idx.msk [tilespmem:v13+s2+$0x0], $0xffff  }
0x292: {  	[tilespmem:s16+$0x4C40] =	vst v12;
	v26 =	vld [tilespmem:s29+$0x400]  }
0x293: {  	[tilespmem:s16+$0x2CE0] =	vst v14;
	v12 =	vld.idx.msk [tilespmem:v62+s2+$0x0], $0xffff  }
0x294: {  	v19 =	vadd.s32 $0x200, v8;
	v25 =	vadd.s32 $0x200, v27;
	v22 =	vadd.s32 $0x200, v10;
	v29 =	vld.idx.msk [tilespmem:v11+s2+$0x0], $0xffff;
	[tilespmem:s30+$0x2420] =	vst v20  }
0x295: {  	v21 =	vadd.s32 $0x200, v4;
	v24 =	vadd.s32 $0x200, v9;
	v23 =	vadd.s32 $0x200, v2;
	v31 =	vld [tilespmem:s21+$0x830];
	[tilespmem:s21+$0x48B0] =	vst v15  }
0x296: {  	s31 =	simm.s32 $0x6;
	s28 =	sor.u32 $0xC40, s6;
	s18 =	sor.u32 $0xC70, s6;
	v18 =	vadd.s32 $0x200, v6;
	v17 =	vadd.s32 $0x200, v1;
	v14 =	vadd.s32 $0x200, v3;
	[tilespmem:s13+$0x2400] =	vst v63;
	v32 =	vld.idx.msk [tilespmem:v27+s2+$0x0], $0xffff  }
0x297: {  	s23 =	sor.u32 $0xC70, s1;
	s1 =	simm.s32 $0x1000;
	s9 =	sor.u32 $0xC70, s3;
	v11 =	vadd.s32 $0x200, v0;
	v20 =	vadd.s32 $0x200, v7;
	v15 =	vadd.s32 $0x200, v5;
	[tilespmem:s19+$0x2460] =	vst v13;
	v27 =	vld [tilespmem:s16+$0xC60]  }
0x298: {  	s26 =	sor.u32 $0xC50, s6;
	s0 =	simm.s32 $0x400;
	s25 =	sor.u32 $0xC60, s6;
	v13 =	vadd.s32 $0x200, v30;
	v30 =	vadd.s32 $0x200, v62;
	v28 =	vld [tilespmem:s9+$0x400];
	[tilespmem:s16+$0x2C50] =	vst v12;
	v12 =	vadd.s32 $0x200, v16  }
.LBB2_2:
0x299: {  	_ =	sdelay $0x3  }
0x29a: {  	s3 =	sand.u32 $0x1000, s1;
	s4 =	sand.u32 $0x300, s0;
	v30 =	vld.idx.msk [tilespmem:v30+s2+$0x0], $0xffff;
	[tilespmem:s16+$0x4CE0] =	vst v29  }
0x29b: {  	s12 =	sor.u32 s4, s3;
	v29 =	vld.idx.msk [tilespmem:v0+s2+$0x0], $0xffff  }
0x29c: {  	v0 =	vmov v16;
	v16 =	vld [tilespmem:s12+$0x400]  }
0x29d: {  	v33 =	vld [tilespmem:s12+$0x480]  }
0x29e: {  	v34 =	vld.idx.msk [tilespmem:v31+s2+$0x0], $0xffff  }
0x29f: {  	[tilespmem:s21+$0x28C0] =	vst v32;
	v54 =	vld.idx.msk [tilespmem:v28+s2+$0x0], $0xffff  }
0x2a0: {  	v38 =	vld [tilespmem:s12+$0x490];
	[tilespmem:s16+$0x4C50] =	vst v30  }
0x2a1: {  	v30 =	vld.idx.msk [tilespmem:v27+s2+$0x0], $0xffff;
	[tilespmem:s16+$0x2CF0] =	vst v29  }
0x2a2: {  	v45 =	vld [tilespmem:s12+$0x4A0]  }
0x2a3: {  	v41 =	vld [tilespmem:s12+$0x4B0]  }
0x2a4: {  	v37 =	vld [tilespmem:s12+$0x4C0]  }
0x2a5: {  	v31 =	vadd.s32 $0x200, v31;
	v48 =	vld [tilespmem:s12+$0x4D0]  }
0x2a6: {  	v28 =	vadd.s32 $0x200, v28;
	v44 =	vld [tilespmem:s12+$0x4E0]  }
0x2a7: {  	v40 =	vld [tilespmem:s12+$0x4F0]  }
0x2a8: {  	v27 =	vadd.s32 $0x200, v27;
	v35 =	vld.idx.msk [tilespmem:v16+s2+$0x0], $0xffff  }
0x2a9: {  	[tilespmem:s21+$0x2830] =	vst v34;
	v55 =	vld.idx.msk [tilespmem:v33+s2+$0x0], $0xffff  }
0x2aa: {  	v29 =	vadd.s32 $0x200, v33;
	v31 =	vld.idx.msk [tilespmem:v31+s2+$0x0], $0xffff;
	[tilespmem:s9+$0x2400] =	vst v54  }
0x2ab: {  	v16 =	vadd.s32 $0x200, v16;
	v28 =	vld.idx.msk [tilespmem:v28+s2+$0x0], $0xffff  }
0x2ac: {  	[tilespmem:s16+$0x2C60] =	vst v30;
	v30 =	vld [tilespmem:s16+$0xC70]  }
0x2ad: {  	v27 =	vld.idx.msk [tilespmem:v27+s2+$0x0], $0xffff;
	[tilespmem:s12+$0x2400] =	vst v35  }
0x2ae: {  	v56 =	vld [tilespmem:s12+$0x410];
	[tilespmem:s12+$0x2480] =	vst v55  }
0x2af: {  	[tilespmem:s30+$0x2430] =	vst v31;
	v29 =	vld.idx.msk [tilespmem:v29+s2+$0x0], $0xffff  }
0x2b0: {  	v31 =	vld.idx.msk [tilespmem:v16+s2+$0x0], $0xffff;
	[tilespmem:s19+$0x2470] =	vst v28  }
0x2b1: {  	v28 =	vld [tilespmem:s21+$0x840]  }
0x2b2: {  	v60 =	vld [tilespmem:s12+$0x8D0]  }
0x2b3: {  	v33 =	vld [tilespmem:s12+$0x890];
	[tilespmem:s16+$0x4C60] =	vst v27  }
0x2b4: {  	v27 =	vld.idx.msk [tilespmem:v30+s2+$0x0], $0xffff  }
0x2b5: {  	v35 =	vld [tilespmem:s12+$0x880];
	v30 =	vadd.s32 $0x200, v30  }
0x2b6: {  	v55 =	vld [tilespmem:s12+$0x8E0];
	[tilespmem:s12+$0x4480] =	vst v29  }
0x2b7: {  	[tilespmem:s12+$0x4400] =	vst v31;
	v49 =	vld.idx.msk [tilespmem:v38+s2+$0x0], $0xffff  }
0x2b8: {  	v46 =	vadd.s32 $0x200, v38;
	v31 =	vld.idx.msk [tilespmem:v56+s2+$0x0], $0xffff  }
0x2b9: {  	v57 =	vld.idx.msk [tilespmem:v28+s2+$0x0], $0xffff;
	[tilespmem:s16+$0x2C70] =	vst v27  }
0x2ba: {  	v27 =	vadd.s32 $0x200, v56;
	v29 =	vld.idx.msk [tilespmem:v30+s2+$0x0], $0xffff  }
0x2bb: {  	v30 =	vld [tilespmem:s12+$0x8A0]  }
0x2bc: {  	v28 =	vadd.s32 $0x200, v28;
	v50 =	vld [tilespmem:s12+$0x420];
	[tilespmem:s12+$0x2490] =	vst v49  }
0x2bd: {  	v46 =	vld.idx.msk [tilespmem:v46+s2+$0x0], $0xffff  }
0x2be: {  	s22 =	sadd.s32 $0x1, s22;
	[tilespmem:s12+$0x2410] =	vst v31;
	v59 =	vld.idx.msk [tilespmem:v25+s2+$0x0], $0xffff  }
0x2bf: {  	s13 =	sand.u32 $0x3, s22;
	v51 =	vld.idx.msk [tilespmem:v27+s2+$0x0], $0xffff  }
0x2c0: {  	s4 =	sshll.u32 s13, $0x8;
	[tilespmem:s21+$0x2840] =	vst v57;
	v27 =	vld [tilespmem:s12+$0x8C0]  }
0x2c1: {  	s9 =	sadd.s32 s4, s17;
	v28 =	vld.idx.msk [tilespmem:v28+s2+$0x0], $0xffff  }
0x2c2: {  	s19 =	sor.u32 $0xC00, s9;
	[tilespmem:s16+$0x4C70] =	vst v29;
	v29 =	vld [tilespmem:s12+$0x8B0]  }
0x2c3: {  	v58 =	vld [tilespmem:s19+$0x400];
	[tilespmem:s12+$0x4490] =	vst v46  }
0x2c4: {  	v42 =	vadd.s32 $0x200, v45;
	v45 =	vld.idx.msk [tilespmem:v45+s2+$0x0], $0xffff;
	[tilespmem:s21+$0x48C0] =	vst v59  }
0x2c5: {  	[tilespmem:s12+$0x4410] =	vst v51;
	v51 =	vld.idx.msk [tilespmem:v9+s2+$0x0], $0xffff  }
0x2c6: {  	v52 =	vld.idx.msk [tilespmem:v50+s2+$0x0], $0xffff;
	[tilespmem:s30+$0x2440] =	vst v28  }
0x2c7: {  	v53 =	vld [tilespmem:s21+$0x850];
	_ =	sdelay $0x1  }
0x2c8: {  	v57 =	vld [tilespmem:s12+$0x8F0];
	v50 =	vadd.s32 $0x200, v50  }
0x2c9: {  	v61 =	vld [tilespmem:s12+$0x430]  }
0x2ca: {  	[tilespmem:s12+$0x24A0] =	vst v45;
	v54 =	vld.idx.msk [tilespmem:v58+s2+$0x0], $0xffff  }
0x2cb: {  	v49 =	vadd.s32 $0x200, v58;
	v42 =	vld.idx.msk [tilespmem:v42+s2+$0x0], $0xffff;
	[tilespmem:s21+$0x28D0] =	vst v51  }
0x2cc: {  	[tilespmem:s12+$0x2420] =	vst v52;
	v51 =	vld.idx.msk [tilespmem:v24+s2+$0x0], $0xffff  }
0x2cd: {  	v62 =	vld.idx.msk [tilespmem:v50+s2+$0x0], $0xffff  }
0x2ce: {  	s8 =	sadd.s32 $0x80, s9;
	v56 =	vadd.s32 $0x200, v60;
	v63 =	vld.idx.msk [tilespmem:v53+s2+$0x0], $0xffff  }
0x2cf: {  	s10 =	sor.u32 $0xC60, s8;
	v24 =	vmov v56;
	v56 =	vld [tilespmem:s12+$0xC80];
	[tilespmem:s19+$0x2400] =	vst v54;
	v53 =	vadd.s32 $0x200, v53  }
0x2d0: {  	[dreg:$0x6] =	wrdreg s10;
	[tilespmem:s12+$0x44A0] =	vst v42;
	v49 =	vld.idx.msk [tilespmem:v49+s2+$0x0], $0xffff  }
0x2d1: {  	v39 =	vadd.s32 $0x200, v41;
	s19 =	sor.u32 s17, s15;
	s17 =	rddreg [dreg:$0x5];
	v41 =	vld.idx.msk [tilespmem:v41+s2+$0x0], $0xffff  }
0x2d2: {  	s10 =	smov.u32 s18;
	s15 =	rddreg [dreg:$0x4];
	v54 =	vld [tilespmem:s12+$0xC90];
	[tilespmem:s12+$0x4420] =	vst v62  }
0x2d3: {  	s18 =	smov.u32 s17;
	s17 =	smov.u32 s0;
	s19 =	sor.u32 $0x2C00, s19;
	v46 =	vld.idx.msk [tilespmem:v61+s2+$0x0], $0xffff;
	[tilespmem:s21+$0x2850] =	vst v63  }
0x2d4: {  	v9 =	vmov v60;
	v60 =	vadd.s32 $0x200, v61;
	[tilespmem:s21+$0x48D0] =	vst v51;
	[dreg:$0x5] =	wrdreg s17;
	s17 =	smov.u32 s15;
	s15 =	smov.u32 s1;
	v50 =	vld.idx.msk [tilespmem:v53+s2+$0x0], $0xffff  }
0x2d5: {  	v51 =	vld.idx.msk [tilespmem:v2+s2+$0x0], $0xffff;
	[dreg:$0x4] =	wrdreg s15;
	s15 =	sor.u32 $0xC10, s9;
	[tilespmem:s19+$0x2400] =	vst v49  }
0x2d6: {  	[tilespmem:s12+$0x24B0] =	vst v41;
	v42 =	vld [tilespmem:s15+$0x400]  }
0x2d7: {  	v39 =	vld.idx.msk [tilespmem:v39+s2+$0x0], $0xffff  }
0x2d8: {  	v45 =	vadd.s32 $0x200, v55;
	v2 =	vmov v55;
	v55 =	vld [tilespmem:s12+$0x440];
	[tilespmem:s12+$0x2430] =	vst v46  }
0x2d9: {  	v46 =	vld.idx.msk [tilespmem:v60+s2+$0x0], $0xffff;
	[tilespmem:s30+$0x2450] =	vst v50  }
0x2da: {  	v60 =	vld [tilespmem:s21+$0x860]  }
0x2db: {  	v52 =	vld [tilespmem:s12+$0xCA0];
	[tilespmem:s21+$0x28E0] =	vst v51  }
0x2dc: {  	v61 =	vld.idx.msk [tilespmem:v23+s2+$0x0], $0xffff  }
0x2dd: {  	v50 =	vld [tilespmem:s12+$0xCB0]  }
0x2de: {  	[tilespmem:s12+$0x44B0] =	vst v39;
	v41 =	vld.idx.msk [tilespmem:v42+s2+$0x0], $0xffff  }
0x2df: {  	v16 =	vadd.s32 $0x200, v37;
	v37 =	vld.idx.msk [tilespmem:v37+s2+$0x0], $0xffff;
	v42 =	vadd.s32 $0x200, v42  }
0x2e0: {  	[tilespmem:s12+$0x4430] =	vst v46;
	v46 =	vld [tilespmem:s12+$0xCC0]  }
0x2e1: {  	v62 =	vld.idx.msk [tilespmem:v55+s2+$0x0], $0xffff  }
0x2e2: {  	[tilespmem:s21+$0x48E0] =	vst v61;
	v63 =	vld.idx.msk [tilespmem:v60+s2+$0x0], $0xffff  }
0x2e3: {  	[tilespmem:s15+$0x2400] =	vst v41;
	v41 =	vadd.s32 $0x200, v55;
	v55 =	vadd.s32 $0x200, v60;
	v60 =	vld.idx.msk [tilespmem:v10+s2+$0x0], $0xffff  }
0x2e4: {  	v39 =	vld.idx.msk [tilespmem:v42+s2+$0x0], $0xffff  }
0x2e5: {  	v42 =	vld [tilespmem:s12+$0xCD0]  }
0x2e6: {  	v58 =	vadd.s32 $0x200, v57;
	v10 =	vmov v57;
	[tilespmem:s12+$0x24C0] =	vst v37;
	v57 =	vld [tilespmem:s12+$0x450]  }
0x2e7: {  	[tilespmem:s12+$0x2440] =	vst v62;
	v37 =	vld.idx.msk [tilespmem:v16+s2+$0x0], $0xffff  }
0x2e8: {  	v61 =	vld.idx.msk [tilespmem:v41+s2+$0x0], $0xffff;
	[tilespmem:s21+$0x2860] =	vst v63  }
0x2e9: {  	[tilespmem:s21+$0x28F0] =	vst v60;
	v55 =	vld.idx.msk [tilespmem:v55+s2+$0x0], $0xffff  }
0x2ea: {  	v60 =	vld.idx.msk [tilespmem:v22+s2+$0x0], $0xffff  }
0x2eb: {  	s15 =	sor.u32 $0xC20, s9;
	[tilespmem:s19+$0x2410] =	vst v39;
	v39 =	vld [tilespmem:s12+$0xCE0]  }
0x2ec: {  	v62 =	vld [tilespmem:s15+$0x400]  }
0x2ed: {  	v16 =	vld [tilespmem:s12+$0xCF0];
	[tilespmem:s12+$0x44C0] =	vst v37  }
0x2ee: {  	[tilespmem:s12+$0x4440] =	vst v61;
	v61 =	vld.idx.msk [tilespmem:v11+s2+$0x0], $0xffff  }
0x2ef: {  	v22 =	vmov v58;
	v58 =	vld.idx.msk [tilespmem:v57+s2+$0x0], $0xffff;
	[tilespmem:s30+$0x2460] =	vst v55  }
0x2f0: {  	[tilespmem:s21+$0x48F0] =	vst v60;
	v55 =	vld [tilespmem:s21+$0x870]  }
0x2f1: {  	v47 =	vadd.s32 $0x200, v48;
	v57 =	vadd.s32 $0x200, v57;
	v48 =	vld.idx.msk [tilespmem:v48+s2+$0x0], $0xffff  }
0x2f2: {  	v63 =	vld.idx.msk [tilespmem:v4+s2+$0x0], $0xffff  }
0x2f3: {  	v36 =	vadd.s32 $0x200, v26;
	v26 =	vld.idx.msk [tilespmem:v26+s2+$0x0], $0xffff  }
0x2f4: {  	v60 =	vld.idx.msk [tilespmem:v62+s2+$0x0], $0xffff;
	[tilespmem:s16+$0x4CF0] =	vst v61  }
0x2f5: {  	v59 =	vadd.s32 $0x200, v56;
	v4 =	vmov v56;
	v56 =	vld [tilespmem:s12+$0x460];
	v62 =	vadd.s32 $0x200, v62;
	s16 =	smov.u32 s21;
	s21 =	smov.u32 s12;
	[tilespmem:s12+$0x2450] =	vst v58  }
0x2f6: {  	v57 =	vld.idx.msk [tilespmem:v57+s2+$0x0], $0xffff;
	[tilespmem:s21+$0x24D0] =	vst v48  }
0x2f7: {  	v47 =	vld.idx.msk [tilespmem:v47+s2+$0x0], $0xffff  }
0x2f8: {  	[tilespmem:s16+$0x2C80] =	vst v63;
	v58 =	vld.idx.msk [tilespmem:v55+s2+$0x0], $0xffff  }
0x2f9: {  	[tilespmem:s15+$0x2400] =	vst v60;
	v60 =	vld.idx.msk [tilespmem:v21+s2+$0x0], $0xffff  }
0x2fa: {  	s13 =	sor.u32 $0xC00, s8;
	v55 =	vadd.s32 $0x200, v55;
	[tilespmem:s29+$0x2400] =	vst v26;
	v48 =	vld.idx.msk [tilespmem:v62+s2+$0x0], $0xffff  }
0x2fb: {  	v26 =	vld [tilespmem:s13+$0x400]  }
0x2fc: {  	v36 =	vld.idx.msk [tilespmem:v36+s2+$0x0], $0xffff;
	[tilespmem:s21+$0x4450] =	vst v57  }
0x2fd: {  	v57 =	vld.idx.msk [tilespmem:v56+s2+$0x0], $0xffff;
	[tilespmem:s21+$0x44D0] =	vst v47  }
0x2fe: {  	v43 =	vadd.s32 $0x200, v44;
	v44 =	vld.idx.msk [tilespmem:v44+s2+$0x0], $0xffff;
	[tilespmem:s16+$0x2870] =	vst v58  }
0x2ff: {  	v61 =	vadd.s32 $0x200, v56;
	[tilespmem:s16+$0x4C80] =	vst v60;
	v55 =	vld.idx.msk [tilespmem:v55+s2+$0x0], $0xffff  }
0x300: {  	s15 =	smov.u32 s18;
	s18 =	sor.u32 $0xC30, s9;
	[tilespmem:s19+$0x2420] =	vst v48;
	v63 =	vld.idx.msk [tilespmem:v7+s2+$0x0], $0xffff  }
0x301: {  	[tilespmem:s20+$0x2430] =	vst v36;
	v62 =	vld [tilespmem:s18+$0x400]  }
0x302: {  	v13 =	vld.idx.msk [tilespmem:v13+s2+$0x0], $0xffff  }
0x303: {  	[tilespmem:s21+$0x2460] =	vst v57;
	v57 =	vld [tilespmem:s21+$0x470]  }
0x304: {  	v48 =	vld.idx.msk [tilespmem:v61+s2+$0x0], $0xffff;
	[tilespmem:s21+$0x24E0] =	vst v44  }
0x305: {  	v56 =	vadd.s32 $0x200, v26;
	v26 =	vld.idx.msk [tilespmem:v26+s2+$0x0], $0xffff;
	[tilespmem:s30+$0x2470] =	vst v55  }
0x306: {  	s24 =	smov.u32 s14;
	v21 =	vmov v59;
	[tilespmem:s16+$0x2C90] =	vst v63;
	v59 =	vld [tilespmem:s16+$0xC00]  }
0x307: {  	v43 =	vld.idx.msk [tilespmem:v43+s2+$0x0], $0xffff;
	[tilespmem:s24+$0x2460] =	vst v13  }
0x308: {  	v13 =	vld.idx.msk [tilespmem:v20+s2+$0x0], $0xffff  }
0x309: {  	v60 =	vld.idx.msk [tilespmem:v62+s2+$0x0], $0xffff  }
0x30a: {  	[tilespmem:s21+$0x4460] =	vst v48;
	v48 =	vld [tilespmem:s28+$0x400]  }
0x30b: {  	v47 =	vadd.s32 $0x200, v62;
	[tilespmem:s13+$0x2400] =	vst v26;
	v61 =	vld.idx.msk [tilespmem:v57+s2+$0x0], $0xffff  }
0x30c: {  	v26 =	vld [tilespmem:s23+$0x400];
	[tilespmem:s21+$0x44E0] =	vst v43  }
0x30d: {  	v38 =	vadd.s32 $0x200, v40;
	v36 =	vadd.s32 $0x200, v57;
	v40 =	vld.idx.msk [tilespmem:v40+s2+$0x0], $0xffff;
	[tilespmem:s16+$0x4C90] =	vst v13  }
0x30e: {  	v57 =	vld.idx.msk [tilespmem:v8+s2+$0x0], $0xffff  }
0x30f: {  	v55 =	vld.idx.msk [tilespmem:v59+s2+$0x0], $0xffff;
	[tilespmem:s18+$0x2400] =	vst v60  }
0x310: {  	v62 =	vld.idx.msk [tilespmem:v47+s2+$0x0], $0xffff  }
0x311: {  	v63 =	vadd.s32 $0x200, v59;
	[tilespmem:s21+$0x2470] =	vst v61;
	v58 =	vld [tilespmem:s21+$0x800]  }
0x312: {  	v53 =	vadd.s32 $0x200, v54;
	v36 =	vld.idx.msk [tilespmem:v36+s2+$0x0], $0xffff  }
0x313: {  	v20 =	vmov v53;
	v53 =	vld [tilespmem:s16+$0xC10];
	[tilespmem:s21+$0x24F0] =	vst v40  }
0x314: {  	v38 =	vld.idx.msk [tilespmem:v38+s2+$0x0], $0xffff;
	[tilespmem:s16+$0x2CA0] =	vst v57  }
0x315: {  	[tilespmem:s16+$0x2C00] =	vst v55;
	v60 =	vld.idx.msk [tilespmem:v19+s2+$0x0], $0xffff  }
0x316: {  	v44 =	vld.idx.msk [tilespmem:v63+s2+$0x0], $0xffff  }
0x317: {  	v61 =	vld.idx.msk [tilespmem:v56+s2+$0x0], $0xffff  }
0x318: {  	s14 =	sor.u32 $0xC30, s8;
	v47 =	vadd.s32 $0x200, v48;
	v48 =	vld.idx.msk [tilespmem:v48+s2+$0x0], $0xffff;
	[tilespmem:s19+$0x2430] =	vst v62  }
0x319: {  	s29 =	smov.u32 s14;
	s14 =	sor.u32 $0xC40, s9;
	v13 =	vadd.s32 $0x200, v26;
	v26 =	vld.idx.msk [tilespmem:v26+s2+$0x0], $0xffff;
	[tilespmem:s21+$0x44F0] =	vst v38  }
0x31a: {  	v59 =	vld [tilespmem:s14+$0x400];
	[tilespmem:s16+$0x4CA0] =	vst v60  }
0x31b: {  	s11 =	sor.u32 $0x2C00, s8;
	[tilespmem:s16+$0x4C00] =	vst v44  }
0x31c: {  	v34 =	vadd.s32 $0x200, v35;
	v51 =	vadd.s32 $0x200, v52;
	v35 =	vld.idx.msk [tilespmem:v35+s2+$0x0], $0xffff;
	[tilespmem:s11+$0x2400] =	vst v61  }
0x31d: {  	v19 =	vmov v51;
	[tilespmem:s21+$0x4470] =	vst v36;
	v51 =	vld.idx.msk [tilespmem:v6+s2+$0x0], $0xffff  }
0x31e: {  	v36 =	vld.idx.msk [tilespmem:v53+s2+$0x0], $0xffff  }
0x31f: {  	s7 =	sor.u32 $0xC10, s8;
	[tilespmem:s28+$0x2400] =	vst v48;
	v44 =	vld.idx.msk [tilespmem:v58+s2+$0x0], $0xffff  }
0x320: {  	v48 =	vld [tilespmem:s7+$0x400]  }
0x321: {  	v62 =	vadd.s32 $0x200, v53;
	[tilespmem:s23+$0x2400] =	vst v26;
	v26 =	vld [tilespmem:s16+$0xC20]  }
0x322: {  	v8 =	vmov v52;
	v52 =	vadd.s32 $0x200, v58;
	v63 =	vld.idx.msk [tilespmem:v59+s2+$0x0], $0xffff;
	[tilespmem:s21+$0x2880] =	vst v35  }
0x323: {  	v40 =	vadd.s32 $0x200, v59;
	v34 =	vld.idx.msk [tilespmem:v34+s2+$0x0], $0xffff;
	[tilespmem:s16+$0x2CB0] =	vst v51  }
0x324: {  	[tilespmem:s16+$0x2C10] =	vst v36;
	v55 =	vld.idx.msk [tilespmem:v18+s2+$0x0], $0xffff  }
0x325: {  	[tilespmem:s21+$0x2800] =	vst v44;
	v56 =	vld.idx.msk [tilespmem:v47+s2+$0x0], $0xffff  }
0x326: {  	v36 =	vld.idx.msk [tilespmem:v62+s2+$0x0], $0xffff  }
0x327: {  	v52 =	vld.idx.msk [tilespmem:v52+s2+$0x0], $0xffff;
	[tilespmem:s14+$0x2400] =	vst v63  }
0x328: {  	v53 =	vld.idx.msk [tilespmem:v40+s2+$0x0], $0xffff  }
0x329: {  	v57 =	vld.idx.msk [tilespmem:v48+s2+$0x0], $0xffff;
	[tilespmem:s21+$0x4880] =	vst v34  }
0x32a: {  	s3 =	sor.u32 s3, s0;
	v32 =	vadd.s32 $0x200, v33;
	v33 =	vld.idx.msk [tilespmem:v33+s2+$0x0], $0xffff;
	[tilespmem:s16+$0x4CB0] =	vst v55  }
0x32b: {  	s30 =	sor.u32 $0x2400, s3;
	[tilespmem:s16+$0x4C10] =	vst v36  }
0x32c: {  	v60 =	vld.idx.msk [tilespmem:v1+s2+$0x0], $0xffff;
	[tilespmem:s30+$0x2400] =	vst v52  }
0x32d: {  	v7 =	vmov v54;
	v54 =	vadd.s32 $0x200, v48;
	[tilespmem:s20+$0x2440] =	vst v56;
	v38 =	vld.idx.msk [tilespmem:v26+s2+$0x0], $0xffff  }
0x32e: {  	s12 =	sor.u32 $0xC50, s9;
	v58 =	vld [tilespmem:s21+$0x810];
	[tilespmem:s19+$0x2440] =	vst v53  }
0x32f: {  	v26 =	vadd.s32 $0x200, v26;
	[tilespmem:s7+$0x2400] =	vst v57;
	v59 =	vld [tilespmem:s12+$0x400]  }
0x330: {  	v36 =	vld [tilespmem:s26+$0x400]  }
0x331: {  	v61 =	vld [tilespmem:s16+$0xC30]  }
0x332: {  	v40 =	vld.idx.msk [tilespmem:v54+s2+$0x0], $0xffff;
	[tilespmem:s21+$0x2890] =	vst v33  }
0x333: {  	[tilespmem:s16+$0x2C20] =	vst v38  }
0x334: {  	[tilespmem:s16+$0x2CC0] =	vst v60;
	v26 =	vld.idx.msk [tilespmem:v26+s2+$0x0], $0xffff  }
0x335: {  	v32 =	vld.idx.msk [tilespmem:v32+s2+$0x0], $0xffff  }
0x336: {  	v49 =	vadd.s32 $0x200, v50;
	v6 =	vmov v50;
	v50 =	vld.idx.msk [tilespmem:v17+s2+$0x0], $0xffff  }
0x337: {  	v62 =	vld.idx.msk [tilespmem:v58+s2+$0x0], $0xffff  }
0x338: {  	v18 =	vmov v49;
	v49 =	vadd.s32 $0x200, v58;
	v63 =	vld.idx.msk [tilespmem:v59+s2+$0x0], $0xffff  }
0x339: {  	[tilespmem:s16+$0x4C20] =	vst v26;
	v26 =	vld.idx.msk [tilespmem:v36+s2+$0x0], $0xffff  }
0x33a: {  	s5 =	sor.u32 $0xC20, s8;
	v34 =	vadd.s32 $0x200, v59;
	[tilespmem:s11+$0x2410] =	vst v40;
	v51 =	vld.idx.msk [tilespmem:v61+s2+$0x0], $0xffff  }
0x33b: {  	v40 =	vld [tilespmem:s5+$0x400];
	[tilespmem:s21+$0x4890] =	vst v32  }
0x33c: {  	v31 =	vadd.s32 $0x200, v30;
	v48 =	vadd.s32 $0x200, v36;
	[tilespmem:s21+$0x2810] =	vst v62;
	v30 =	vld.idx.msk [tilespmem:v30+s2+$0x0], $0xffff  }
0x33d: {  	v38 =	vadd.s32 $0x200, v61;
	[tilespmem:s16+$0x4CC0] =	vst v50;
	v43 =	vld.idx.msk [tilespmem:v49+s2+$0x0], $0xffff  }
0x33e: {  	[tilespmem:s12+$0x2400] =	vst v63;
	v53 =	vld.idx.msk [tilespmem:v5+s2+$0x0], $0xffff  }
0x33f: {  	v52 =	vld.idx.msk [tilespmem:v34+s2+$0x0], $0xffff  }
0x340: {  	[tilespmem:s26+$0x2400] =	vst v26;
	v26 =	vld [tilespmem:s16+$0xC40]  }
0x341: {  	[tilespmem:s16+$0x2C30] =	vst v51;
	v35 =	vld.idx.msk [tilespmem:v48+s2+$0x0], $0xffff  }
0x342: {  	v36 =	vld.idx.msk [tilespmem:v38+s2+$0x0], $0xffff;
	[tilespmem:s21+$0x28A0] =	vst v30  }
0x343: {  	[tilespmem:s30+$0x2410] =	vst v43;
	v31 =	vld.idx.msk [tilespmem:v31+s2+$0x0], $0xffff  }
0x344: {  	[tilespmem:s16+$0x2CD0] =	vst v53;
	v55 =	vld [tilespmem:s21+$0x820]  }
0x345: {  	v56 =	vld.idx.msk [tilespmem:v15+s2+$0x0], $0xffff  }
0x346: {  	s13 =	sor.u32 $0xC60, s9;
	[tilespmem:s19+$0x2450] =	vst v52;
	v33 =	vld.idx.msk [tilespmem:v40+s2+$0x0], $0xffff  }
0x347: {  	v30 =	vld [tilespmem:s13+$0x400]  }
0x348: {  	v60 =	vld [tilespmem:s16+$0xC50];
	[tilespmem:s20+$0x2450] =	vst v35  }
0x349: {  	[tilespmem:s16+$0x4C30] =	vst v36;
	v35 =	vld [tilespmem:s25+$0x400]  }
0x34a: {  	v57 =	vld.idx.msk [tilespmem:v13+s2+$0x0], $0xffff;
	[tilespmem:s21+$0x48A0] =	vst v31  }
0x34b: {  	v54 =	vadd.s32 $0x200, v40;
	v36 =	vld.idx.msk [tilespmem:v26+s2+$0x0], $0xffff;
	[tilespmem:s16+$0x4CD0] =	vst v56  }
0x34c: {  	v28 =	vadd.s32 $0x200, v29;
	v26 =	vadd.s32 $0x200, v26;
	v29 =	vld.idx.msk [tilespmem:v29+s2+$0x0], $0xffff;
	[tilespmem:s5+$0x2400] =	vst v33  }
0x34d: {  	v61 =	vld.idx.msk [tilespmem:v3+s2+$0x0], $0xffff  }
0x34e: {  	v58 =	vld.idx.msk [tilespmem:v55+s2+$0x0], $0xffff  }
0x34f: {  	v59 =	vadd.s32 $0x200, v55;
	[tilespmem:s24+$0x2470] =	vst v57;
	v31 =	vld.idx.msk [tilespmem:v30+s2+$0x0], $0xffff  }
0x350: {  	[tilespmem:s16+$0x2C40] =	vst v36;
	v30 =	vadd.s32 $0x200, v30;
	v34 =	vld.idx.msk [tilespmem:v54+s2+$0x0], $0xffff  }
0x351: {  	v26 =	vld.idx.msk [tilespmem:v26+s2+$0x0], $0xffff;
	[tilespmem:s21+$0x28B0] =	vst v29  }
0x352: {  	v28 =	vld.idx.msk [tilespmem:v28+s2+$0x0], $0xffff  }
0x353: {  	v13 =	vadd.s32 $0x200, v35;
	v35 =	vld.idx.msk [tilespmem:v35+s2+$0x0], $0xffff;
	[tilespmem:s21+$0x2820] =	vst v58  }
0x354: {  	v32 =	vld.idx.msk [tilespmem:v59+s2+$0x0], $0xffff;
	[tilespmem:s13+$0x2400] =	vst v31  }
0x355: {  	[tilespmem:s16+$0x2CE0] =	vst v61;
	v62 =	vld.idx.msk [tilespmem:v30+s2+$0x0], $0xffff  }
0x356: {  	s31 =	sadd.s32 $0x2, s31;
	s14 =	smov.u32 s20;
	s20 =	smov.u32 s11;
	v29 =	vld.idx.msk [tilespmem:v14+s2+$0x0], $0xffff;
	[tilespmem:s16+$0x4C40] =	vst v26  }
0x357: {  	p0 =	slt.u32 s31, $0xE;
	[tilespmem:s20+$0x2420] =	vst v34;
	v63 =	vld.idx.msk [tilespmem:v60+s2+$0x0], $0xffff  }
.Ltmp0:
0x358: {  	v26 =	vld [tilespmem:s29+$0x400];
	[tilespmem:s21+$0x48B0] =	vst v28;
	(pc) =	sbr.rel @p0 .LBB2_2-.Ltmp0, $4  }
0x359: {  	s4 =	sor.u32 $0xC40, s8;
	s6 =	sor.u32 $0xC50, s8;
	s8 =	sor.u32 $0xC70, s8;
	[tilespmem:s30+$0x2420] =	vst v32;
	v32 =	vld.idx.msk [tilespmem:v27+s2+$0x0], $0xffff  }
0x35a: {  	v25 =	vadd.s32 $0x200, v27;
	s0 =	sadd.s32 $0x100, s0;
	s1 =	sadd.s32 $0x400, s1;
	v23 =	vmovc v45;
	v45 =	vadd.s32 $0x200, v46;
	v41 =	vadd.s32 $0x200, v42;
	s9 =	sor.u32 $0xC70, s9;
	v31 =	vld [tilespmem:s21+$0x830];
	[tilespmem:s19+$0x2460] =	vst v62  }
0x35b: {  	v11 =	vmovc v12;
	v37 =	vadd.s32 $0x200, v39;
	v12 =	vadd.s32 $0x200, v16;
	s18 =	smov.u32 s8;
	s28 =	smov.u32 s4;
	v1 =	vmovc v46;
	v17 =	vmov v45;
	s24 =	rddreg [dreg:$0x6];
	[tilespmem:s25+$0x2400] =	vst v35;
	v28 =	vld [tilespmem:s9+$0x400]  }
0x35c: {  	s23 =	smov.u32 s10;
	v5 =	vmovc v42;
	s26 =	smov.u32 s6;
	v15 =	vmovc v41;
	v3 =	vmov v39;
	v14 =	vmov v37;
	v30 =	vadd.s32 $0x200, v60;
	s25 =	smov.u32 s24;
	[tilespmem:s16+$0x2C50] =	vst v63;
	v27 =	vld [tilespmem:s16+$0xC60]  }
0x35d: {  	_ =	sdelay $0x5  }
0x35e: {  	v33 =	vld.idx.msk [tilespmem:v31+s2+$0x0], $0xffff  }
0x35f: {  	v52 =	vadd.s32 $0x200, v31;
	_ =	sdelay $0x3  }
0x360: {  	[tilespmem:s21+$0x2830] =	vst v33  }
0x361: {  	v31 =	vld.idx.msk [tilespmem:v52+s2+$0x0], $0xffff;
	_ =	sdelay $0x4  }
0x362: {  	[tilespmem:s30+$0x2430] =	vst v31  }
0x363: {  	v31 =	vld [tilespmem:s21+$0x840];
	_ =	sdelay $0x7  }
0x364: {  	v33 =	vld.idx.msk [tilespmem:v31+s2+$0x0], $0xffff  }
0x365: {  	v31 =	vadd.s32 $0x200, v31;
	_ =	sdelay $0x3  }
0x366: {  	[tilespmem:s21+$0x2840] =	vst v33  }
0x367: {  	v31 =	vld.idx.msk [tilespmem:v31+s2+$0x0], $0xffff;
	_ =	sdelay $0x4  }
0x368: {  	[tilespmem:s30+$0x2440] =	vst v31  }
0x369: {  	v31 =	vld [tilespmem:s21+$0x850];
	_ =	sdelay $0x7  }
0x36a: {  	v33 =	vld.idx.msk [tilespmem:v31+s2+$0x0], $0xffff  }
0x36b: {  	v31 =	vadd.s32 $0x200, v31;
	_ =	sdelay $0x3  }
0x36c: {  	[tilespmem:s21+$0x2850] =	vst v33  }
0x36d: {  	v31 =	vld.idx.msk [tilespmem:v31+s2+$0x0], $0xffff;
	_ =	sdelay $0x4  }
0x36e: {  	[tilespmem:s30+$0x2450] =	vst v31  }
0x36f: {  	v31 =	vld [tilespmem:s21+$0x860];
	_ =	sdelay $0x3  }
0x370: {  	[tilespmem:s21+$0x28C0] =	vst v32  }
0x371: {  	v25 =	vld.idx.msk [tilespmem:v25+s2+$0x0], $0xffff;
	_ =	sdelay $0x2  }
0x372: {  	v33 =	vld.idx.msk [tilespmem:v31+s2+$0x0], $0xffff  }
0x373: {  	v31 =	vadd.s32 $0x200, v31  }
0x374: {  	[tilespmem:s21+$0x48C0] =	vst v25  }
0x375: {  	v9 =	vld.idx.msk [tilespmem:v9+s2+$0x0], $0xffff;
	_ =	sdelay $0x1  }
0x376: {  	[tilespmem:s21+$0x2860] =	vst v33  }
0x377: {  	v31 =	vld.idx.msk [tilespmem:v31+s2+$0x0], $0xffff;
	_ =	sdelay $0x1  }
0x378: {  	[tilespmem:s21+$0x28D0] =	vst v9  }
0x379: {  	v9 =	vld.idx.msk [tilespmem:v24+s2+$0x0], $0xffff;
	_ =	sdelay $0x1  }
0x37a: {  	[tilespmem:s30+$0x2460] =	vst v31  }
0x37b: {  	v31 =	vld [tilespmem:s21+$0x870];
	_ =	sdelay $0x1  }
0x37c: {  	[tilespmem:s21+$0x48D0] =	vst v9  }
0x37d: {  	v2 =	vld.idx.msk [tilespmem:v2+s2+$0x0], $0xffff;
	_ =	sdelay $0x4  }
0x37e: {  	[tilespmem:s21+$0x28E0] =	vst v2;
	v53 =	vld.idx.msk [tilespmem:v31+s2+$0x0], $0xffff  }
0x37f: {  	v2 =	vld.idx.msk [tilespmem:v23+s2+$0x0], $0xffff;
	v31 =	vadd.s32 $0x200, v31;
	_ =	sdelay $0x3  }
0x380: {  	[tilespmem:s21+$0x2870] =	vst v53  }
0x381: {  	[tilespmem:s21+$0x48E0] =	vst v2;
	v54 =	vld.idx.msk [tilespmem:v31+s2+$0x0], $0xffff  }
0x382: {  	v2 =	vld.idx.msk [tilespmem:v10+s2+$0x0], $0xffff;
	_ =	sdelay $0x3  }
0x383: {  	[tilespmem:s30+$0x2470] =	vst v54  }
0x384: {  	[tilespmem:s21+$0x28F0] =	vst v2;
	v55 =	vld [tilespmem:s21+$0xC00]  }
0x385: {  	v59 =	vld.idx.msk [tilespmem:v22+s2+$0x0], $0xffff;
	_ =	sdelay $0x4  }
0x386: {  	[tilespmem:s21+$0x48F0] =	vst v59  }
0x387: {  	v4 =	vld.idx.msk [tilespmem:v4+s2+$0x0], $0xffff  }
0x388: {  	v56 =	vld.idx.msk [tilespmem:v55+s2+$0x0], $0xffff  }
0x389: {  	v9 =	vadd.s32 $0x200, v55;
	_ =	sdelay $0x2  }
0x38a: {  	[tilespmem:s21+$0x2C80] =	vst v4;
	v57 =	vld [tilespmem:s21+$0xC10]  }
0x38b: {  	v4 =	vld.idx.msk [tilespmem:v21+s2+$0x0], $0xffff;
	[tilespmem:s21+$0x2C00] =	vst v56  }
0x38c: {  	v58 =	vld.idx.msk [tilespmem:v9+s2+$0x0], $0xffff;
	_ =	sdelay $0x3  }
0x38d: {  	[tilespmem:s21+$0x4C80] =	vst v4  }
0x38e: {  	v4 =	vld.idx.msk [tilespmem:v7+s2+$0x0], $0xffff;
	[tilespmem:s21+$0x4C00] =	vst v58  }
0x38f: {  	v2 =	vld.idx.msk [tilespmem:v57+s2+$0x0], $0xffff  }
0x390: {  	v60 =	vadd.s32 $0x200, v57;
	_ =	sdelay $0x2  }
0x391: {  	[tilespmem:s21+$0x2C90] =	vst v4;
	v61 =	vld [tilespmem:s21+$0xC20]  }
0x392: {  	v4 =	vld.idx.msk [tilespmem:v20+s2+$0x0], $0xffff;
	[tilespmem:s21+$0x2C10] =	vst v2  }
0x393: {  	v9 =	vld.idx.msk [tilespmem:v60+s2+$0x0], $0xffff;
	_ =	sdelay $0x3  }
0x394: {  	[tilespmem:s21+$0x4C90] =	vst v4  }
0x395: {  	v4 =	vld.idx.msk [tilespmem:v8+s2+$0x0], $0xffff;
	[tilespmem:s21+$0x4C10] =	vst v9  }
0x396: {  	v62 =	vld.idx.msk [tilespmem:v61+s2+$0x0], $0xffff  }
0x397: {  	v2 =	vadd.s32 $0x200, v61;
	_ =	sdelay $0x2  }
0x398: {  	[tilespmem:s21+$0x2CA0] =	vst v4;
	v63 =	vld [tilespmem:s21+$0xC30]  }
0x399: {  	v4 =	vld.idx.msk [tilespmem:v19+s2+$0x0], $0xffff;
	[tilespmem:s21+$0x2C20] =	vst v62  }
0x39a: {  	v2 =	vld.idx.msk [tilespmem:v2+s2+$0x0], $0xffff;
	_ =	sdelay $0x3  }
0x39b: {  	[tilespmem:s21+$0x4CA0] =	vst v4  }
0x39c: {  	v6 =	vld.idx.msk [tilespmem:v6+s2+$0x0], $0xffff;
	[tilespmem:s21+$0x4C20] =	vst v2  }
0x39d: {  	v2 =	vld.idx.msk [tilespmem:v63+s2+$0x0], $0xffff  }
0x39e: {  	v7 =	vadd.s32 $0x200, v63;
	_ =	sdelay $0x2  }
0x39f: {  	[tilespmem:s21+$0x2CB0] =	vst v6;
	v9 =	vld [tilespmem:s21+$0xC40]  }
0x3a0: {  	v6 =	vld.idx.msk [tilespmem:v18+s2+$0x0], $0xffff;
	[tilespmem:s21+$0x2C30] =	vst v2  }
0x3a1: {  	v10 =	vld.idx.msk [tilespmem:v7+s2+$0x0], $0xffff;
	_ =	sdelay $0x3  }
0x3a2: {  	[tilespmem:s21+$0x4CB0] =	vst v6  }
0x3a3: {  	v1 =	vld.idx.msk [tilespmem:v1+s2+$0x0], $0xffff;
	[tilespmem:s21+$0x4C30] =	vst v10  }
0x3a4: {  	v4 =	vld.idx.msk [tilespmem:v9+s2+$0x0], $0xffff  }
0x3a5: {  	v2 =	vadd.s32 $0x200, v9;
	_ =	sdelay $0x2  }
0x3a6: {  	v19 =	vld [tilespmem:s21+$0xC50];
	[tilespmem:s21+$0x2CC0] =	vst v1  }
0x3a7: {  	v1 =	vld.idx.msk [tilespmem:v17+s2+$0x0], $0xffff;
	[tilespmem:s21+$0x2C40] =	vst v4  }
0x3a8: {  	v2 =	vld.idx.msk [tilespmem:v2+s2+$0x0], $0xffff;
	_ =	sdelay $0x3  }
0x3a9: {  	[tilespmem:s21+$0x4CC0] =	vst v1  }
0x3aa: {  	v1 =	vld.idx.msk [tilespmem:v5+s2+$0x0], $0xffff;
	[tilespmem:s21+$0x4C40] =	vst v2  }
0x3ab: {  	v2 =	vld.idx.msk [tilespmem:v19+s2+$0x0], $0xffff  }
0x3ac: {  	v20 =	vld.idx.msk [tilespmem:v30+s2+$0x0], $0xffff;
	v4 =	vadd.s32 $0x200, v19;
	_ =	sdelay $0x2  }
0x3ad: {  	v21 =	vld [tilespmem:s21+$0xC60];
	[tilespmem:s21+$0x2CD0] =	vst v1  }
0x3ae: {  	v1 =	vld.idx.msk [tilespmem:v15+s2+$0x0], $0xffff;
	[tilespmem:s21+$0x2C50] =	vst v2  }
0x3af: {  	[tilespmem:s16+$0x4C50] =	vst v20;
	v4 =	vld.idx.msk [tilespmem:v4+s2+$0x0], $0xffff  }
0x3b0: {  	v22 =	vld.idx.msk [tilespmem:v27+s2+$0x0], $0xffff  }
0x3b1: {  	v23 =	vadd.s32 $0x200, v27;
	_ =	sdelay $0x1  }
0x3b2: {  	v25 =	vld [tilespmem:s16+$0xC70];
	[tilespmem:s21+$0x4CD0] =	vst v1  }
0x3b3: {  	v30 =	vld.idx.msk [tilespmem:v3+s2+$0x0], $0xffff;
	[tilespmem:s21+$0x4C50] =	vst v4  }
0x3b4: {  	[tilespmem:s16+$0x2C60] =	vst v22;
	v24 =	vld.idx.msk [tilespmem:v21+s2+$0x0], $0xffff  }
0x3b5: {  	v31 =	vld.idx.msk [tilespmem:v23+s2+$0x0], $0xffff;
	v27 =	vadd.s32 $0x200, v21;
	_ =	sdelay $0x2  }
0x3b6: {  	v32 =	vld [tilespmem:s21+$0xC70];
	[tilespmem:s21+$0x2CE0] =	vst v30  }
0x3b7: {  	v2 =	vld.idx.msk [tilespmem:v14+s2+$0x0], $0xffff;
	[tilespmem:s21+$0x2C60] =	vst v24  }
0x3b8: {  	[tilespmem:s16+$0x4C60] =	vst v31;
	v1 =	vld.idx.msk [tilespmem:v27+s2+$0x0], $0xffff  }
0x3b9: {  	v3 =	vld.idx.msk [tilespmem:v25+s2+$0x0], $0xffff  }
0x3ba: {  	v5 =	vadd.s32 $0x200, v25  }
0x3bb: {  	[tilespmem:s16+$0x4CE0] =	vst v29  }
0x3bc: {  	v0 =	vld.idx.msk [tilespmem:v0+s2+$0x0], $0xffff;
	[tilespmem:s21+$0x4CE0] =	vst v2  }
0x3bd: {  	v34 =	vld.idx.msk [tilespmem:v16+s2+$0x0], $0xffff;
	[tilespmem:s21+$0x4C60] =	vst v1  }
0x3be: {  	[tilespmem:s16+$0x2C70] =	vst v3;
	v1 =	vld.idx.msk [tilespmem:v32+s2+$0x0], $0xffff  }
0x3bf: {  	v33 =	vadd.s32 $0x200, v32;
	v3 =	vld.idx.msk [tilespmem:v5+s2+$0x0], $0xffff;
	_ =	sdelay $0x1  }
0x3c0: {  	s0 =	sadd.s32 $0x1, s22;
	[tilespmem:s16+$0x2CF0] =	vst v0  }
0x3c1: {  	s1 =	sand.u32 $0x3, s0;
	v36 =	vld.idx.msk [tilespmem:v11+s2+$0x0], $0xffff;
	[tilespmem:s21+$0x2CF0] =	vst v34  }
0x3c2: {  	s0 =	sadd.s32 $0x1, s0;
	s1 =	sshll.u32 s1, $0x8;
	v37 =	vld.idx.msk [tilespmem:v12+s2+$0x0], $0xffff;
	[tilespmem:s21+$0x2C70] =	vst v1  }
0x3c3: {  	s0 =	sand.u32 $0x3, s0;
	s4 =	sadd.s32 s1, s17;
	[tilespmem:s16+$0x4C70] =	vst v3;
	v35 =	vld.idx.msk [tilespmem:v33+s2+$0x0], $0xffff  }
0x3c4: {  	s0 =	sshll.u32 s0, $0x8;
	s1 =	sor.u32 $0xC00, s4;
	s11 =	rddreg [dreg:$0x4]  }
0x3c5: {  	s7 =	sadd.s32 $0x80, s4;
	v3 =	vld [tilespmem:s1+$0x400];
	s5 =	sadd.s32 s0, s11  }
0x3c6: {  	s3 =	sor.u32 $0xC00, s7;
	[tilespmem:s16+$0x4CF0] =	vst v36;
	s8 =	sadd.s32 $0x80, s5  }
0x3c7: {  	[tilespmem:s21+$0x4CF0] =	vst v37;
	v1 =	vld [tilespmem:s3+$0x400];
	s6 =	sor.u32 $0xC00, s8  }
0x3c8: {  	s0 =	sor.u32 $0xC00, s5;
	v2 =	vld [tilespmem:s6+$0x400];
	[tilespmem:s21+$0x4C70] =	vst v35  }
0x3c9: {  	v0 =	vld [tilespmem:s0+$0x400];
	_ =	sdelay $0x3  }
0x3ca: {  	v38 =	vld.idx.msk [tilespmem:v3+s2+$0x0], $0xffff  }
0x3cb: {  	v3 =	vadd.s32 $0x200, v3  }
0x3cc: {  	v40 =	vld.idx.msk [tilespmem:v1+s2+$0x0], $0xffff  }
0x3cd: {  	v1 =	vadd.s32 $0x200, v1;
	v41 =	vld.idx.msk [tilespmem:v2+s2+$0x0], $0xffff  }
0x3ce: {  	v2 =	vadd.s32 $0x200, v2;
	v39 =	vld.idx.msk [tilespmem:v0+s2+$0x0], $0xffff  }
0x3cf: {  	[tilespmem:s1+$0x2400] =	vst v38;
	v0 =	vadd.s32 $0x200, v0  }
0x3d0: {  	v3 =	vld.idx.msk [tilespmem:v3+s2+$0x0], $0xffff  }
0x3d1: {  	[tilespmem:s3+$0x2400] =	vst v40  }
0x3d2: {  	v1 =	vld.idx.msk [tilespmem:v1+s2+$0x0], $0xffff;
	[tilespmem:s6+$0x2400] =	vst v41  }
0x3d3: {  	s30 =	sor.u32 s17, s15;
	v2 =	vld.idx.msk [tilespmem:v2+s2+$0x0], $0xffff;
	[tilespmem:s0+$0x2400] =	vst v39  }
0x3d4: {  	s0 =	sor.u32 $0x2C00, s30;
	v0 =	vld.idx.msk [tilespmem:v0+s2+$0x0], $0xffff  }
0x3d5: {  	[tilespmem:s0+$0x2400] =	vst v3  }
0x3d6: {  	s31 =	sor.u32 $0xC10, s4;
	s3 =	sor.u32 $0x2C00, s7;
	s1 =	rddreg [dreg:$0x5]  }
0x3d7: {  	s12 =	sor.u32 $0xC10, s7;
	s6 =	sor.u32 $0x2C00, s8;
	v3 =	vld [tilespmem:s31+$0x400];
	[tilespmem:s3+$0x2400] =	vst v1;
	s1 =	sor.u32 s11, s1  }
0x3d8: {  	s13 =	sor.u32 $0xC10, s8;
	v1 =	vld [tilespmem:s12+$0x400];
	s1 =	sor.u32 $0x2C00, s1;
	[tilespmem:s6+$0x2400] =	vst v2  }
0x3d9: {  	s10 =	sor.u32 $0xC10, s5;
	v2 =	vld [tilespmem:s13+$0x400];
	[tilespmem:s1+$0x2400] =	vst v0  }
0x3da: {  	v0 =	vld [tilespmem:s10+$0x400];
	_ =	sdelay $0x4  }
0x3db: {  	v4 =	vld.idx.msk [tilespmem:v3+s2+$0x0], $0xffff  }
0x3dc: {  	v3 =	vadd.s32 $0x200, v3;
	v6 =	vld.idx.msk [tilespmem:v1+s2+$0x0], $0xffff  }
0x3dd: {  	v1 =	vadd.s32 $0x200, v1;
	v7 =	vld.idx.msk [tilespmem:v2+s2+$0x0], $0xffff  }
0x3de: {  	v2 =	vadd.s32 $0x200, v2;
	v5 =	vld.idx.msk [tilespmem:v0+s2+$0x0], $0xffff  }
0x3df: {  	v0 =	vadd.s32 $0x200, v0  }
0x3e0: {  	[tilespmem:s31+$0x2400] =	vst v4  }
0x3e1: {  	v3 =	vld.idx.msk [tilespmem:v3+s2+$0x0], $0xffff;
	[tilespmem:s12+$0x2400] =	vst v6  }
0x3e2: {  	v1 =	vld.idx.msk [tilespmem:v1+s2+$0x0], $0xffff;
	[tilespmem:s13+$0x2400] =	vst v7  }
0x3e3: {  	v2 =	vld.idx.msk [tilespmem:v2+s2+$0x0], $0xffff;
	[tilespmem:s10+$0x2400] =	vst v5  }
0x3e4: {  	v0 =	vld.idx.msk [tilespmem:v0+s2+$0x0], $0xffff;
	_ =	sdelay $0x1  }
0x3e5: {  	s10 =	sor.u32 $0xC20, s4;
	[tilespmem:s0+$0x2410] =	vst v3  }
0x3e6: {  	s13 =	sor.u32 $0xC20, s7;
	v3 =	vld [tilespmem:s10+$0x400];
	[tilespmem:s3+$0x2410] =	vst v1  }
0x3e7: {  	s15 =	sor.u32 $0xC20, s8;
	v1 =	vld [tilespmem:s13+$0x400];
	[tilespmem:s6+$0x2410] =	vst v2  }
0x3e8: {  	s12 =	sor.u32 $0xC20, s5;
	v2 =	vld [tilespmem:s15+$0x400];
	[tilespmem:s1+$0x2410] =	vst v0  }
0x3e9: {  	v0 =	vld [tilespmem:s12+$0x400];
	_ =	sdelay $0x4  }
0x3ea: {  	v4 =	vld.idx.msk [tilespmem:v3+s2+$0x0], $0xffff  }
0x3eb: {  	v3 =	vadd.s32 $0x200, v3;
	v6 =	vld.idx.msk [tilespmem:v1+s2+$0x0], $0xffff  }
0x3ec: {  	v1 =	vadd.s32 $0x200, v1;
	v7 =	vld.idx.msk [tilespmem:v2+s2+$0x0], $0xffff  }
0x3ed: {  	v2 =	vadd.s32 $0x200, v2;
	v5 =	vld.idx.msk [tilespmem:v0+s2+$0x0], $0xffff  }
0x3ee: {  	v0 =	vadd.s32 $0x200, v0  }
0x3ef: {  	[tilespmem:s10+$0x2400] =	vst v4  }
0x3f0: {  	v3 =	vld.idx.msk [tilespmem:v3+s2+$0x0], $0xffff;
	[tilespmem:s13+$0x2400] =	vst v6  }
0x3f1: {  	v1 =	vld.idx.msk [tilespmem:v1+s2+$0x0], $0xffff;
	[tilespmem:s15+$0x2400] =	vst v7  }
0x3f2: {  	v2 =	vld.idx.msk [tilespmem:v2+s2+$0x0], $0xffff;
	[tilespmem:s12+$0x2400] =	vst v5  }
0x3f3: {  	v0 =	vld.idx.msk [tilespmem:v0+s2+$0x0], $0xffff;
	_ =	sdelay $0x1  }
0x3f4: {  	s16 =	sor.u32 $0xC30, s4;
	[tilespmem:s0+$0x2420] =	vst v3  }
0x3f5: {  	s21 =	sor.u32 $0xC30, s7;
	v3 =	vld [tilespmem:s16+$0x400];
	[tilespmem:s3+$0x2420] =	vst v1  }
0x3f6: {  	s22 =	sor.u32 $0xC30, s8;
	v1 =	vld [tilespmem:s21+$0x400];
	[tilespmem:s6+$0x2420] =	vst v2  }
0x3f7: {  	s17 =	sor.u32 $0xC30, s5;
	v2 =	vld [tilespmem:s22+$0x400];
	[tilespmem:s1+$0x2420] =	vst v0  }
0x3f8: {  	v0 =	vld [tilespmem:s17+$0x400];
	_ =	sdelay $0x3  }
0x3f9: {  	v42 =	vld.idx.msk [tilespmem:v26+s2+$0x0], $0xffff  }
0x3fa: {  	v43 =	vadd.s32 $0x200, v26;
	v4 =	vld.idx.msk [tilespmem:v3+s2+$0x0], $0xffff  }
0x3fb: {  	v3 =	vadd.s32 $0x200, v3;
	v45 =	vld.idx.msk [tilespmem:v1+s2+$0x0], $0xffff  }
0x3fc: {  	v1 =	vadd.s32 $0x200, v1;
	v46 =	vld.idx.msk [tilespmem:v2+s2+$0x0], $0xffff  }
0x3fd: {  	v2 =	vadd.s32 $0x200, v2;
	v44 =	vld.idx.msk [tilespmem:v0+s2+$0x0], $0xffff  }
0x3fe: {  	[tilespmem:s29+$0x2400] =	vst v42;
	v0 =	vadd.s32 $0x200, v0  }
0x3ff: {  	v47 =	vld.idx.msk [tilespmem:v43+s2+$0x0], $0xffff;
	[tilespmem:s16+$0x2400] =	vst v4  }
0x400: {  	v3 =	vld.idx.msk [tilespmem:v3+s2+$0x0], $0xffff;
	[tilespmem:s21+$0x2400] =	vst v45  }
0x401: {  	v1 =	vld.idx.msk [tilespmem:v1+s2+$0x0], $0xffff;
	[tilespmem:s22+$0x2400] =	vst v46  }
0x402: {  	v2 =	vld.idx.msk [tilespmem:v2+s2+$0x0], $0xffff;
	[tilespmem:s17+$0x2400] =	vst v44  }
0x403: {  	v0 =	vld.idx.msk [tilespmem:v0+s2+$0x0], $0xffff  }
0x404: {  	[tilespmem:s20+$0x2430] =	vst v47  }
0x405: {  	s24 =	sor.u32 $0xC40, s4;
	v4 =	vld [tilespmem:s28+$0x400];
	[tilespmem:s0+$0x2430] =	vst v3  }
0x406: {  	s30 =	sor.u32 $0xC40, s7;
	v3 =	vld [tilespmem:s24+$0x400];
	[tilespmem:s3+$0x2430] =	vst v1  }
0x407: {  	s31 =	sor.u32 $0xC40, s8;
	v1 =	vld [tilespmem:s30+$0x400];
	[tilespmem:s6+$0x2430] =	vst v2  }
0x408: {  	s29 =	sor.u32 $0xC40, s5;
	v2 =	vld [tilespmem:s31+$0x400];
	[tilespmem:s1+$0x2430] =	vst v0  }
0x409: {  	v0 =	vld [tilespmem:s29+$0x400];
	_ =	sdelay $0x3  }
0x40a: {  	v49 =	vld.idx.msk [tilespmem:v4+s2+$0x0], $0xffff  }
0x40b: {  	v4 =	vadd.s32 $0x200, v4;
	v48 =	vld.idx.msk [tilespmem:v3+s2+$0x0], $0xffff  }
0x40c: {  	v3 =	vadd.s32 $0x200, v3;
	v8 =	vld.idx.msk [tilespmem:v1+s2+$0x0], $0xffff  }
0x40d: {  	v1 =	vadd.s32 $0x200, v1;
	v9 =	vld.idx.msk [tilespmem:v2+s2+$0x0], $0xffff  }
0x40e: {  	v2 =	vadd.s32 $0x200, v2;
	v7 =	vld.idx.msk [tilespmem:v0+s2+$0x0], $0xffff  }
0x40f: {  	[tilespmem:s28+$0x2400] =	vst v49;
	v0 =	vadd.s32 $0x200, v0  }
0x410: {  	v4 =	vld.idx.msk [tilespmem:v4+s2+$0x0], $0xffff;
	[tilespmem:s24+$0x2400] =	vst v48  }
0x411: {  	v3 =	vld.idx.msk [tilespmem:v3+s2+$0x0], $0xffff;
	[tilespmem:s30+$0x2400] =	vst v8  }
0x412: {  	v1 =	vld.idx.msk [tilespmem:v1+s2+$0x0], $0xffff;
	[tilespmem:s31+$0x2400] =	vst v9  }
0x413: {  	v2 =	vld.idx.msk [tilespmem:v2+s2+$0x0], $0xffff;
	[tilespmem:s29+$0x2400] =	vst v7  }
0x414: {  	v0 =	vld.idx.msk [tilespmem:v0+s2+$0x0], $0xffff  }
0x415: {  	[tilespmem:s20+$0x2440] =	vst v4  }
0x416: {  	s12 =	sor.u32 $0xC50, s4;
	v4 =	vld [tilespmem:s26+$0x400];
	[tilespmem:s0+$0x2440] =	vst v3  }
0x417: {  	s15 =	sor.u32 $0xC50, s7;
	v3 =	vld [tilespmem:s12+$0x400];
	[tilespmem:s3+$0x2440] =	vst v1  }
0x418: {  	s16 =	sor.u32 $0xC50, s8;
	v1 =	vld [tilespmem:s15+$0x400];
	[tilespmem:s6+$0x2440] =	vst v2  }
0x419: {  	s13 =	sor.u32 $0xC50, s5;
	v2 =	vld [tilespmem:s16+$0x400];
	[tilespmem:s1+$0x2440] =	vst v0  }
0x41a: {  	v0 =	vld [tilespmem:s13+$0x400];
	_ =	sdelay $0x3  }
0x41b: {  	v6 =	vld.idx.msk [tilespmem:v4+s2+$0x0], $0xffff  }
0x41c: {  	v4 =	vadd.s32 $0x200, v4;
	v5 =	vld.idx.msk [tilespmem:v3+s2+$0x0], $0xffff  }
0x41d: {  	v3 =	vadd.s32 $0x200, v3;
	v8 =	vld.idx.msk [tilespmem:v1+s2+$0x0], $0xffff  }
0x41e: {  	v1 =	vadd.s32 $0x200, v1;
	v9 =	vld.idx.msk [tilespmem:v2+s2+$0x0], $0xffff  }
0x41f: {  	v2 =	vadd.s32 $0x200, v2;
	v7 =	vld.idx.msk [tilespmem:v0+s2+$0x0], $0xffff  }
0x420: {  	[tilespmem:s26+$0x2400] =	vst v6;
	v0 =	vadd.s32 $0x200, v0  }
0x421: {  	v4 =	vld.idx.msk [tilespmem:v4+s2+$0x0], $0xffff;
	[tilespmem:s12+$0x2400] =	vst v5  }
0x422: {  	v3 =	vld.idx.msk [tilespmem:v3+s2+$0x0], $0xffff;
	[tilespmem:s15+$0x2400] =	vst v8  }
0x423: {  	v1 =	vld.idx.msk [tilespmem:v1+s2+$0x0], $0xffff;
	[tilespmem:s16+$0x2400] =	vst v9  }
0x424: {  	v2 =	vld.idx.msk [tilespmem:v2+s2+$0x0], $0xffff;
	[tilespmem:s13+$0x2400] =	vst v7  }
0x425: {  	v0 =	vld.idx.msk [tilespmem:v0+s2+$0x0], $0xffff  }
0x426: {  	v56 =	vld.idx.msk [tilespmem:v13+s2+$0x0], $0xffff;
	[tilespmem:s20+$0x2450] =	vst v4  }
0x427: {  	s17 =	sor.u32 $0xC60, s4;
	v4 =	vld [tilespmem:s25+$0x400];
	[tilespmem:s0+$0x2450] =	vst v3  }
0x428: {  	s22 =	sor.u32 $0xC60, s7;
	v3 =	vld [tilespmem:s17+$0x400];
	[tilespmem:s3+$0x2450] =	vst v1  }
0x429: {  	s24 =	sor.u32 $0xC60, s8;
	v1 =	vld [tilespmem:s22+$0x400];
	[tilespmem:s6+$0x2450] =	vst v2  }
0x42a: {  	s21 =	sor.u32 $0xC60, s5;
	v2 =	vld [tilespmem:s24+$0x400];
	[tilespmem:s1+$0x2450] =	vst v0  }
0x42b: {  	v0 =	vld [tilespmem:s21+$0x400];
	_ =	sdelay $0x1  }
0x42c: {  	[tilespmem:s14+$0x2460] =	vst v56  }
0x42d: {  	v6 =	vld [tilespmem:s23+$0x400]  }
0x42e: {  	v52 =	vld.idx.msk [tilespmem:v4+s2+$0x0], $0xffff  }
0x42f: {  	v4 =	vadd.s32 $0x200, v4;
	v51 =	vld.idx.msk [tilespmem:v3+s2+$0x0], $0xffff  }
0x430: {  	v3 =	vadd.s32 $0x200, v3;
	v54 =	vld.idx.msk [tilespmem:v1+s2+$0x0], $0xffff  }
0x431: {  	v1 =	vadd.s32 $0x200, v1;
	v55 =	vld.idx.msk [tilespmem:v2+s2+$0x0], $0xffff  }
0x432: {  	v2 =	vadd.s32 $0x200, v2;
	v53 =	vld.idx.msk [tilespmem:v0+s2+$0x0], $0xffff  }
0x433: {  	[tilespmem:s25+$0x2400] =	vst v52;
	v0 =	vadd.s32 $0x200, v0  }
0x434: {  	v4 =	vld.idx.msk [tilespmem:v4+s2+$0x0], $0xffff;
	[tilespmem:s17+$0x2400] =	vst v51  }
0x435: {  	v3 =	vld.idx.msk [tilespmem:v3+s2+$0x0], $0xffff;
	[tilespmem:s22+$0x2400] =	vst v54  }
0x436: {  	v1 =	vld.idx.msk [tilespmem:v1+s2+$0x0], $0xffff;
	[tilespmem:s24+$0x2400] =	vst v55  }
0x437: {  	v2 =	vld.idx.msk [tilespmem:v2+s2+$0x0], $0xffff;
	[tilespmem:s21+$0x2400] =	vst v53  }
0x438: {  	v0 =	vld.idx.msk [tilespmem:v0+s2+$0x0], $0xffff  }
0x439: {  	v58 =	vld.idx.msk [tilespmem:v6+s2+$0x0], $0xffff;
	[tilespmem:s20+$0x2460] =	vst v4  }
0x43a: {  	s4 =	sor.u32 $0xC70, s4;
	v7 =	vld [tilespmem:s18+$0x400];
	[tilespmem:s0+$0x2460] =	vst v3  }
0x43b: {  	s7 =	sor.u32 $0xC70, s7;
	v3 =	vld [tilespmem:s4+$0x400];
	[tilespmem:s3+$0x2460] =	vst v1  }
0x43c: {  	s8 =	sor.u32 $0xC70, s8;
	v6 =	vadd.s32 $0x200, v6;
	v1 =	vld [tilespmem:s7+$0x400];
	[tilespmem:s6+$0x2460] =	vst v2  }
0x43d: {  	s5 =	sor.u32 $0xC70, s5;
	v2 =	vld [tilespmem:s8+$0x400];
	[tilespmem:s1+$0x2460] =	vst v0  }
0x43e: {  	v0 =	vld [tilespmem:s5+$0x400];
	_ =	sdelay $0x1  }
0x43f: {  	v50 =	vld.idx.msk [tilespmem:v28+s2+$0x0], $0xffff;
	[tilespmem:s23+$0x2400] =	vst v58  }
0x440: {  	v6 =	vld.idx.msk [tilespmem:v6+s2+$0x0], $0xffff  }
0x441: {  	v57 =	vadd.s32 $0x200, v28;
	v60 =	vld.idx.msk [tilespmem:v7+s2+$0x0], $0xffff  }
0x442: {  	v7 =	vadd.s32 $0x200, v7;
	v59 =	vld.idx.msk [tilespmem:v3+s2+$0x0], $0xffff  }
0x443: {  	v3 =	vadd.s32 $0x200, v3;
	v62 =	vld.idx.msk [tilespmem:v1+s2+$0x0], $0xffff  }
0x444: {  	[tilespmem:s9+$0x2400] =	vst v50;
	v1 =	vadd.s32 $0x200, v1;
	v63 =	vld.idx.msk [tilespmem:v2+s2+$0x0], $0xffff  }
0x445: {  	[tilespmem:s14+$0x2470] =	vst v6;
	v2 =	vadd.s32 $0x200, v2;
	v61 =	vld.idx.msk [tilespmem:v0+s2+$0x0], $0xffff  }
0x446: {  	v4 =	vld.idx.msk [tilespmem:v57+s2+$0x0], $0xffff;
	[tilespmem:s18+$0x2400] =	vst v60;
	v0 =	vadd.s32 $0x200, v0  }
0x447: {  	v7 =	vld.idx.msk [tilespmem:v7+s2+$0x0], $0xffff;
	[tilespmem:s4+$0x2400] =	vst v59  }
0x448: {  	v3 =	vld.idx.msk [tilespmem:v3+s2+$0x0], $0xffff;
	[tilespmem:s7+$0x2400] =	vst v62  }
0x449: {  	v1 =	vld.idx.msk [tilespmem:v1+s2+$0x0], $0xffff;
	[tilespmem:s8+$0x2400] =	vst v63  }
0x44a: {  	v2 =	vld.idx.msk [tilespmem:v2+s2+$0x0], $0xffff;
	[tilespmem:s5+$0x2400] =	vst v61  }
0x44b: {  	[tilespmem:s19+$0x2470] =	vst v4;
	v0 =	vld.idx.msk [tilespmem:v0+s2+$0x0], $0xffff  }
0x44c: {  	[tilespmem:s20+$0x2470] =	vst v7  }
0x44d: {  	[tilespmem:s0+$0x2470] =	vst v3  }
0x44e: {  	[tilespmem:s3+$0x2470] =	vst v1  }
0x44f: {  	[tilespmem:s6+$0x2470] =	vst v2  }
0x450: {  	[tilespmem:s1+$0x2470] =	vst v0  }
0x451: {  	s26 =	simm.s32 $0x2400;
	s3 =	simm.s32 $0x1;
	s0 =	rddreg [dreg:$0x8]  }
0x452: {  	[hbm4b:s0+s2] =	stream.linear.scatter [tilespmem:s26], [sflag:$0x1], $0x2000, $0x38;
	[tilespmem:$0x6400] =	vst v63  }
0x453: {  	_ =	swait.ge [sflag:s3], $0x2000  }
0x454: {  	[sflag:s3] =	ssyncset.done $0x0  }
0x455: {  	s29 =	simm.s32 $0x4400;
	s28 =	rddreg [dreg:$0xa];
	[sflag:s3] =	ssyncadd.s32 $0xFFFFE000  }
0x456: {  	[hbm4b:s28+s2] =	stream.linear.scatter [tilespmem:s29], [sflag:$0x1], $0x2000, $0x38;
	[tilespmem:$0x6400] =	vst v63  }
0x457: {  	_ =	swait.ge [sflag:s3], $0x2000  }
0x458: {  	s30 =	rddreg [dreg:$0xc]  }
0x459: {  	s31 =	rddreg [dreg:$0xb];
	s1 =	sadd.s32 $0x1, s30  }
0x45a: {  	p0 =	sne.s32 s1, s31  }
.Ltmp1:
0x45b: {  	_ = 	snop;
	(pc) =	sbr.rel @p0 .LBB2_1-.Ltmp1, $3  }
0x45c: {  	_ =	sdelay $0x1  }
0x45d: {  	[sflag:s3] =	ssyncset.done $0x0  }
0x45e: {  	[sflag:s3] =	ssyncadd.s32 $0xFFFFE000  }
0x45f: {  	_ =	sfence.sel $0x180000  }
0x460: {  	[bflag:$0x0] =	sbarrier.arrive $0xFFFF  }
0x461: {  	_ =	strace $0x90000047  }
0x462: {  	s0 =	stileid.u32;
	[bflag:$0x2] =	sbarrier.arrive $0xFFFF  }
0x463: {  	p0 =	sne.s32 s0, $0x0;
	s0 =	rddreg [dreg:$0x3]  }
0x464: {  	s0 =	sadd.s32 @!p0 $0x100000, s0  }
0x465: {  	[sflag:s0] =	ssyncadd.tile.s32 @!p0 $0x1;
	_ =	shalt  }
.Lfunc_end2:
_tile_overlayer_lowered:
.L_overlay_start_2:
0x466: {  	(tag) =	ssettag $0x2  }
0x467: {  	s0 =	rddreg [dreg:$0x0];
	s2 =	stileid.u32  }
0x468: {  	s1 =	rddreg [dreg:$0x1];
	p0 =	sne.s32 s2, $0x0  }
0x469: {  	s3 =	rddreg [dreg:$0x2];
	[bflag:$0x3] =	sbarrier.arrive $0xFFFF;
	s2 =	simm.s32 @!p0 $0x1C01  }
0x46a: {  	[timem:s3], [sflag:s2] =	dma.local @!p0 [hbm:s0], s1  }
0x46b: {  	s0 =	simm.s32 @!p0 $0x1  }
0x46c: {  	_ =	swait.ge @!p0 [sflag:s0], s1  }
0x46d: {  	s1 =	ssub.s32 @!p0 $0x0, s1;
	[sflag:s0] =	ssyncset.done @!p0 $0x0  }
0x46e: {  	[sflag:s0] =	ssyncadd.s32 @!p0 s1  }
0x46f: {  	[bflag:$0x3] =	sbarrier.arrive $0xFFFF  }
0x470: {  	_ =	shalt  }

</sc_bundles>
